<compile_context>
chip_gen: v7x
topology: tpu7x:2x2x1
jax: 0.10.2.dev20260603
libtpu: 0.0.44.dev20260713+nightly
codegen_flags: <defaults>
</compile_context>

<pallas_src>
import functools

import numpy as np
import jax
import jax.numpy as jnp
from jax import lax
from jax.experimental import pallas as pl
from jax.experimental.pallas import tpu as pltpu
from jax.experimental.pallas import tpu_sc as plsc

_DEPTH = 8
_PATCH = 512
_H = 4
_NB = 8


def _zcode_body(cx_ref, cy_ref, cz_ref, b_ref, out_ref):
    cx, cy, cz = cx_ref[...], cy_ref[...], cz_ref[...]
    gx = jnp.clip(jnp.floor((cx - jnp.min(cx)) * 256.0).astype(jnp.int32), 0, 255)
    gy = jnp.clip(jnp.floor((cy - jnp.min(cy)) * 256.0).astype(jnp.int32), 0, 255)
    gz = jnp.clip(jnp.floor((cz - jnp.min(cz)) * 256.0).astype(jnp.int32), 0, 255)
    code = jnp.zeros_like(gx)
    for i in range(_DEPTH):
        code = code | (((gx >> i) & 1) << (3 * i))
        code = code | (((gy >> i) & 1) << (3 * i + 1))
        code = code | (((gz >> i) & 1) << (3 * i + 2))
    out_ref[...] = code | (b_ref[...] << (3 * _DEPTH))


def _zcode(cx, cy, cz, bb):
    return pl.pallas_call(
        _zcode_body,
        out_shape=jax.ShapeDtypeStruct(cx.shape, jnp.int32),
    )(cx, cy, cz, bb)


def _embed_body(f_ref, w_ref, b_ref, out_ref):
    r = (jnp.dot(f_ref[...], w_ref[...], preferred_element_type=jnp.float32)
         + b_ref[...])
    out_ref[...] = jnp.concatenate([r, jnp.zeros_like(r)], axis=1)


def _embed(feat, w, b):
    n, cin = feat.shape
    c = w.shape[1]
    blk = 2048
    return pl.pallas_call(
        _embed_body,
        grid=(n // blk,),
        in_specs=[
            pl.BlockSpec((blk, cin), lambda i: (i, 0)),
            pl.BlockSpec((cin, c), lambda i: (0, 0)),
            pl.BlockSpec((1, c), lambda i: (0, 0)),
        ],
        out_specs=pl.BlockSpec((blk, 2 * c), lambda i: (i, 0)),
        out_shape=jax.ShapeDtypeStruct((n, 2 * c), jnp.float32),
    )(feat, w, b)


def _attn_body(x_ref, g_ref, b_ref, qw_ref, qb_ref, pw_ref, pb_ref, out_ref,
               *, c, scale):
    xs = x_ref[:, :c]
    mu = jnp.mean(xs, axis=1, keepdims=True)
    var = jnp.mean(jnp.square(xs - mu), axis=1, keepdims=True)
    h = (xs - mu) * lax.rsqrt(var + 1e-5) * g_ref[...] + b_ref[...]
    qkv = jnp.dot(h.astype(jnp.bfloat16), qw_ref[...].astype(jnp.bfloat16),
                  preferred_element_type=jnp.float32) + qb_ref[...]
    hd = c // _H
    qkv16 = qkv.astype(jnp.bfloat16)
    outs = []
    for head in range(_H):
        q = qkv16[:, head * hd:(head + 1) * hd]
        k = qkv16[:, c + head * hd:c + (head + 1) * hd]
        v = qkv16[:, 2 * c + head * hd:2 * c + (head + 1) * hd]
        s = lax.dot_general(q, k, (((1,), (1,)), ((), ())),
                            preferred_element_type=jnp.float32) * scale
        e = jnp.exp(s)
        rs = jnp.sum(e, axis=1, keepdims=True)
        ov = jnp.dot(e.astype(jnp.bfloat16), v,
                     preferred_element_type=jnp.float32)
        outs.append(ov / rs)
    o = jnp.concatenate(outs, axis=1)
    r = jnp.dot(o.astype(jnp.bfloat16), pw_ref[...].astype(jnp.bfloat16),
                preferred_element_type=jnp.float32) + pb_ref[...]
    out_ref[...] = jnp.concatenate([r, jnp.zeros_like(r)], axis=1)


def _attn(xs, g, b, qw, qb, pw, pb):
    np_ = xs.shape[0]
    c = xs.shape[1] // 2
    body = functools.partial(_attn_body, c=c, scale=1.0 / np.sqrt(c // _H))
    return pl.pallas_call(
        body,
        grid=(np_ // _PATCH,),
        in_specs=[
            pl.BlockSpec((_PATCH, 2 * c), lambda i: (i, 0)),
            pl.BlockSpec((1, c), lambda i: (0, 0)),
            pl.BlockSpec((1, c), lambda i: (0, 0)),
            pl.BlockSpec((c, 3 * c), lambda i: (0, 0)),
            pl.BlockSpec((1, 3 * c), lambda i: (0, 0)),
            pl.BlockSpec((c, c), lambda i: (0, 0)),
            pl.BlockSpec((1, c), lambda i: (0, 0)),
        ],
        out_specs=pl.BlockSpec((_PATCH, 2 * c), lambda i: (i, 0)),
        out_shape=jax.ShapeDtypeStruct((np_, 2 * c), jnp.float32),
    )(xs, g, b, qw, qb, pw, pb)


def _mlp_body(x_ref, o_ref, g_ref, b_ref, w1_ref, b1_ref, w2_ref, b2_ref,
              out_ref, *, c):
    x = x_ref[:, :c] + o_ref[:, :c]
    mu = jnp.mean(x, axis=1, keepdims=True)
    var = jnp.mean(jnp.square(x - mu), axis=1, keepdims=True)
    h = (x - mu) * lax.rsqrt(var + 1e-5) * g_ref[...] + b_ref[...]
    m = jax.nn.gelu(
        jnp.dot(h, w1_ref[...], preferred_element_type=jnp.float32) + b1_ref[...]
    )
    r = x + (
        jnp.dot(m, w2_ref[...], preferred_element_type=jnp.float32) + b2_ref[...]
    )
    out_ref[...] = jnp.concatenate([r, jnp.zeros_like(r)], axis=1)


def _mlp(x, o, g, b, w1, b1, w2, b2):
    n = x.shape[0]
    c = x.shape[1] // 2
    hid = w1.shape[1]
    blk = next(b for b in (2048, 2496, 1664, 1024, 512) if n % b == 0)
    return pl.pallas_call(
        functools.partial(_mlp_body, c=c),
        grid=(n // blk,),
        in_specs=[
            pl.BlockSpec((blk, 2 * c), lambda i: (i, 0)),
            pl.BlockSpec((blk, 2 * c), lambda i: (i, 0)),
            pl.BlockSpec((1, c), lambda i: (0, 0)),
            pl.BlockSpec((1, c), lambda i: (0, 0)),
            pl.BlockSpec((c, hid), lambda i: (0, 0)),
            pl.BlockSpec((1, hid), lambda i: (0, 0)),
            pl.BlockSpec((hid, c), lambda i: (0, 0)),
            pl.BlockSpec((1, c), lambda i: (0, 0)),
        ],
        out_specs=pl.BlockSpec((blk, 2 * c), lambda i: (i, 0)),
        out_shape=jax.ShapeDtypeStruct((n, 2 * c), jnp.float32),
    )(x, o, g, b, w1, b1, w2, b2)


def _row_gather(table, idx):
    b = idx.shape[0]
    d = table.shape[1]
    info = plsc.get_sparse_core_info()
    nw = info.num_cores * info.num_subcores
    b_per_w = b // nw
    nch = next(n for n in (16, 13, 12, 8, 6, 4, 2, 1)
               if b_per_w % n == 0 and (b_per_w // n) % 8 == 0)
    chunk = b_per_w // nch
    mesh = plsc.VectorSubcoreMesh(core_axis_name="c", subcore_axis_name="s")

    @functools.partial(
        pl.kernel,
        mesh=mesh,
        out_type=jax.ShapeDtypeStruct((b, d), jnp.float32),
        scratch_types=[
            pltpu.VMEM((b_per_w,), jnp.int32),
            pltpu.VMEM((b_per_w, d), jnp.float32),
            pltpu.SemaphoreType.DMA,
            pltpu.SemaphoreType.DMA,
            pltpu.SemaphoreType.DMA,
            pltpu.SemaphoreType.DMA,
            pltpu.SemaphoreType.DMA,
        ],
    )
    def k(table_hbm, idx_hbm, out_hbm, idx_v, rows_v, g0, g1, g2, g3, ssem):
        wid = lax.axis_index("s") * info.num_cores + lax.axis_index("c")
        base = wid * b_per_w
        pltpu.sync_copy(idx_hbm.at[pl.ds(base, b_per_w)], idx_v)
        gsem = (g0, g1, g2, g3)
        gh = []
        for i in range(nch):
            gh.append(pltpu.async_copy(
                table_hbm.at[idx_v.at[pl.ds(i * chunk, chunk)]],
                rows_v.at[pl.ds(i * chunk, chunk)], gsem[i % 4]))
        for h in gh:
            h.wait()
        pltpu.async_copy(rows_v, out_hbm.at[pl.ds(base, b_per_w)], ssem).wait()

    return k(table, idx)


def _pad_indices(batch, k):
    total = batch.shape[0]
    counts = jnp.bincount(batch, length=_NB)
    cp = ((counts + k - 1) // k) * k
    ends_p = jnp.cumsum(cp)
    starts_p = ends_p - cp
    ends = jnp.cumsum(counts)
    starts = ends - counts
    npad = ((total + _NB * (k - 1)) // k) * k
    p = jnp.arange(npad)
    b = jnp.minimum(jnp.searchsorted(ends_p, p, side="right"), _NB - 1)
    j = p - starts_p[b]
    c = counts[b]
    valid = (j < cp[b]) & (c > 0)
    pad_idx = jnp.where(valid, starts[b] + j % jnp.maximum(c, 1), 0)
    fix_idx = starts_p[b] + j % jnp.maximum(c, 1)
    i = jnp.arange(total)
    b2 = jnp.minimum(jnp.searchsorted(ends, i, side="right"), _NB - 1)
    unpad_idx = starts_p[b2] + (i - starts[b2])
    return (pad_idx.astype(jnp.int32), unpad_idx.astype(jnp.int32),
            fix_idx.astype(jnp.int32))


def kernel(coord, feat, batch, W_embed, b_embed, ln1_g, ln1_b, qkv_w, qkv_b,
           proj_w, proj_b, ln2_g, ln2_b, fc1_w, fc1_b, fc2_w, fc2_b):
    n = coord.shape[0]
    c = W_embed.shape[1]
    hid = fc1_w.shape[2]
    side = 128
    assert n == side * side

    cx = coord[:, 0].reshape(side, side)
    cy = coord[:, 1].reshape(side, side)
    cz = coord[:, 2].reshape(side, side)
    bb = batch.astype(jnp.int32).reshape(side, side)
    code = _zcode(cx, cy, cz, bb).reshape(n)

    order = jnp.argsort(code).astype(jnp.int32)
    inverse = jnp.zeros((n,), jnp.int32).at[order].set(
        jnp.arange(n, dtype=jnp.int32))
    pad_idx, unpad_idx, fix_idx = _pad_indices(batch, _PATCH)
    sidx = order[pad_idx]
    out_idx = unpad_idx[inverse]

    x = _embed(feat, W_embed, b_embed.reshape(1, c))
    xp = _row_gather(x, sidx)
    nblk = qkv_w.shape[0]
    for blk in range(nblk):
        o = _attn(xp, ln1_g[blk].reshape(1, c), ln1_b[blk].reshape(1, c),
                  qkv_w[blk], qkv_b[blk].reshape(1, 3 * c),
                  proj_w[blk], proj_b[blk].reshape(1, c))
        of = _row_gather(o, fix_idx) if blk < nblk - 1 else o
        xp = _mlp(xp, of, ln2_g[blk].reshape(1, c), ln2_b[blk].reshape(1, c),
                  fc1_w[blk], fc1_b[blk].reshape(1, hid),
                  fc2_w[blk], fc2_b[blk].reshape(1, c))
    out = _row_gather(xp, out_idx)
    return out[:, :c]

# --- scband reference (transcript-rebuilt; emitter-appended) ---
"""Pipeline reference for scband-point-transformer-v3-55825984913721 (READ-ONLY COPY).

The authoritative reference and input builder live on the scoring server;
editing this copy changes nothing except your own understanding.
"""

import jax, jax.numpy as jnp
import numpy as np

DEPTH = 8
PATCH = 512
NUM_HEADS = 4
NBLK = 2
NUM_BATCHES = 8


def z_encode(grid, batch):
    code = jnp.zeros(grid.shape[0], dtype=jnp.int32)
    for i in range(DEPTH):
        code = code | (((grid[:, 0] >> i) & 1) << (3 * i))
        code = code | (((grid[:, 1] >> i) & 1) << (3 * i + 1))
        code = code | (((grid[:, 2] >> i) & 1) << (3 * i + 2))
    return code | (batch.astype(jnp.int32) << (3 * DEPTH))


def layer_norm(x, g, b):
    mu = jnp.mean(x, axis=-1, keepdims=True)
    var = jnp.var(x, axis=-1, keepdims=True)
    return (x - mu) / jnp.sqrt(var + 1e-5) * g + b


def build_pad(batch, K):
    total = batch.shape[0]
    counts = jnp.bincount(batch, length=NUM_BATCHES)
    cp = ((counts + K - 1) // K) * K
    ends_p = jnp.cumsum(cp)
    starts_p = ends_p - cp
    ends = jnp.cumsum(counts)
    starts = ends - counts
    NP = ((total + NUM_BATCHES * (K - 1)) // K) * K
    p = jnp.arange(NP)
    b = jnp.minimum(jnp.searchsorted(ends_p, p, side='right'), NUM_BATCHES - 1)
    j = p - starts_p[b]
    c = counts[b]
    valid = (j < cp[b]) & (c > 0)
    pad_idx = jnp.where(valid, starts[b] + j % jnp.maximum(c, 1), 0)
    i = jnp.arange(total)
    b2 = jnp.minimum(jnp.searchsorted(ends, i, side='right'), NUM_BATCHES - 1)
    unpad_idx = starts_p[b2] + (i - starts[b2])
    return pad_idx.astype(jnp.int32), unpad_idx.astype(jnp.int32)


def setup_inputs(seed: int = 0):
    key = jax.random.key(seed)
    ks = jax.random.split(key, 10)
    N = 16384
    Cin = 6
    C = 64
    hidden = C * 4
    s = 0.02
    coord = jax.random.uniform(ks[0], (N, 3), dtype=jnp.float32)
    feat = jax.random.normal(ks[1], (N, Cin), dtype=jnp.float32)
    batch = jnp.sort(jax.random.randint(ks[2], (N,), 0, 8))
    return {
        'coord': coord,
        'feat': feat,
        'batch': batch,
        'W_embed': jax.random.normal(ks[3], (Cin, C), dtype=jnp.float32) * s,
        'b_embed': jnp.zeros((C,), dtype=jnp.float32),
        'ln1_g': jnp.ones((NBLK, C), dtype=jnp.float32),
        'ln1_b': jnp.zeros((NBLK, C), dtype=jnp.float32),
        'qkv_w': jax.random.normal(ks[4], (NBLK, C, 3 * C), dtype=jnp.float32) * s,
        'qkv_b': jnp.zeros((NBLK, 3 * C), dtype=jnp.float32),
        'proj_w': jax.random.normal(ks[5], (NBLK, C, C), dtype=jnp.float32) * s,
        'proj_b': jnp.zeros((NBLK, C), dtype=jnp.float32),
        'ln2_g': jnp.ones((NBLK, C), dtype=jnp.float32),
        'ln2_b': jnp.zeros((NBLK, C), dtype=jnp.float32),
        'fc1_w': jax.random.normal(ks[6], (NBLK, C, hidden), dtype=jnp.float32) * s,
        'fc1_b': jnp.zeros((NBLK, hidden), dtype=jnp.float32),
        'fc2_w': jax.random.normal(ks[7], (NBLK, hidden, C), dtype=jnp.float32) * s,
        'fc2_b': jnp.zeros((NBLK, C), dtype=jnp.float32),
    }


def reference(coord, feat, batch, W_embed, b_embed, ln1_g, ln1_b, qkv_w, qkv_b,
              proj_w, proj_b, ln2_g, ln2_b, fc1_w, fc1_b, fc2_w, fc2_b):
    # serialization: grid coords (grid_size = 1/256) -> z-order code -> sort
    grid = jnp.clip(jnp.floor((coord - coord.min(axis=0)) * 256.0).astype(jnp.int32), 0, 255)
    code = z_encode(grid, batch)
    order = jnp.argsort(code)
    inverse = jnp.argsort(order)
    pad_idx, unpad_idx = build_pad(batch, PATCH)
    C = W_embed.shape[1]
    H = NUM_HEADS
    hd = C // H
    scale = 1.0 / np.sqrt(hd)
    # embedding
    x = feat @ W_embed + b_embed
    for blk in range(NBLK):
        # serialized attention: gather sorted + per-batch pad to multiple of PATCH
        xs = x[order][pad_idx]
        Np = xs.shape[0]
        P = Np // PATCH
        h = layer_norm(xs, ln1_g[blk], ln1_b[blk])
        qkv = (h @ qkv_w[blk] + qkv_b[blk]).reshape(P, PATCH, 3, H, hd)
        q = qkv[:, :, 0].transpose(0, 2, 1, 3)
        k = qkv[:, :, 1].transpose(0, 2, 1, 3)
        v = qkv[:, :, 2].transpose(0, 2, 1, 3)
        attn = jax.nn.softmax(jnp.einsum('phqd,phkd->phqk', q, k) * scale, axis=-1)
        o = jnp.einsum('phqk,phkd->phqd', attn, v).transpose(0, 2, 1, 3).reshape(Np, C)
        o = o @ proj_w[blk] + proj_b[blk]
        # unpad + inverse-permute back to original point order, residual add
        x = x + o[unpad_idx][inverse]
        # MLP
        h2 = layer_norm(x, ln2_g[blk], ln2_b[blk])
        m = jax.nn.gelu(h2 @ fc1_w[blk] + fc1_b[blk]) @ fc2_w[blk] + fc2_b[blk]
        x = x + m
    return x

if __name__ == "__main__":
    import jax
    _d = setup_inputs()
    print(jax.jit(kernel)(*tuple(_d.values())))

</pallas_src>

<mosaic_0001>
#map = affine_map<(d0, d1) -> (0, 0)>
#map1 = affine_map<(d0, d1) -> (0)>
module attributes {stable_mosaic.version = 14 : i64} {
  func.func @k(%arg0: i32, %arg1: i32, %arg2: memref<19968x128xf32, #tpu.memory_space<hbm>>, %arg3: memref<19968xi32, #tpu.memory_space<hbm>>, %arg4: memref<19968x128xf32, #tpu.memory_space<hbm>>, %arg5: memref<624xi32, #tpu.memory_space<vmem>>, %arg6: memref<624x128xf32, #tpu.memory_space<vmem>>, %arg7: memref<!tpu.dma_semaphore, #tpu.memory_space<semaphore_mem>>, %arg8: memref<!tpu.dma_semaphore, #tpu.memory_space<semaphore_mem>>, %arg9: memref<!tpu.dma_semaphore, #tpu.memory_space<semaphore_mem>>, %arg10: memref<!tpu.dma_semaphore, #tpu.memory_space<semaphore_mem>>, %arg11: memref<!tpu.dma_semaphore, #tpu.memory_space<semaphore_mem>>) attributes {dimension_semantics = [#tpu.dimension_semantics<core_parallel>, #tpu.dimension_semantics<subcore_parallel>], iteration_bounds = array<i64: 2, 16>, scalar_prefetch = 0 : i64, scratch_operands = 7 : i64, tpu.core_type = #tpu.core_type<sc_vector_subcore>, window_params = [{transform_indices = #map}, {transform_indices = #map1}, {transform_indices = #map}]} {
    %mul3A = arith.constant 2 : i32
    %mul3A_0 = arith.muli %arg1, %mul3A : i32
    %add3A = arith.addi %mul3A_0, %arg0 : i32
    %mul3A_1 = arith.constant 624 : i32
    %mul3A_2 = arith.muli %add3A, %mul3A_1 : i32
    "tpu.region"() ({
      %run_scoped3A = tpu.sem_alloc : memref<!tpu.dma_semaphore, #tpu.memory_space<semaphore_mem>>
      %dma_start3A_217 = tpu.memref_slice %arg3[%mul3A_2] : memref<19968xi32, #tpu.memory_space<hbm>> -> memref<624xi32, #tpu.memory_space<hbm>>
      %dma_start3A_218 = tpu.memref_slice %arg3[%mul3A_2] : memref<19968xi32, #tpu.memory_space<hbm>> -> memref<624xi32, #tpu.memory_space<hbm>>
      tpu.enqueue_dma source(%dma_start3A_218 : memref<624xi32, #tpu.memory_space<hbm>>) target(%arg5 : memref<624xi32, #tpu.memory_space<vmem>>) target_semaphore(%run_scoped3A : memref<!tpu.dma_semaphore, #tpu.memory_space<semaphore_mem>>)
      %dma_wait3A_219 = tpu.memref_slice %arg3[%mul3A_2] : memref<19968xi32, #tpu.memory_space<hbm>> -> memref<624xi32, #tpu.memory_space<hbm>>
      %dma_wait3A_220 = tpu.memref_slice %arg3[%mul3A_2] : memref<19968xi32, #tpu.memory_space<hbm>> -> memref<624xi32, #tpu.memory_space<hbm>>
      tpu.wait_dma2 semaphore(%run_scoped3A : memref<!tpu.dma_semaphore, #tpu.memory_space<semaphore_mem>>) src(%dma_wait3A_220 : memref<624xi32, #tpu.memory_space<hbm>>) dst(%arg5 : memref<624xi32, #tpu.memory_space<vmem>>)
      tpu.yield
    }) : () -> ()
    %dma_start3A = arith.constant 0 : i32
    %dma_start3A_3 = arith.constant 0 : i32
    %dma_start3A_4 = tpu.memref_slice %arg6[%dma_start3A, %dma_start3A_3] : memref<624x128xf32, #tpu.memory_space<vmem>> -> memref<48x128xf32, #tpu.memory_space<vmem>>
    %dma_start3A_5 = arith.constant 0 : i32
    %dma_start3A_6 = tpu.memref_slice %arg5[%dma_start3A_5] : memref<624xi32, #tpu.memory_space<vmem>> -> memref<48xi32, #tpu.memory_space<vmem>>
    %dma_start3A_7 = arith.constant 0 : i32
    %dma_start3A_8 = arith.constant 0 : i32
    %dma_start3A_9 = tpu.memref_slice %arg2[%dma_start3A_7, %dma_start3A_8] : memref<19968x128xf32, #tpu.memory_space<hbm>> -> memref<19968x128xf32, #tpu.memory_space<hbm>>
    tpu.enqueue_indirect_dma source(%dma_start3A_9 : memref<19968x128xf32, #tpu.memory_space<hbm>>) target(%dma_start3A_4 : memref<48x128xf32, #tpu.memory_space<vmem>>) offsets(%dma_start3A_6 : memref<48xi32, #tpu.memory_space<vmem>>) semaphore(%arg7 : memref<!tpu.dma_semaphore, #tpu.memory_space<semaphore_mem>>)
    %dma_start3A_10 = arith.constant 48 : i32
    %dma_start3A_11 = arith.constant 0 : i32
    %dma_start3A_12 = tpu.memref_slice %arg6[%dma_start3A_10, %dma_start3A_11] : memref<624x128xf32, #tpu.memory_space<vmem>> -> memref<48x128xf32, #tpu.memory_space<vmem>>
    %dma_start3A_13 = arith.constant 48 : i32
    %dma_start3A_14 = tpu.memref_slice %arg5[%dma_start3A_13] : memref<624xi32, #tpu.memory_space<vmem>> -> memref<48xi32, #tpu.memory_space<vmem>>
    %dma_start3A_15 = arith.constant 0 : i32
    %dma_start3A_16 = arith.constant 0 : i32
    %dma_start3A_17 = tpu.memref_slice %arg2[%dma_start3A_15, %dma_start3A_16] : memref<19968x128xf32, #tpu.memory_space<hbm>> -> memref<19968x128xf32, #tpu.memory_space<hbm>>
    tpu.enqueue_indirect_dma source(%dma_start3A_17 : memref<19968x128xf32, #tpu.memory_space<hbm>>) target(%dma_start3A_12 : memref<48x128xf32, #tpu.memory_space<vmem>>) offsets(%dma_start3A_14 : memref<48xi32, #tpu.memory_space<vmem>>) semaphore(%arg8 : memref<!tpu.dma_semaphore, #tpu.memory_space<semaphore_mem>>)
    %dma_start3A_18 = arith.constant 96 : i32
    %dma_start3A_19 = arith.constant 0 : i32
    %dma_start3A_20 = tpu.memref_slice %arg6[%dma_start3A_18, %dma_start3A_19] : memref<624x128xf32, #tpu.memory_space<vmem>> -> memref<48x128xf32, #tpu.memory_space<vmem>>
    %dma_start3A_21 = arith.constant 96 : i32
    %dma_start3A_22 = tpu.memref_slice %arg5[%dma_start3A_21] : memref<624xi32, #tpu.memory_space<vmem>> -> memref<48xi32, #tpu.memory_space<vmem>>
    %dma_start3A_23 = arith.constant 0 : i32
    %dma_start3A_24 = arith.constant 0 : i32
    %dma_start3A_25 = tpu.memref_slice %arg2[%dma_start3A_23, %dma_start3A_24] : memref<19968x128xf32, #tpu.memory_space<hbm>> -> memref<19968x128xf32, #tpu.memory_space<hbm>>
    tpu.enqueue_indirect_dma source(%dma_start3A_25 : memref<19968x128xf32, #tpu.memory_space<hbm>>) target(%dma_start3A_20 : memref<48x128xf32, #tpu.memory_space<vmem>>) offsets(%dma_start3A_22 : memref<48xi32, #tpu.memory_space<vmem>>) semaphore(%arg9 : memref<!tpu.dma_semaphore, #tpu.memory_space<semaphore_mem>>)
    %dma_start3A_26 = arith.constant 144 : i32
    %dma_start3A_27 = arith.constant 0 : i32
    %dma_start3A_28 = tpu.memref_slice %arg6[%dma_start3A_26, %dma_start3A_27] : memref<624x128xf32, #tpu.memory_space<vmem>> -> memref<48x128xf32, #tpu.memory_space<vmem>>
    %dma_start3A_29 = arith.constant 144 : i32
    %dma_start3A_30 = tpu.memref_slice %arg5[%dma_start3A_29] : memref<624xi32, #tpu.memory_space<vmem>> -> memref<48xi32, #tpu.memory_space<vmem>>
    %dma_start3A_31 = arith.constant 0 : i32
    %dma_start3A_32 = arith.constant 0 : i32
    %dma_start3A_33 = tpu.memref_slice %arg2[%dma_start3A_31, %dma_start3A_32] : memref<19968x128xf32, #tpu.memory_space<hbm>> -> memref<19968x128xf32, #tpu.memory_space<hbm>>
    tpu.enqueue_indirect_dma source(%dma_start3A_33 : memref<19968x128xf32, #tpu.memory_space<hbm>>) target(%dma_start3A_28 : memref<48x128xf32, #tpu.memory_space<vmem>>) offsets(%dma_start3A_30 : memref<48xi32, #tpu.memory_space<vmem>>) semaphore(%arg10 : memref<!tpu.dma_semaphore, #tpu.memory_space<semaphore_mem>>)
    %dma_start3A_34 = arith.constant 192 : i32
    %dma_start3A_35 = arith.constant 0 : i32
    %dma_start3A_36 = tpu.memref_slice %arg6[%dma_start3A_34, %dma_start3A_35] : memref<624x128xf32, #tpu.memory_space<vmem>> -> memref<48x128xf32, #tpu.memory_space<vmem>>
    %dma_start3A_37 = arith.constant 192 : i32
    %dma_start3A_38 = tpu.memref_slice %arg5[%dma_start3A_37] : memref<624xi32, #tpu.memory_space<vmem>> -> memref<48xi32, #tpu.memory_space<vmem>>
    %dma_start3A_39 = arith.constant 0 : i32
    %dma_start3A_40 = arith.constant 0 : i32
    %dma_start3A_41 = tpu.memref_slice %arg2[%dma_start3A_39, %dma_start3A_40] : memref<19968x128xf32, #tpu.memory_space<hbm>> -> memref<19968x128xf32, #tpu.memory_space<hbm>>
    tpu.enqueue_indirect_dma source(%dma_start3A_41 : memref<19968x128xf32, #tpu.memory_space<hbm>>) target(%dma_start3A_36 : memref<48x128xf32, #tpu.memory_space<vmem>>) offsets(%dma_start3A_38 : memref<48xi32, #tpu.memory_space<vmem>>) semaphore(%arg7 : memref<!tpu.dma_semaphore, #tpu.memory_space<semaphore_mem>>)
    %dma_start3A_42 = arith.constant 240 : i32
    %dma_start3A_43 = arith.constant 0 : i32
    %dma_start3A_44 = tpu.memref_slice %arg6[%dma_start3A_42, %dma_start3A_43] : memref<624x128xf32, #tpu.memory_space<vmem>> -> memref<48x128xf32, #tpu.memory_space<vmem>>
    %dma_start3A_45 = arith.constant 240 : i32
    %dma_start3A_46 = tpu.memref_slice %arg5[%dma_start3A_45] : memref<624xi32, #tpu.memory_space<vmem>> -> memref<48xi32, #tpu.memory_space<vmem>>
    %dma_start3A_47 = arith.constant 0 : i32
    %dma_start3A_48 = arith.constant 0 : i32
    %dma_start3A_49 = tpu.memref_slice %arg2[%dma_start3A_47, %dma_start3A_48] : memref<19968x128xf32, #tpu.memory_space<hbm>> -> memref<19968x128xf32, #tpu.memory_space<hbm>>
    tpu.enqueue_indirect_dma source(%dma_start3A_49 : memref<19968x128xf32, #tpu.memory_space<hbm>>) target(%dma_start3A_44 : memref<48x128xf32, #tpu.memory_space<vmem>>) offsets(%dma_start3A_46 : memref<48xi32, #tpu.memory_space<vmem>>) semaphore(%arg8 : memref<!tpu.dma_semaphore, #tpu.memory_space<semaphore_mem>>)
    %dma_start3A_50 = arith.constant 288 : i32
    %dma_start3A_51 = arith.constant 0 : i32
    %dma_start3A_52 = tpu.memref_slice %arg6[%dma_start3A_50, %dma_start3A_51] : memref<624x128xf32, #tpu.memory_space<vmem>> -> memref<48x128xf32, #tpu.memory_space<vmem>>
    %dma_start3A_53 = arith.constant 288 : i32
    %dma_start3A_54 = tpu.memref_slice %arg5[%dma_start3A_53] : memref<624xi32, #tpu.memory_space<vmem>> -> memref<48xi32, #tpu.memory_space<vmem>>
    %dma_start3A_55 = arith.constant 0 : i32
    %dma_start3A_56 = arith.constant 0 : i32
    %dma_start3A_57 = tpu.memref_slice %arg2[%dma_start3A_55, %dma_start3A_56] : memref<19968x128xf32, #tpu.memory_space<hbm>> -> memref<19968x128xf32, #tpu.memory_space<hbm>>
    tpu.enqueue_indirect_dma source(%dma_start3A_57 : memref<19968x128xf32, #tpu.memory_space<hbm>>) target(%dma_start3A_52 : memref<48x128xf32, #tpu.memory_space<vmem>>) offsets(%dma_start3A_54 : memref<48xi32, #tpu.memory_space<vmem>>) semaphore(%arg9 : memref<!tpu.dma_semaphore, #tpu.memory_space<semaphore_mem>>)
    %dma_start3A_58 = arith.constant 336 : i32
    %dma_start3A_59 = arith.constant 0 : i32
    %dma_start3A_60 = tpu.memref_slice %arg6[%dma_start3A_58, %dma_start3A_59] : memref<624x128xf32, #tpu.memory_space<vmem>> -> memref<48x128xf32, #tpu.memory_space<vmem>>
    %dma_start3A_61 = arith.constant 336 : i32
    %dma_start3A_62 = tpu.memref_slice %arg5[%dma_start3A_61] : memref<624xi32, #tpu.memory_space<vmem>> -> memref<48xi32, #tpu.memory_space<vmem>>
    %dma_start3A_63 = arith.constant 0 : i32
    %dma_start3A_64 = arith.constant 0 : i32
    %dma_start3A_65 = tpu.memref_slice %arg2[%dma_start3A_63, %dma_start3A_64] : memref<19968x128xf32, #tpu.memory_space<hbm>> -> memref<19968x128xf32, #tpu.memory_space<hbm>>
    tpu.enqueue_indirect_dma source(%dma_start3A_65 : memref<19968x128xf32, #tpu.memory_space<hbm>>) target(%dma_start3A_60 : memref<48x128xf32, #tpu.memory_space<vmem>>) offsets(%dma_start3A_62 : memref<48xi32, #tpu.memory_space<vmem>>) semaphore(%arg10 : memref<!tpu.dma_semaphore, #tpu.memory_space<semaphore_mem>>)
    %dma_start3A_66 = arith.constant 384 : i32
    %dma_start3A_67 = arith.constant 0 : i32
    %dma_start3A_68 = tpu.memref_slice %arg6[%dma_start3A_66, %dma_start3A_67] : memref<624x128xf32, #tpu.memory_space<vmem>> -> memref<48x128xf32, #tpu.memory_space<vmem>>
    %dma_start3A_69 = arith.constant 384 : i32
    %dma_start3A_70 = tpu.memref_slice %arg5[%dma_start3A_69] : memref<624xi32, #tpu.memory_space<vmem>> -> memref<48xi32, #tpu.memory_space<vmem>>
    %dma_start3A_71 = arith.constant 0 : i32
    %dma_start3A_72 = arith.constant 0 : i32
    %dma_start3A_73 = tpu.memref_slice %arg2[%dma_start3A_71, %dma_start3A_72] : memref<19968x128xf32, #tpu.memory_space<hbm>> -> memref<19968x128xf32, #tpu.memory_space<hbm>>
    tpu.enqueue_indirect_dma source(%dma_start3A_73 : memref<19968x128xf32, #tpu.memory_space<hbm>>) target(%dma_start3A_68 : memref<48x128xf32, #tpu.memory_space<vmem>>) offsets(%dma_start3A_70 : memref<48xi32, #tpu.memory_space<vmem>>) semaphore(%arg7 : memref<!tpu.dma_semaphore, #tpu.memory_space<semaphore_mem>>)
    %dma_start3A_74 = arith.constant 432 : i32
    %dma_start3A_75 = arith.constant 0 : i32
    %dma_start3A_76 = tpu.memref_slice %arg6[%dma_start3A_74, %dma_start3A_75] : memref<624x128xf32, #tpu.memory_space<vmem>> -> memref<48x128xf32, #tpu.memory_space<vmem>>
    %dma_start3A_77 = arith.constant 432 : i32
    %dma_start3A_78 = tpu.memref_slice %arg5[%dma_start3A_77] : memref<624xi32, #tpu.memory_space<vmem>> -> memref<48xi32, #tpu.memory_space<vmem>>
    %dma_start3A_79 = arith.constant 0 : i32
    %dma_start3A_80 = arith.constant 0 : i32
    %dma_start3A_81 = tpu.memref_slice %arg2[%dma_start3A_79, %dma_start3A_80] : memref<19968x128xf32, #tpu.memory_space<hbm>> -> memref<19968x128xf32, #tpu.memory_space<hbm>>
    tpu.enqueue_indirect_dma source(%dma_start3A_81 : memref<19968x128xf32, #tpu.memory_space<hbm>>) target(%dma_start3A_76 : memref<48x128xf32, #tpu.memory_space<vmem>>) offsets(%dma_start3A_78 : memref<48xi32, #tpu.memory_space<vmem>>) semaphore(%arg8 : memref<!tpu.dma_semaphore, #tpu.memory_space<semaphore_mem>>)
    %dma_start3A_82 = arith.constant 480 : i32
    %dma_start3A_83 = arith.constant 0 : i32
    %dma_start3A_84 = tpu.memref_slice %arg6[%dma_start3A_82, %dma_start3A_83] : memref<624x128xf32, #tpu.memory_space<vmem>> -> memref<48x128xf32, #tpu.memory_space<vmem>>
    %dma_start3A_85 = arith.constant 480 : i32
    %dma_start3A_86 = tpu.memref_slice %arg5[%dma_start3A_85] : memref<624xi32, #tpu.memory_space<vmem>> -> memref<48xi32, #tpu.memory_space<vmem>>
    %dma_start3A_87 = arith.constant 0 : i32
    %dma_start3A_88 = arith.constant 0 : i32
    %dma_start3A_89 = tpu.memref_slice %arg2[%dma_start3A_87, %dma_start3A_88] : memref<19968x128xf32, #tpu.memory_space<hbm>> -> memref<19968x128xf32, #tpu.memory_space<hbm>>
    tpu.enqueue_indirect_dma source(%dma_start3A_89 : memref<19968x128xf32, #tpu.memory_space<hbm>>) target(%dma_start3A_84 : memref<48x128xf32, #tpu.memory_space<vmem>>) offsets(%dma_start3A_86 : memref<48xi32, #tpu.memory_space<vmem>>) semaphore(%arg9 : memref<!tpu.dma_semaphore, #tpu.memory_space<semaphore_mem>>)
    %dma_start3A_90 = arith.constant 528 : i32
    %dma_start3A_91 = arith.constant 0 : i32
    %dma_start3A_92 = tpu.memref_slice %arg6[%dma_start3A_90, %dma_start3A_91] : memref<624x128xf32, #tpu.memory_space<vmem>> -> memref<48x128xf32, #tpu.memory_space<vmem>>
    %dma_start3A_93 = arith.constant 528 : i32
    %dma_start3A_94 = tpu.memref_slice %arg5[%dma_start3A_93] : memref<624xi32, #tpu.memory_space<vmem>> -> memref<48xi32, #tpu.memory_space<vmem>>
    %dma_start3A_95 = arith.constant 0 : i32
    %dma_start3A_96 = arith.constant 0 : i32
    %dma_start3A_97 = tpu.memref_slice %arg2[%dma_start3A_95, %dma_start3A_96] : memref<19968x128xf32, #tpu.memory_space<hbm>> -> memref<19968x128xf32, #tpu.memory_space<hbm>>
    tpu.enqueue_indirect_dma source(%dma_start3A_97 : memref<19968x128xf32, #tpu.memory_space<hbm>>) target(%dma_start3A_92 : memref<48x128xf32, #tpu.memory_space<vmem>>) offsets(%dma_start3A_94 : memref<48xi32, #tpu.memory_space<vmem>>) semaphore(%arg10 : memref<!tpu.dma_semaphore, #tpu.memory_space<semaphore_mem>>)
    %dma_start3A_98 = arith.constant 576 : i32
    %dma_start3A_99 = arith.constant 0 : i32
    %dma_start3A_100 = tpu.memref_slice %arg6[%dma_start3A_98, %dma_start3A_99] : memref<624x128xf32, #tpu.memory_space<vmem>> -> memref<48x128xf32, #tpu.memory_space<vmem>>
    %dma_start3A_101 = arith.constant 576 : i32
    %dma_start3A_102 = tpu.memref_slice %arg5[%dma_start3A_101] : memref<624xi32, #tpu.memory_space<vmem>> -> memref<48xi32, #tpu.memory_space<vmem>>
    %dma_start3A_103 = arith.constant 0 : i32
    %dma_start3A_104 = arith.constant 0 : i32
    %dma_start3A_105 = tpu.memref_slice %arg2[%dma_start3A_103, %dma_start3A_104] : memref<19968x128xf32, #tpu.memory_space<hbm>> -> memref<19968x128xf32, #tpu.memory_space<hbm>>
    tpu.enqueue_indirect_dma source(%dma_start3A_105 : memref<19968x128xf32, #tpu.memory_space<hbm>>) target(%dma_start3A_100 : memref<48x128xf32, #tpu.memory_space<vmem>>) offsets(%dma_start3A_102 : memref<48xi32, #tpu.memory_space<vmem>>) semaphore(%arg7 : memref<!tpu.dma_semaphore, #tpu.memory_space<semaphore_mem>>)
    %dma_wait3A = arith.constant 0 : i32
    %dma_wait3A_106 = arith.constant 0 : i32
    %dma_wait3A_107 = tpu.memref_slice %arg6[%dma_wait3A, %dma_wait3A_106] : memref<624x128xf32, #tpu.memory_space<vmem>> -> memref<48x128xf32, #tpu.memory_space<vmem>>
    %dma_wait3A_108 = arith.constant 0 : i32
    %dma_wait3A_109 = tpu.memref_slice %arg5[%dma_wait3A_108] : memref<624xi32, #tpu.memory_space<vmem>> -> memref<48xi32, #tpu.memory_space<vmem>>
    %dma_wait3A_110 = arith.constant 0 : i32
    %dma_wait3A_111 = arith.constant 0 : i32
    %dma_wait3A_112 = tpu.memref_slice %arg2[%dma_wait3A_110, %dma_wait3A_111] : memref<19968x128xf32, #tpu.memory_space<hbm>> -> memref<19968x128xf32, #tpu.memory_space<hbm>>
    tpu.wait_indirect_dma semaphore(%arg7 : memref<!tpu.dma_semaphore, #tpu.memory_space<semaphore_mem>>) src(%dma_wait3A_112 : memref<19968x128xf32, #tpu.memory_space<hbm>>) dst(%dma_wait3A_107 : memref<48x128xf32, #tpu.memory_space<vmem>>)
    %dma_wait3A_113 = arith.constant 48 : i32
    %dma_wait3A_114 = arith.constant 0 : i32
    %dma_wait3A_115 = tpu.memref_slice %arg6[%dma_wait3A_113, %dma_wait3A_114] : memref<624x128xf32, #tpu.memory_space<vmem>> -> memref<48x128xf32, #tpu.memory_space<vmem>>
    %dma_wait3A_116 = arith.constant 48 : i32
    %dma_wait3A_117 = tpu.memref_slice %arg5[%dma_wait3A_116] : memref<624xi32, #tpu.memory_space<vmem>> -> memref<48xi32, #tpu.memory_space<vmem>>
    %dma_wait3A_118 = arith.constant 0 : i32
    %dma_wait3A_119 = arith.constant 0 : i32
    %dma_wait3A_120 = tpu.memref_slice %arg2[%dma_wait3A_118, %dma_wait3A_119] : memref<19968x128xf32, #tpu.memory_space<hbm>> -> memref<19968x128xf32, #tpu.memory_space<hbm>>
    tpu.wait_indirect_dma semaphore(%arg8 : memref<!tpu.dma_semaphore, #tpu.memory_space<semaphore_mem>>) src(%dma_wait3A_120 : memref<19968x128xf32, #tpu.memory_space<hbm>>) dst(%dma_wait3A_115 : memref<48x128xf32, #tpu.memory_space<vmem>>)
    %dma_wait3A_121 = arith.constant 96 : i32
    %dma_wait3A_122 = arith.constant 0 : i32
    %dma_wait3A_123 = tpu.memref_slice %arg6[%dma_wait3A_121, %dma_wait3A_122] : memref<624x128xf32, #tpu.memory_space<vmem>> -> memref<48x128xf32, #tpu.memory_space<vmem>>
    %dma_wait3A_124 = arith.constant 96 : i32
    %dma_wait3A_125 = tpu.memref_slice %arg5[%dma_wait3A_124] : memref<624xi32, #tpu.memory_space<vmem>> -> memref<48xi32, #tpu.memory_space<vmem>>
    %dma_wait3A_126 = arith.constant 0 : i32
    %dma_wait3A_127 = arith.constant 0 : i32
    %dma_wait3A_128 = tpu.memref_slice %arg2[%dma_wait3A_126, %dma_wait3A_127] : memref<19968x128xf32, #tpu.memory_space<hbm>> -> memref<19968x128xf32, #tpu.memory_space<hbm>>
    tpu.wait_indirect_dma semaphore(%arg9 : memref<!tpu.dma_semaphore, #tpu.memory_space<semaphore_mem>>) src(%dma_wait3A_128 : memref<19968x128xf32, #tpu.memory_space<hbm>>) dst(%dma_wait3A_123 : memref<48x128xf32, #tpu.memory_space<vmem>>)
    %dma_wait3A_129 = arith.constant 144 : i32
    %dma_wait3A_130 = arith.constant 0 : i32
    %dma_wait3A_131 = tpu.memref_slice %arg6[%dma_wait3A_129, %dma_wait3A_130] : memref<624x128xf32, #tpu.memory_space<vmem>> -> memref<48x128xf32, #tpu.memory_space<vmem>>
    %dma_wait3A_132 = arith.constant 144 : i32
    %dma_wait3A_133 = tpu.memref_slice %arg5[%dma_wait3A_132] : memref<624xi32, #tpu.memory_space<vmem>> -> memref<48xi32, #tpu.memory_space<vmem>>
    %dma_wait3A_134 = arith.constant 0 : i32
    %dma_wait3A_135 = arith.constant 0 : i32
    %dma_wait3A_136 = tpu.memref_slice %arg2[%dma_wait3A_134, %dma_wait3A_135] : memref<19968x128xf32, #tpu.memory_space<hbm>> -> memref<19968x128xf32, #tpu.memory_space<hbm>>
    tpu.wait_indirect_dma semaphore(%arg10 : memref<!tpu.dma_semaphore, #tpu.memory_space<semaphore_mem>>) src(%dma_wait3A_136 : memref<19968x128xf32, #tpu.memory_space<hbm>>) dst(%dma_wait3A_131 : memref<48x128xf32, #tpu.memory_space<vmem>>)
    %dma_wait3A_137 = arith.constant 192 : i32
    %dma_wait3A_138 = arith.constant 0 : i32
    %dma_wait3A_139 = tpu.memref_slice %arg6[%dma_wait3A_137, %dma_wait3A_138] : memref<624x128xf32, #tpu.memory_space<vmem>> -> memref<48x128xf32, #tpu.memory_space<vmem>>
    %dma_wait3A_140 = arith.constant 192 : i32
    %dma_wait3A_141 = tpu.memref_slice %arg5[%dma_wait3A_140] : memref<624xi32, #tpu.memory_space<vmem>> -> memref<48xi32, #tpu.memory_space<vmem>>
    %dma_wait3A_142 = arith.constant 0 : i32
    %dma_wait3A_143 = arith.constant 0 : i32
    %dma_wait3A_144 = tpu.memref_slice %arg2[%dma_wait3A_142, %dma_wait3A_143] : memref<19968x128xf32, #tpu.memory_space<hbm>> -> memref<19968x128xf32, #tpu.memory_space<hbm>>
    tpu.wait_indirect_dma semaphore(%arg7 : memref<!tpu.dma_semaphore, #tpu.memory_space<semaphore_mem>>) src(%dma_wait3A_144 : memref<19968x128xf32, #tpu.memory_space<hbm>>) dst(%dma_wait3A_139 : memref<48x128xf32, #tpu.memory_space<vmem>>)
    %dma_wait3A_145 = arith.constant 240 : i32
    %dma_wait3A_146 = arith.constant 0 : i32
    %dma_wait3A_147 = tpu.memref_slice %arg6[%dma_wait3A_145, %dma_wait3A_146] : memref<624x128xf32, #tpu.memory_space<vmem>> -> memref<48x128xf32, #tpu.memory_space<vmem>>
    %dma_wait3A_148 = arith.constant 240 : i32
    %dma_wait3A_149 = tpu.memref_slice %arg5[%dma_wait3A_148] : memref<624xi32, #tpu.memory_space<vmem>> -> memref<48xi32, #tpu.memory_space<vmem>>
    %dma_wait3A_150 = arith.constant 0 : i32
    %dma_wait3A_151 = arith.constant 0 : i32
    %dma_wait3A_152 = tpu.memref_slice %arg2[%dma_wait3A_150, %dma_wait3A_151] : memref<19968x128xf32, #tpu.memory_space<hbm>> -> memref<19968x128xf32, #tpu.memory_space<hbm>>
    tpu.wait_indirect_dma semaphore(%arg8 : memref<!tpu.dma_semaphore, #tpu.memory_space<semaphore_mem>>) src(%dma_wait3A_152 : memref<19968x128xf32, #tpu.memory_space<hbm>>) dst(%dma_wait3A_147 : memref<48x128xf32, #tpu.memory_space<vmem>>)
    %dma_wait3A_153 = arith.constant 288 : i32
    %dma_wait3A_154 = arith.constant 0 : i32
    %dma_wait3A_155 = tpu.memref_slice %arg6[%dma_wait3A_153, %dma_wait3A_154] : memref<624x128xf32, #tpu.memory_space<vmem>> -> memref<48x128xf32, #tpu.memory_space<vmem>>
    %dma_wait3A_156 = arith.constant 288 : i32
    %dma_wait3A_157 = tpu.memref_slice %arg5[%dma_wait3A_156] : memref<624xi32, #tpu.memory_space<vmem>> -> memref<48xi32, #tpu.memory_space<vmem>>
    %dma_wait3A_158 = arith.constant 0 : i32
    %dma_wait3A_159 = arith.constant 0 : i32
    %dma_wait3A_160 = tpu.memref_slice %arg2[%dma_wait3A_158, %dma_wait3A_159] : memref<19968x128xf32, #tpu.memory_space<hbm>> -> memref<19968x128xf32, #tpu.memory_space<hbm>>
    tpu.wait_indirect_dma semaphore(%arg9 : memref<!tpu.dma_semaphore, #tpu.memory_space<semaphore_mem>>) src(%dma_wait3A_160 : memref<19968x128xf32, #tpu.memory_space<hbm>>) dst(%dma_wait3A_155 : memref<48x128xf32, #tpu.memory_space<vmem>>)
    %dma_wait3A_161 = arith.constant 336 : i32
    %dma_wait3A_162 = arith.constant 0 : i32
    %dma_wait3A_163 = tpu.memref_slice %arg6[%dma_wait3A_161, %dma_wait3A_162] : memref<624x128xf32, #tpu.memory_space<vmem>> -> memref<48x128xf32, #tpu.memory_space<vmem>>
    %dma_wait3A_164 = arith.constant 336 : i32
    %dma_wait3A_165 = tpu.memref_slice %arg5[%dma_wait3A_164] : memref<624xi32, #tpu.memory_space<vmem>> -> memref<48xi32, #tpu.memory_space<vmem>>
    %dma_wait3A_166 = arith.constant 0 : i32
    %dma_wait3A_167 = arith.constant 0 : i32
    %dma_wait3A_168 = tpu.memref_slice %arg2[%dma_wait3A_166, %dma_wait3A_167] : memref<19968x128xf32, #tpu.memory_space<hbm>> -> memref<19968x128xf32, #tpu.memory_space<hbm>>
    tpu.wait_indirect_dma semaphore(%arg10 : memref<!tpu.dma_semaphore, #tpu.memory_space<semaphore_mem>>) src(%dma_wait3A_168 : memref<19968x128xf32, #tpu.memory_space<hbm>>) dst(%dma_wait3A_163 : memref<48x128xf32, #tpu.memory_space<vmem>>)
    %dma_wait3A_169 = arith.constant 384 : i32
    %dma_wait3A_170 = arith.constant 0 : i32
    %dma_wait3A_171 = tpu.memref_slice %arg6[%dma_wait3A_169, %dma_wait3A_170] : memref<624x128xf32, #tpu.memory_space<vmem>> -> memref<48x128xf32, #tpu.memory_space<vmem>>
    %dma_wait3A_172 = arith.constant 384 : i32
    %dma_wait3A_173 = tpu.memref_slice %arg5[%dma_wait3A_172] : memref<624xi32, #tpu.memory_space<vmem>> -> memref<48xi32, #tpu.memory_space<vmem>>
    %dma_wait3A_174 = arith.constant 0 : i32
    %dma_wait3A_175 = arith.constant 0 : i32
    %dma_wait3A_176 = tpu.memref_slice %arg2[%dma_wait3A_174, %dma_wait3A_175] : memref<19968x128xf32, #tpu.memory_space<hbm>> -> memref<19968x128xf32, #tpu.memory_space<hbm>>
    tpu.wait_indirect_dma semaphore(%arg7 : memref<!tpu.dma_semaphore, #tpu.memory_space<semaphore_mem>>) src(%dma_wait3A_176 : memref<19968x128xf32, #tpu.memory_space<hbm>>) dst(%dma_wait3A_171 : memref<48x128xf32, #tpu.memory_space<vmem>>)
    %dma_wait3A_177 = arith.constant 432 : i32
    %dma_wait3A_178 = arith.constant 0 : i32
    %dma_wait3A_179 = tpu.memref_slice %arg6[%dma_wait3A_177, %dma_wait3A_178] : memref<624x128xf32, #tpu.memory_space<vmem>> -> memref<48x128xf32, #tpu.memory_space<vmem>>
    %dma_wait3A_180 = arith.constant 432 : i32
    %dma_wait3A_181 = tpu.memref_slice %arg5[%dma_wait3A_180] : memref<624xi32, #tpu.memory_space<vmem>> -> memref<48xi32, #tpu.memory_space<vmem>>
    %dma_wait3A_182 = arith.constant 0 : i32
    %dma_wait3A_183 = arith.constant 0 : i32
    %dma_wait3A_184 = tpu.memref_slice %arg2[%dma_wait3A_182, %dma_wait3A_183] : memref<19968x128xf32, #tpu.memory_space<hbm>> -> memref<19968x128xf32, #tpu.memory_space<hbm>>
    tpu.wait_indirect_dma semaphore(%arg8 : memref<!tpu.dma_semaphore, #tpu.memory_space<semaphore_mem>>) src(%dma_wait3A_184 : memref<19968x128xf32, #tpu.memory_space<hbm>>) dst(%dma_wait3A_179 : memref<48x128xf32, #tpu.memory_space<vmem>>)
    %dma_wait3A_185 = arith.constant 480 : i32
    %dma_wait3A_186 = arith.constant 0 : i32
    %dma_wait3A_187 = tpu.memref_slice %arg6[%dma_wait3A_185, %dma_wait3A_186] : memref<624x128xf32, #tpu.memory_space<vmem>> -> memref<48x128xf32, #tpu.memory_space<vmem>>
    %dma_wait3A_188 = arith.constant 480 : i32
    %dma_wait3A_189 = tpu.memref_slice %arg5[%dma_wait3A_188] : memref<624xi32, #tpu.memory_space<vmem>> -> memref<48xi32, #tpu.memory_space<vmem>>
    %dma_wait3A_190 = arith.constant 0 : i32
    %dma_wait3A_191 = arith.constant 0 : i32
    %dma_wait3A_192 = tpu.memref_slice %arg2[%dma_wait3A_190, %dma_wait3A_191] : memref<19968x128xf32, #tpu.memory_space<hbm>> -> memref<19968x128xf32, #tpu.memory_space<hbm>>
    tpu.wait_indirect_dma semaphore(%arg9 : memref<!tpu.dma_semaphore, #tpu.memory_space<semaphore_mem>>) src(%dma_wait3A_192 : memref<19968x128xf32, #tpu.memory_space<hbm>>) dst(%dma_wait3A_187 : memref<48x128xf32, #tpu.memory_space<vmem>>)
    %dma_wait3A_193 = arith.constant 528 : i32
    %dma_wait3A_194 = arith.constant 0 : i32
    %dma_wait3A_195 = tpu.memref_slice %arg6[%dma_wait3A_193, %dma_wait3A_194] : memref<624x128xf32, #tpu.memory_space<vmem>> -> memref<48x128xf32, #tpu.memory_space<vmem>>
    %dma_wait3A_196 = arith.constant 528 : i32
    %dma_wait3A_197 = tpu.memref_slice %arg5[%dma_wait3A_196] : memref<624xi32, #tpu.memory_space<vmem>> -> memref<48xi32, #tpu.memory_space<vmem>>
    %dma_wait3A_198 = arith.constant 0 : i32
    %dma_wait3A_199 = arith.constant 0 : i32
    %dma_wait3A_200 = tpu.memref_slice %arg2[%dma_wait3A_198, %dma_wait3A_199] : memref<19968x128xf32, #tpu.memory_space<hbm>> -> memref<19968x128xf32, #tpu.memory_space<hbm>>
    tpu.wait_indirect_dma semaphore(%arg10 : memref<!tpu.dma_semaphore, #tpu.memory_space<semaphore_mem>>) src(%dma_wait3A_200 : memref<19968x128xf32, #tpu.memory_space<hbm>>) dst(%dma_wait3A_195 : memref<48x128xf32, #tpu.memory_space<vmem>>)
    %dma_wait3A_201 = arith.constant 576 : i32
    %dma_wait3A_202 = arith.constant 0 : i32
    %dma_wait3A_203 = tpu.memref_slice %arg6[%dma_wait3A_201, %dma_wait3A_202] : memref<624x128xf32, #tpu.memory_space<vmem>> -> memref<48x128xf32, #tpu.memory_space<vmem>>
    %dma_wait3A_204 = arith.constant 576 : i32
    %dma_wait3A_205 = tpu.memref_slice %arg5[%dma_wait3A_204] : memref<624xi32, #tpu.memory_space<vmem>> -> memref<48xi32, #tpu.memory_space<vmem>>
    %dma_wait3A_206 = arith.constant 0 : i32
    %dma_wait3A_207 = arith.constant 0 : i32
    %dma_wait3A_208 = tpu.memref_slice %arg2[%dma_wait3A_206, %dma_wait3A_207] : memref<19968x128xf32, #tpu.memory_space<hbm>> -> memref<19968x128xf32, #tpu.memory_space<hbm>>
    tpu.wait_indirect_dma semaphore(%arg7 : memref<!tpu.dma_semaphore, #tpu.memory_space<semaphore_mem>>) src(%dma_wait3A_208 : memref<19968x128xf32, #tpu.memory_space<hbm>>) dst(%dma_wait3A_203 : memref<48x128xf32, #tpu.memory_space<vmem>>)
    %dma_start3A_209 = arith.constant 0 : i32
    %dma_start3A_210 = tpu.memref_slice %arg4[%mul3A_2, %dma_start3A_209] : memref<19968x128xf32, #tpu.memory_space<hbm>> -> memref<624x128xf32, #tpu.memory_space<hbm>>
    %dma_start3A_211 = arith.constant 0 : i32
    %dma_start3A_212 = tpu.memref_slice %arg4[%mul3A_2, %dma_start3A_211] : memref<19968x128xf32, #tpu.memory_space<hbm>> -> memref<624x128xf32, #tpu.memory_space<hbm>>
    tpu.enqueue_dma source(%arg6 : memref<624x128xf32, #tpu.memory_space<vmem>>) target(%dma_start3A_212 : memref<624x128xf32, #tpu.memory_space<hbm>>) target_semaphore(%arg11 : memref<!tpu.dma_semaphore, #tpu.memory_space<semaphore_mem>>)
    %dma_wait3A_213 = arith.constant 0 : i32
    %dma_wait3A_214 = tpu.memref_slice %arg4[%mul3A_2, %dma_wait3A_213] : memref<19968x128xf32, #tpu.memory_space<hbm>> -> memref<624x128xf32, #tpu.memory_space<hbm>>
    %dma_wait3A_215 = arith.constant 0 : i32
    %dma_wait3A_216 = tpu.memref_slice %arg4[%mul3A_2, %dma_wait3A_215] : memref<19968x128xf32, #tpu.memory_space<hbm>> -> memref<624x128xf32, #tpu.memory_space<hbm>>
    tpu.wait_dma2 semaphore(%arg11 : memref<!tpu.dma_semaphore, #tpu.memory_space<semaphore_mem>>) src(%arg6 : memref<624x128xf32, #tpu.memory_space<vmem>>) dst(%dma_wait3A_216 : memref<624x128xf32, #tpu.memory_space<hbm>>)
    return
  }
}

#map = affine_map<(d0, d1) -> (0, 0)>
#map1 = affine_map<(d0, d1) -> (0)>
module attributes {stable_mosaic.version = 14 : i64} {
  func.func @k(%arg0: i32, %arg1: i32, %arg2: memref<16384x128xf32, #tpu.memory_space<hbm>>, %arg3: memref<19968xi32, #tpu.memory_space<hbm>>, %arg4: memref<19968x128xf32, #tpu.memory_space<hbm>>, %arg5: memref<624xi32, #tpu.memory_space<vmem>>, %arg6: memref<624x128xf32, #tpu.memory_space<vmem>>, %arg7: memref<!tpu.dma_semaphore, #tpu.memory_space<semaphore_mem>>, %arg8: memref<!tpu.dma_semaphore, #tpu.memory_space<semaphore_mem>>, %arg9: memref<!tpu.dma_semaphore, #tpu.memory_space<semaphore_mem>>, %arg10: memref<!tpu.dma_semaphore, #tpu.memory_space<semaphore_mem>>, %arg11: memref<!tpu.dma_semaphore, #tpu.memory_space<semaphore_mem>>) attributes {dimension_semantics = [#tpu.dimension_semantics<core_parallel>, #tpu.dimension_semantics<subcore_parallel>], iteration_bounds = array<i64: 2, 16>, scalar_prefetch = 0 : i64, scratch_operands = 7 : i64, tpu.core_type = #tpu.core_type<sc_vector_subcore>, window_params = [{transform_indices = #map}, {transform_indices = #map1}, {transform_indices = #map}]} {
    %mul3A = arith.constant 2 : i32
    %mul3A_0 = arith.muli %arg1, %mul3A : i32
    %add3A = arith.addi %mul3A_0, %arg0 : i32
    %mul3A_1 = arith.constant 624 : i32
    %mul3A_2 = arith.muli %add3A, %mul3A_1 : i32
    "tpu.region"() ({
      %run_scoped3A = tpu.sem_alloc : memref<!tpu.dma_semaphore, #tpu.memory_space<semaphore_mem>>
      %dma_start3A_217 = tpu.memref_slice %arg3[%mul3A_2] : memref<19968xi32, #tpu.memory_space<hbm>> -> memref<624xi32, #tpu.memory_space<hbm>>
      %dma_start3A_218 = tpu.memref_slice %arg3[%mul3A_2] : memref<19968xi32, #tpu.memory_space<hbm>> -> memref<624xi32, #tpu.memory_space<hbm>>
      tpu.enqueue_dma source(%dma_start3A_218 : memref<624xi32, #tpu.memory_space<hbm>>) target(%arg5 : memref<624xi32, #tpu.memory_space<vmem>>) target_semaphore(%run_scoped3A : memref<!tpu.dma_semaphore, #tpu.memory_space<semaphore_mem>>)
      %dma_wait3A_219 = tpu.memref_slice %arg3[%mul3A_2] : memref<19968xi32, #tpu.memory_space<hbm>> -> memref<624xi32, #tpu.memory_space<hbm>>
      %dma_wait3A_220 = tpu.memref_slice %arg3[%mul3A_2] : memref<19968xi32, #tpu.memory_space<hbm>> -> memref<624xi32, #tpu.memory_space<hbm>>
      tpu.wait_dma2 semaphore(%run_scoped3A : memref<!tpu.dma_semaphore, #tpu.memory_space<semaphore_mem>>) src(%dma_wait3A_220 : memref<624xi32, #tpu.memory_space<hbm>>) dst(%arg5 : memref<624xi32, #tpu.memory_space<vmem>>)
      tpu.yield
    }) : () -> ()
    %dma_start3A = arith.constant 0 : i32
    %dma_start3A_3 = arith.constant 0 : i32
    %dma_start3A_4 = tpu.memref_slice %arg6[%dma_start3A, %dma_start3A_3] : memref<624x128xf32, #tpu.memory_space<vmem>> -> memref<48x128xf32, #tpu.memory_space<vmem>>
    %dma_start3A_5 = arith.constant 0 : i32
    %dma_start3A_6 = tpu.memref_slice %arg5[%dma_start3A_5] : memref<624xi32, #tpu.memory_space<vmem>> -> memref<48xi32, #tpu.memory_space<vmem>>
    %dma_start3A_7 = arith.constant 0 : i32
    %dma_start3A_8 = arith.constant 0 : i32
    %dma_start3A_9 = tpu.memref_slice %arg2[%dma_start3A_7, %dma_start3A_8] : memref<16384x128xf32, #tpu.memory_space<hbm>> -> memref<16384x128xf32, #tpu.memory_space<hbm>>
    tpu.enqueue_indirect_dma source(%dma_start3A_9 : memref<16384x128xf32, #tpu.memory_space<hbm>>) target(%dma_start3A_4 : memref<48x128xf32, #tpu.memory_space<vmem>>) offsets(%dma_start3A_6 : memref<48xi32, #tpu.memory_space<vmem>>) semaphore(%arg7 : memref<!tpu.dma_semaphore, #tpu.memory_space<semaphore_mem>>)
    %dma_start3A_10 = arith.constant 48 : i32
    %dma_start3A_11 = arith.constant 0 : i32
    %dma_start3A_12 = tpu.memref_slice %arg6[%dma_start3A_10, %dma_start3A_11] : memref<624x128xf32, #tpu.memory_space<vmem>> -> memref<48x128xf32, #tpu.memory_space<vmem>>
    %dma_start3A_13 = arith.constant 48 : i32
    %dma_start3A_14 = tpu.memref_slice %arg5[%dma_start3A_13] : memref<624xi32, #tpu.memory_space<vmem>> -> memref<48xi32, #tpu.memory_space<vmem>>
    %dma_start3A_15 = arith.constant 0 : i32
    %dma_start3A_16 = arith.constant 0 : i32
    %dma_start3A_17 = tpu.memref_slice %arg2[%dma_start3A_15, %dma_start3A_16] : memref<16384x128xf32, #tpu.memory_space<hbm>> -> memref<16384x128xf32, #tpu.memory_space<hbm>>
    tpu.enqueue_indirect_dma source(%dma_start3A_17 : memref<16384x128xf32, #tpu.memory_space<hbm>>) target(%dma_start3A_12 : memref<48x128xf32, #tpu.memory_space<vmem>>) offsets(%dma_start3A_14 : memref<48xi32, #tpu.memory_space<vmem>>) semaphore(%arg8 : memref<!tpu.dma_semaphore, #tpu.memory_space<semaphore_mem>>)
    %dma_start3A_18 = arith.constant 96 : i32
    %dma_start3A_19 = arith.constant 0 : i32
    %dma_start3A_20 = tpu.memref_slice %arg6[%dma_start3A_18, %dma_start3A_19] : memref<624x128xf32, #tpu.memory_space<vmem>> -> memref<48x128xf32, #tpu.memory_space<vmem>>
    %dma_start3A_21 = arith.constant 96 : i32
    %dma_start3A_22 = tpu.memref_slice %arg5[%dma_start3A_21] : memref<624xi32, #tpu.memory_space<vmem>> -> memref<48xi32, #tpu.memory_space<vmem>>
    %dma_start3A_23 = arith.constant 0 : i32
    %dma_start3A_24 = arith.constant 0 : i32
    %dma_start3A_25 = tpu.memref_slice %arg2[%dma_start3A_23, %dma_start3A_24] : memref<16384x128xf32, #tpu.memory_space<hbm>> -> memref<16384x128xf32, #tpu.memory_space<hbm>>
    tpu.enqueue_indirect_dma source(%dma_start3A_25 : memref<16384x128xf32, #tpu.memory_space<hbm>>) target(%dma_start3A_20 : memref<48x128xf32, #tpu.memory_space<vmem>>) offsets(%dma_start3A_22 : memref<48xi32, #tpu.memory_space<vmem>>) semaphore(%arg9 : memref<!tpu.dma_semaphore, #tpu.memory_space<semaphore_mem>>)
    %dma_start3A_26 = arith.constant 144 : i32
    %dma_start3A_27 = arith.constant 0 : i32
    %dma_start3A_28 = tpu.memref_slice %arg6[%dma_start3A_26, %dma_start3A_27] : memref<624x128xf32, #tpu.memory_space<vmem>> -> memref<48x128xf32, #tpu.memory_space<vmem>>
    %dma_start3A_29 = arith.constant 144 : i32
    %dma_start3A_30 = tpu.memref_slice %arg5[%dma_start3A_29] : memref<624xi32, #tpu.memory_space<vmem>> -> memref<48xi32, #tpu.memory_space<vmem>>
    %dma_start3A_31 = arith.constant 0 : i32
    %dma_start3A_32 = arith.constant 0 : i32
    %dma_start3A_33 = tpu.memref_slice %arg2[%dma_start3A_31, %dma_start3A_32] : memref<16384x128xf32, #tpu.memory_space<hbm>> -> memref<16384x128xf32, #tpu.memory_space<hbm>>
    tpu.enqueue_indirect_dma source(%dma_start3A_33 : memref<16384x128xf32, #tpu.memory_space<hbm>>) target(%dma_start3A_28 : memref<48x128xf32, #tpu.memory_space<vmem>>) offsets(%dma_start3A_30 : memref<48xi32, #tpu.memory_space<vmem>>) semaphore(%arg10 : memref<!tpu.dma_semaphore, #tpu.memory_space<semaphore_mem>>)
    %dma_start3A_34 = arith.constant 192 : i32
    %dma_start3A_35 = arith.constant 0 : i32
    %dma_start3A_36 = tpu.memref_slice %arg6[%dma_start3A_34, %dma_start3A_35] : memref<624x128xf32, #tpu.memory_space<vmem>> -> memref<48x128xf32, #tpu.memory_space<vmem>>
    %dma_start3A_37 = arith.constant 192 : i32
    %dma_start3A_38 = tpu.memref_slice %arg5[%dma_start3A_37] : memref<624xi32, #tpu.memory_space<vmem>> -> memref<48xi32, #tpu.memory_space<vmem>>
    %dma_start3A_39 = arith.constant 0 : i32
    %dma_start3A_40 = arith.constant 0 : i32
    %dma_start3A_41 = tpu.memref_slice %arg2[%dma_start3A_39, %dma_start3A_40] : memref<16384x128xf32, #tpu.memory_space<hbm>> -> memref<16384x128xf32, #tpu.memory_space<hbm>>
    tpu.enqueue_indirect_dma source(%dma_start3A_41 : memref<16384x128xf32, #tpu.memory_space<hbm>>) target(%dma_start3A_36 : memref<48x128xf32, #tpu.memory_space<vmem>>) offsets(%dma_start3A_38 : memref<48xi32, #tpu.memory_space<vmem>>) semaphore(%arg7 : memref<!tpu.dma_semaphore, #tpu.memory_space<semaphore_mem>>)
    %dma_start3A_42 = arith.constant 240 : i32
    %dma_start3A_43 = arith.constant 0 : i32
    %dma_start3A_44 = tpu.memref_slice %arg6[%dma_start3A_42, %dma_start3A_43] : memref<624x128xf32, #tpu.memory_space<vmem>> -> memref<48x128xf32, #tpu.memory_space<vmem>>
    %dma_start3A_45 = arith.constant 240 : i32
    %dma_start3A_46 = tpu.memref_slice %arg5[%dma_start3A_45] : memref<624xi32, #tpu.memory_space<vmem>> -> memref<48xi32, #tpu.memory_space<vmem>>
    %dma_start3A_47 = arith.constant 0 : i32
    %dma_start3A_48 = arith.constant 0 : i32
    %dma_start3A_49 = tpu.memref_slice %arg2[%dma_start3A_47, %dma_start3A_48] : memref<16384x128xf32, #tpu.memory_space<hbm>> -> memref<16384x128xf32, #tpu.memory_space<hbm>>
    tpu.enqueue_indirect_dma source(%dma_start3A_49 : memref<16384x128xf32, #tpu.memory_space<hbm>>) target(%dma_start3A_44 : memref<48x128xf32, #tpu.memory_space<vmem>>) offsets(%dma_start3A_46 : memref<48xi32, #tpu.memory_space<vmem>>) semaphore(%arg8 : memref<!tpu.dma_semaphore, #tpu.memory_space<semaphore_mem>>)
    %dma_start3A_50 = arith.constant 288 : i32
    %dma_start3A_51 = arith.constant 0 : i32
    %dma_start3A_52 = tpu.memref_slice %arg6[%dma_start3A_50, %dma_start3A_51] : memref<624x128xf32, #tpu.memory_space<vmem>> -> memref<48x128xf32, #tpu.memory_space<vmem>>
    %dma_start3A_53 = arith.constant 288 : i32
    %dma_start3A_54 = tpu.memref_slice %arg5[%dma_start3A_53] : memref<624xi32, #tpu.memory_space<vmem>> -> memref<48xi32, #tpu.memory_space<vmem>>
    %dma_start3A_55 = arith.constant 0 : i32
    %dma_start3A_56 = arith.constant 0 : i32
    %dma_start3A_57 = tpu.memref_slice %arg2[%dma_start3A_55, %dma_start3A_56] : memref<16384x128xf32, #tpu.memory_space<hbm>> -> memref<16384x128xf32, #tpu.memory_space<hbm>>
    tpu.enqueue_indirect_dma source(%dma_start3A_57 : memref<16384x128xf32, #tpu.memory_space<hbm>>) target(%dma_start3A_52 : memref<48x128xf32, #tpu.memory_space<vmem>>) offsets(%dma_start3A_54 : memref<48xi32, #tpu.memory_space<vmem>>) semaphore(%arg9 : memref<!tpu.dma_semaphore, #tpu.memory_space<semaphore_mem>>)
    %dma_start3A_58 = arith.constant 336 : i32
    %dma_start3A_59 = arith.constant 0 : i32
    %dma_start3A_60 = tpu.memref_slice %arg6[%dma_start3A_58, %dma_start3A_59] : memref<624x128xf32, #tpu.memory_space<vmem>> -> memref<48x128xf32, #tpu.memory_space<vmem>>
    %dma_start3A_61 = arith.constant 336 : i32
    %dma_start3A_62 = tpu.memref_slice %arg5[%dma_start3A_61] : memref<624xi32, #tpu.memory_space<vmem>> -> memref<48xi32, #tpu.memory_space<vmem>>
    %dma_start3A_63 = arith.constant 0 : i32
    %dma_start3A_64 = arith.constant 0 : i32
    %dma_start3A_65 = tpu.memref_slice %arg2[%dma_start3A_63, %dma_start3A_64] : memref<16384x128xf32, #tpu.memory_space<hbm>> -> memref<16384x128xf32, #tpu.memory_space<hbm>>
    tpu.enqueue_indirect_dma source(%dma_start3A_65 : memref<16384x128xf32, #tpu.memory_space<hbm>>) target(%dma_start3A_60 : memref<48x128xf32, #tpu.memory_space<vmem>>) offsets(%dma_start3A_62 : memref<48xi32, #tpu.memory_space<vmem>>) semaphore(%arg10 : memref<!tpu.dma_semaphore, #tpu.memory_space<semaphore_mem>>)
    %dma_start3A_66 = arith.constant 384 : i32
    %dma_start3A_67 = arith.constant 0 : i32
    %dma_start3A_68 = tpu.memref_slice %arg6[%dma_start3A_66, %dma_start3A_67] : memref<624x128xf32, #tpu.memory_space<vmem>> -> memref<48x128xf32, #tpu.memory_space<vmem>>
    %dma_start3A_69 = arith.constant 384 : i32
    %dma_start3A_70 = tpu.memref_slice %arg5[%dma_start3A_69] : memref<624xi32, #tpu.memory_space<vmem>> -> memref<48xi32, #tpu.memory_space<vmem>>
    %dma_start3A_71 = arith.constant 0 : i32
    %dma_start3A_72 = arith.constant 0 : i32
    %dma_start3A_73 = tpu.memref_slice %arg2[%dma_start3A_71, %dma_start3A_72] : memref<16384x128xf32, #tpu.memory_space<hbm>> -> memref<16384x128xf32, #tpu.memory_space<hbm>>
    tpu.enqueue_indirect_dma source(%dma_start3A_73 : memref<16384x128xf32, #tpu.memory_space<hbm>>) target(%dma_start3A_68 : memref<48x128xf32, #tpu.memory_space<vmem>>) offsets(%dma_start3A_70 : memref<48xi32, #tpu.memory_space<vmem>>) semaphore(%arg7 : memref<!tpu.dma_semaphore, #tpu.memory_space<semaphore_mem>>)
    %dma_start3A_74 = arith.constant 432 : i32
    %dma_start3A_75 = arith.constant 0 : i32
    %dma_start3A_76 = tpu.memref_slice %arg6[%dma_start3A_74, %dma_start3A_75] : memref<624x128xf32, #tpu.memory_space<vmem>> -> memref<48x128xf32, #tpu.memory_space<vmem>>
    %dma_start3A_77 = arith.constant 432 : i32
    %dma_start3A_78 = tpu.memref_slice %arg5[%dma_start3A_77] : memref<624xi32, #tpu.memory_space<vmem>> -> memref<48xi32, #tpu.memory_space<vmem>>
    %dma_start3A_79 = arith.constant 0 : i32
    %dma_start3A_80 = arith.constant 0 : i32
    %dma_start3A_81 = tpu.memref_slice %arg2[%dma_start3A_79, %dma_start3A_80] : memref<16384x128xf32, #tpu.memory_space<hbm>> -> memref<16384x128xf32, #tpu.memory_space<hbm>>
    tpu.enqueue_indirect_dma source(%dma_start3A_81 : memref<16384x128xf32, #tpu.memory_space<hbm>>) target(%dma_start3A_76 : memref<48x128xf32, #tpu.memory_space<vmem>>) offsets(%dma_start3A_78 : memref<48xi32, #tpu.memory_space<vmem>>) semaphore(%arg8 : memref<!tpu.dma_semaphore, #tpu.memory_space<semaphore_mem>>)
    %dma_start3A_82 = arith.constant 480 : i32
    %dma_start3A_83 = arith.constant 0 : i32
    %dma_start3A_84 = tpu.memref_slice %arg6[%dma_start3A_82, %dma_start3A_83] : memref<624x128xf32, #tpu.memory_space<vmem>> -> memref<48x128xf32, #tpu.memory_space<vmem>>
    %dma_start3A_85 = arith.constant 480 : i32
    %dma_start3A_86 = tpu.memref_slice %arg5[%dma_start3A_85] : memref<624xi32, #tpu.memory_space<vmem>> -> memref<48xi32, #tpu.memory_space<vmem>>
    %dma_start3A_87 = arith.constant 0 : i32
    %dma_start3A_88 = arith.constant 0 : i32
    %dma_start3A_89 = tpu.memref_slice %arg2[%dma_start3A_87, %dma_start3A_88] : memref<16384x128xf32, #tpu.memory_space<hbm>> -> memref<16384x128xf32, #tpu.memory_space<hbm>>
    tpu.enqueue_indirect_dma source(%dma_start3A_89 : memref<16384x128xf32, #tpu.memory_space<hbm>>) target(%dma_start3A_84 : memref<48x128xf32, #tpu.memory_space<vmem>>) offsets(%dma_start3A_86 : memref<48xi32, #tpu.memory_space<vmem>>) semaphore(%arg9 : memref<!tpu.dma_semaphore, #tpu.memory_space<semaphore_mem>>)
    %dma_start3A_90 = arith.constant 528 : i32
    %dma_start3A_91 = arith.constant 0 : i32
    %dma_start3A_92 = tpu.memref_slice %arg6[%dma_start3A_90, %dma_start3A_91] : memref<624x128xf32, #tpu.memory_space<vmem>> -> memref<48x128xf32, #tpu.memory_space<vmem>>
    %dma_start3A_93 = arith.constant 528 : i32
    %dma_start3A_94 = tpu.memref_slice %arg5[%dma_start3A_93] : memref<624xi32, #tpu.memory_space<vmem>> -> memref<48xi32, #tpu.memory_space<vmem>>
    %dma_start3A_95 = arith.constant 0 : i32
    %dma_start3A_96 = arith.constant 0 : i32
    %dma_start3A_97 = tpu.memref_slice %arg2[%dma_start3A_95, %dma_start3A_96] : memref<16384x128xf32, #tpu.memory_space<hbm>> -> memref<16384x128xf32, #tpu.memory_space<hbm>>
    tpu.enqueue_indirect_dma source(%dma_start3A_97 : memref<16384x128xf32, #tpu.memory_space<hbm>>) target(%dma_start3A_92 : memref<48x128xf32, #tpu.memory_space<vmem>>) offsets(%dma_start3A_94 : memref<48xi32, #tpu.memory_space<vmem>>) semaphore(%arg10 : memref<!tpu.dma_semaphore, #tpu.memory_space<semaphore_mem>>)
    %dma_start3A_98 = arith.constant 576 : i32
    %dma_start3A_99 = arith.constant 0 : i32
    %dma_start3A_100 = tpu.memref_slice %arg6[%dma_start3A_98, %dma_start3A_99] : memref<624x128xf32, #tpu.memory_space<vmem>> -> memref<48x128xf32, #tpu.memory_space<vmem>>
    %dma_start3A_101 = arith.constant 576 : i32
    %dma_start3A_102 = tpu.memref_slice %arg5[%dma_start3A_101] : memref<624xi32, #tpu.memory_space<vmem>> -> memref<48xi32, #tpu.memory_space<vmem>>
    %dma_start3A_103 = arith.constant 0 : i32
    %dma_start3A_104 = arith.constant 0 : i32
    %dma_start3A_105 = tpu.memref_slice %arg2[%dma_start3A_103, %dma_start3A_104] : memref<16384x128xf32, #tpu.memory_space<hbm>> -> memref<16384x128xf32, #tpu.memory_space<hbm>>
    tpu.enqueue_indirect_dma source(%dma_start3A_105 : memref<16384x128xf32, #tpu.memory_space<hbm>>) target(%dma_start3A_100 : memref<48x128xf32, #tpu.memory_space<vmem>>) offsets(%dma_start3A_102 : memref<48xi32, #tpu.memory_space<vmem>>) semaphore(%arg7 : memref<!tpu.dma_semaphore, #tpu.memory_space<semaphore_mem>>)
    %dma_wait3A = arith.constant 0 : i32
    %dma_wait3A_106 = arith.constant 0 : i32
    %dma_wait3A_107 = tpu.memref_slice %arg6[%dma_wait3A, %dma_wait3A_106] : memref<624x128xf32, #tpu.memory_space<vmem>> -> memref<48x128xf32, #tpu.memory_space<vmem>>
    %dma_wait3A_108 = arith.constant 0 : i32
    %dma_wait3A_109 = tpu.memref_slice %arg5[%dma_wait3A_108] : memref<624xi32, #tpu.memory_space<vmem>> -> memref<48xi32, #tpu.memory_space<vmem>>
    %dma_wait3A_110 = arith.constant 0 : i32
    %dma_wait3A_111 = arith.constant 0 : i32
    %dma_wait3A_112 = tpu.memref_slice %arg2[%dma_wait3A_110, %dma_wait3A_111] : memref<16384x128xf32, #tpu.memory_space<hbm>> -> memref<16384x128xf32, #tpu.memory_space<hbm>>
    tpu.wait_indirect_dma semaphore(%arg7 : memref<!tpu.dma_semaphore, #tpu.memory_space<semaphore_mem>>) src(%dma_wait3A_112 : memref<16384x128xf32, #tpu.memory_space<hbm>>) dst(%dma_wait3A_107 : memref<48x128xf32, #tpu.memory_space<vmem>>)
    %dma_wait3A_113 = arith.constant 48 : i32
    %dma_wait3A_114 = arith.constant 0 : i32
    %dma_wait3A_115 = tpu.memref_slice %arg6[%dma_wait3A_113, %dma_wait3A_114] : memref<624x128xf32, #tpu.memory_space<vmem>> -> memref<48x128xf32, #tpu.memory_space<vmem>>
    %dma_wait3A_116 = arith.constant 48 : i32
    %dma_wait3A_117 = tpu.memref_slice %arg5[%dma_wait3A_116] : memref<624xi32, #tpu.memory_space<vmem>> -> memref<48xi32, #tpu.memory_space<vmem>>
    %dma_wait3A_118 = arith.constant 0 : i32
    %dma_wait3A_119 = arith.constant 0 : i32
    %dma_wait3A_120 = tpu.memref_slice %arg2[%dma_wait3A_118, %dma_wait3A_119] : memref<16384x128xf32, #tpu.memory_space<hbm>> -> memref<16384x128xf32, #tpu.memory_space<hbm>>
    tpu.wait_indirect_dma semaphore(%arg8 : memref<!tpu.dma_semaphore, #tpu.memory_space<semaphore_mem>>) src(%dma_wait3A_120 : memref<16384x128xf32, #tpu.memory_space<hbm>>) dst(%dma_wait3A_115 : memref<48x128xf32, #tpu.memory_space<vmem>>)
    %dma_wait3A_121 = arith.constant 96 : i32
    %dma_wait3A_122 = arith.constant 0 : i32
    %dma_wait3A_123 = tpu.memref_slice %arg6[%dma_wait3A_121, %dma_wait3A_122] : memref<624x128xf32, #tpu.memory_space<vmem>> -> memref<48x128xf32, #tpu.memory_space<vmem>>
    %dma_wait3A_124 = arith.constant 96 : i32
    %dma_wait3A_125 = tpu.memref_slice %arg5[%dma_wait3A_124] : memref<624xi32, #tpu.memory_space<vmem>> -> memref<48xi32, #tpu.memory_space<vmem>>
    %dma_wait3A_126 = arith.constant 0 : i32
    %dma_wait3A_127 = arith.constant 0 : i32
    %dma_wait3A_128 = tpu.memref_slice %arg2[%dma_wait3A_126, %dma_wait3A_127] : memref<16384x128xf32, #tpu.memory_space<hbm>> -> memref<16384x128xf32, #tpu.memory_space<hbm>>
    tpu.wait_indirect_dma semaphore(%arg9 : memref<!tpu.dma_semaphore, #tpu.memory_space<semaphore_mem>>) src(%dma_wait3A_128 : memref<16384x128xf32, #tpu.memory_space<hbm>>) dst(%dma_wait3A_123 : memref<48x128xf32, #tpu.memory_space<vmem>>)
    %dma_wait3A_129 = arith.constant 144 : i32
    %dma_wait3A_130 = arith.constant 0 : i32
    %dma_wait3A_131 = tpu.memref_slice %arg6[%dma_wait3A_129, %dma_wait3A_130] : memref<624x128xf32, #tpu.memory_space<vmem>> -> memref<48x128xf32, #tpu.memory_space<vmem>>
    %dma_wait3A_132 = arith.constant 144 : i32
    %dma_wait3A_133 = tpu.memref_slice %arg5[%dma_wait3A_132] : memref<624xi32, #tpu.memory_space<vmem>> -> memref<48xi32, #tpu.memory_space<vmem>>
    %dma_wait3A_134 = arith.constant 0 : i32
    %dma_wait3A_135 = arith.constant 0 : i32
    %dma_wait3A_136 = tpu.memref_slice %arg2[%dma_wait3A_134, %dma_wait3A_135] : memref<16384x128xf32, #tpu.memory_space<hbm>> -> memref<16384x128xf32, #tpu.memory_space<hbm>>
    tpu.wait_indirect_dma semaphore(%arg10 : memref<!tpu.dma_semaphore, #tpu.memory_space<semaphore_mem>>) src(%dma_wait3A_136 : memref<16384x128xf32, #tpu.memory_space<hbm>>) dst(%dma_wait3A_131 : memref<48x128xf32, #tpu.memory_space<vmem>>)
    %dma_wait3A_137 = arith.constant 192 : i32
    %dma_wait3A_138 = arith.constant 0 : i32
    %dma_wait3A_139 = tpu.memref_slice %arg6[%dma_wait3A_137, %dma_wait3A_138] : memref<624x128xf32, #tpu.memory_space<vmem>> -> memref<48x128xf32, #tpu.memory_space<vmem>>
    %dma_wait3A_140 = arith.constant 192 : i32
    %dma_wait3A_141 = tpu.memref_slice %arg5[%dma_wait3A_140] : memref<624xi32, #tpu.memory_space<vmem>> -> memref<48xi32, #tpu.memory_space<vmem>>
    %dma_wait3A_142 = arith.constant 0 : i32
    %dma_wait3A_143 = arith.constant 0 : i32
    %dma_wait3A_144 = tpu.memref_slice %arg2[%dma_wait3A_142, %dma_wait3A_143] : memref<16384x128xf32, #tpu.memory_space<hbm>> -> memref<16384x128xf32, #tpu.memory_space<hbm>>
    tpu.wait_indirect_dma semaphore(%arg7 : memref<!tpu.dma_semaphore, #tpu.memory_space<semaphore_mem>>) src(%dma_wait3A_144 : memref<16384x128xf32, #tpu.memory_space<hbm>>) dst(%dma_wait3A_139 : memref<48x128xf32, #tpu.memory_space<vmem>>)
    %dma_wait3A_145 = arith.constant 240 : i32
    %dma_wait3A_146 = arith.constant 0 : i32
    %dma_wait3A_147 = tpu.memref_slice %arg6[%dma_wait3A_145, %dma_wait3A_146] : memref<624x128xf32, #tpu.memory_space<vmem>> -> memref<48x128xf32, #tpu.memory_space<vmem>>
    %dma_wait3A_148 = arith.constant 240 : i32
    %dma_wait3A_149 = tpu.memref_slice %arg5[%dma_wait3A_148] : memref<624xi32, #tpu.memory_space<vmem>> -> memref<48xi32, #tpu.memory_space<vmem>>
    %dma_wait3A_150 = arith.constant 0 : i32
    %dma_wait3A_151 = arith.constant 0 : i32
    %dma_wait3A_152 = tpu.memref_slice %arg2[%dma_wait3A_150, %dma_wait3A_151] : memref<16384x128xf32, #tpu.memory_space<hbm>> -> memref<16384x128xf32, #tpu.memory_space<hbm>>
    tpu.wait_indirect_dma semaphore(%arg8 : memref<!tpu.dma_semaphore, #tpu.memory_space<semaphore_mem>>) src(%dma_wait3A_152 : memref<16384x128xf32, #tpu.memory_space<hbm>>) dst(%dma_wait3A_147 : memref<48x128xf32, #tpu.memory_space<vmem>>)
    %dma_wait3A_153 = arith.constant 288 : i32
    %dma_wait3A_154 = arith.constant 0 : i32
    %dma_wait3A_155 = tpu.memref_slice %arg6[%dma_wait3A_153, %dma_wait3A_154] : memref<624x128xf32, #tpu.memory_space<vmem>> -> memref<48x128xf32, #tpu.memory_space<vmem>>
    %dma_wait3A_156 = arith.constant 288 : i32
    %dma_wait3A_157 = tpu.memref_slice %arg5[%dma_wait3A_156] : memref<624xi32, #tpu.memory_space<vmem>> -> memref<48xi32, #tpu.memory_space<vmem>>
    %dma_wait3A_158 = arith.constant 0 : i32
    %dma_wait3A_159 = arith.constant 0 : i32
    %dma_wait3A_160 = tpu.memref_slice %arg2[%dma_wait3A_158, %dma_wait3A_159] : memref<16384x128xf32, #tpu.memory_space<hbm>> -> memref<16384x128xf32, #tpu.memory_space<hbm>>
    tpu.wait_indirect_dma semaphore(%arg9 : memref<!tpu.dma_semaphore, #tpu.memory_space<semaphore_mem>>) src(%dma_wait3A_160 : memref<16384x128xf32, #tpu.memory_space<hbm>>) dst(%dma_wait3A_155 : memref<48x128xf32, #tpu.memory_space<vmem>>)
    %dma_wait3A_161 = arith.constant 336 : i32
    %dma_wait3A_162 = arith.constant 0 : i32
    %dma_wait3A_163 = tpu.memref_slice %arg6[%dma_wait3A_161, %dma_wait3A_162] : memref<624x128xf32, #tpu.memory_space<vmem>> -> memref<48x128xf32, #tpu.memory_space<vmem>>
    %dma_wait3A_164 = arith.constant 336 : i32
    %dma_wait3A_165 = tpu.memref_slice %arg5[%dma_wait3A_164] : memref<624xi32, #tpu.memory_space<vmem>> -> memref<48xi32, #tpu.memory_space<vmem>>
    %dma_wait3A_166 = arith.constant 0 : i32
    %dma_wait3A_167 = arith.constant 0 : i32
    %dma_wait3A_168 = tpu.memref_slice %arg2[%dma_wait3A_166, %dma_wait3A_167] : memref<16384x128xf32, #tpu.memory_space<hbm>> -> memref<16384x128xf32, #tpu.memory_space<hbm>>
    tpu.wait_indirect_dma semaphore(%arg10 : memref<!tpu.dma_semaphore, #tpu.memory_space<semaphore_mem>>) src(%dma_wait3A_168 : memref<16384x128xf32, #tpu.memory_space<hbm>>) dst(%dma_wait3A_163 : memref<48x128xf32, #tpu.memory_space<vmem>>)
    %dma_wait3A_169 = arith.constant 384 : i32
    %dma_wait3A_170 = arith.constant 0 : i32
    %dma_wait3A_171 = tpu.memref_slice %arg6[%dma_wait3A_169, %dma_wait3A_170] : memref<624x128xf32, #tpu.memory_space<vmem>> -> memref<48x128xf32, #tpu.memory_space<vmem>>
    %dma_wait3A_172 = arith.constant 384 : i32
    %dma_wait3A_173 = tpu.memref_slice %arg5[%dma_wait3A_172] : memref<624xi32, #tpu.memory_space<vmem>> -> memref<48xi32, #tpu.memory_space<vmem>>
    %dma_wait3A_174 = arith.constant 0 : i32
    %dma_wait3A_175 = arith.constant 0 : i32
    %dma_wait3A_176 = tpu.memref_slice %arg2[%dma_wait3A_174, %dma_wait3A_175] : memref<16384x128xf32, #tpu.memory_space<hbm>> -> memref<16384x128xf32, #tpu.memory_space<hbm>>
    tpu.wait_indirect_dma semaphore(%arg7 : memref<!tpu.dma_semaphore, #tpu.memory_space<semaphore_mem>>) src(%dma_wait3A_176 : memref<16384x128xf32, #tpu.memory_space<hbm>>) dst(%dma_wait3A_171 : memref<48x128xf32, #tpu.memory_space<vmem>>)
    %dma_wait3A_177 = arith.constant 432 : i32
    %dma_wait3A_178 = arith.constant 0 : i32
    %dma_wait3A_179 = tpu.memref_slice %arg6[%dma_wait3A_177, %dma_wait3A_178] : memref<624x128xf32, #tpu.memory_space<vmem>> -> memref<48x128xf32, #tpu.memory_space<vmem>>
    %dma_wait3A_180 = arith.constant 432 : i32
    %dma_wait3A_181 = tpu.memref_slice %arg5[%dma_wait3A_180] : memref<624xi32, #tpu.memory_space<vmem>> -> memref<48xi32, #tpu.memory_space<vmem>>
    %dma_wait3A_182 = arith.constant 0 : i32
    %dma_wait3A_183 = arith.constant 0 : i32
    %dma_wait3A_184 = tpu.memref_slice %arg2[%dma_wait3A_182, %dma_wait3A_183] : memref<16384x128xf32, #tpu.memory_space<hbm>> -> memref<16384x128xf32, #tpu.memory_space<hbm>>
    tpu.wait_indirect_dma semaphore(%arg8 : memref<!tpu.dma_semaphore, #tpu.memory_space<semaphore_mem>>) src(%dma_wait3A_184 : memref<16384x128xf32, #tpu.memory_space<hbm>>) dst(%dma_wait3A_179 : memref<48x128xf32, #tpu.memory_space<vmem>>)
    %dma_wait3A_185 = arith.constant 480 : i32
    %dma_wait3A_186 = arith.constant 0 : i32
    %dma_wait3A_187 = tpu.memref_slice %arg6[%dma_wait3A_185, %dma_wait3A_186] : memref<624x128xf32, #tpu.memory_space<vmem>> -> memref<48x128xf32, #tpu.memory_space<vmem>>
    %dma_wait3A_188 = arith.constant 480 : i32
    %dma_wait3A_189 = tpu.memref_slice %arg5[%dma_wait3A_188] : memref<624xi32, #tpu.memory_space<vmem>> -> memref<48xi32, #tpu.memory_space<vmem>>
    %dma_wait3A_190 = arith.constant 0 : i32
    %dma_wait3A_191 = arith.constant 0 : i32
    %dma_wait3A_192 = tpu.memref_slice %arg2[%dma_wait3A_190, %dma_wait3A_191] : memref<16384x128xf32, #tpu.memory_space<hbm>> -> memref<16384x128xf32, #tpu.memory_space<hbm>>
    tpu.wait_indirect_dma semaphore(%arg9 : memref<!tpu.dma_semaphore, #tpu.memory_space<semaphore_mem>>) src(%dma_wait3A_192 : memref<16384x128xf32, #tpu.memory_space<hbm>>) dst(%dma_wait3A_187 : memref<48x128xf32, #tpu.memory_space<vmem>>)
    %dma_wait3A_193 = arith.constant 528 : i32
    %dma_wait3A_194 = arith.constant 0 : i32
    %dma_wait3A_195 = tpu.memref_slice %arg6[%dma_wait3A_193, %dma_wait3A_194] : memref<624x128xf32, #tpu.memory_space<vmem>> -> memref<48x128xf32, #tpu.memory_space<vmem>>
    %dma_wait3A_196 = arith.constant 528 : i32
    %dma_wait3A_197 = tpu.memref_slice %arg5[%dma_wait3A_196] : memref<624xi32, #tpu.memory_space<vmem>> -> memref<48xi32, #tpu.memory_space<vmem>>
    %dma_wait3A_198 = arith.constant 0 : i32
    %dma_wait3A_199 = arith.constant 0 : i32
    %dma_wait3A_200 = tpu.memref_slice %arg2[%dma_wait3A_198, %dma_wait3A_199] : memref<16384x128xf32, #tpu.memory_space<hbm>> -> memref<16384x128xf32, #tpu.memory_space<hbm>>
    tpu.wait_indirect_dma semaphore(%arg10 : memref<!tpu.dma_semaphore, #tpu.memory_space<semaphore_mem>>) src(%dma_wait3A_200 : memref<16384x128xf32, #tpu.memory_space<hbm>>) dst(%dma_wait3A_195 : memref<48x128xf32, #tpu.memory_space<vmem>>)
    %dma_wait3A_201 = arith.constant 576 : i32
    %dma_wait3A_202 = arith.constant 0 : i32
    %dma_wait3A_203 = tpu.memref_slice %arg6[%dma_wait3A_201, %dma_wait3A_202] : memref<624x128xf32, #tpu.memory_space<vmem>> -> memref<48x128xf32, #tpu.memory_space<vmem>>
    %dma_wait3A_204 = arith.constant 576 : i32
    %dma_wait3A_205 = tpu.memref_slice %arg5[%dma_wait3A_204] : memref<624xi32, #tpu.memory_space<vmem>> -> memref<48xi32, #tpu.memory_space<vmem>>
    %dma_wait3A_206 = arith.constant 0 : i32
    %dma_wait3A_207 = arith.constant 0 : i32
    %dma_wait3A_208 = tpu.memref_slice %arg2[%dma_wait3A_206, %dma_wait3A_207] : memref<16384x128xf32, #tpu.memory_space<hbm>> -> memref<16384x128xf32, #tpu.memory_space<hbm>>
    tpu.wait_indirect_dma semaphore(%arg7 : memref<!tpu.dma_semaphore, #tpu.memory_space<semaphore_mem>>) src(%dma_wait3A_208 : memref<16384x128xf32, #tpu.memory_space<hbm>>) dst(%dma_wait3A_203 : memref<48x128xf32, #tpu.memory_space<vmem>>)
    %dma_start3A_209 = arith.constant 0 : i32
    %dma_start3A_210 = tpu.memref_slice %arg4[%mul3A_2, %dma_start3A_209] : memref<19968x128xf32, #tpu.memory_space<hbm>> -> memref<624x128xf32, #tpu.memory_space<hbm>>
    %dma_start3A_211 = arith.constant 0 : i32
    %dma_start3A_212 = tpu.memref_slice %arg4[%mul3A_2, %dma_start3A_211] : memref<19968x128xf32, #tpu.memory_space<hbm>> -> memref<624x128xf32, #tpu.memory_space<hbm>>
    tpu.enqueue_dma source(%arg6 : memref<624x128xf32, #tpu.memory_space<vmem>>) target(%dma_start3A_212 : memref<624x128xf32, #tpu.memory_space<hbm>>) target_semaphore(%arg11 : memref<!tpu.dma_semaphore, #tpu.memory_space<semaphore_mem>>)
    %dma_wait3A_213 = arith.constant 0 : i32
    %dma_wait3A_214 = tpu.memref_slice %arg4[%mul3A_2, %dma_wait3A_213] : memref<19968x128xf32, #tpu.memory_space<hbm>> -> memref<624x128xf32, #tpu.memory_space<hbm>>
    %dma_wait3A_215 = arith.constant 0 : i32
    %dma_wait3A_216 = tpu.memref_slice %arg4[%mul3A_2, %dma_wait3A_215] : memref<19968x128xf32, #tpu.memory_space<hbm>> -> memref<624x128xf32, #tpu.memory_space<hbm>>
    tpu.wait_dma2 semaphore(%arg11 : memref<!tpu.dma_semaphore, #tpu.memory_space<semaphore_mem>>) src(%arg6 : memref<624x128xf32, #tpu.memory_space<vmem>>) dst(%dma_wait3A_216 : memref<624x128xf32, #tpu.memory_space<hbm>>)
    return
  }
}

#map = affine_map<(d0, d1) -> (0, 0)>
#map1 = affine_map<(d0, d1) -> (0)>
module attributes {stable_mosaic.version = 14 : i64} {
  func.func @k(%arg0: i32, %arg1: i32, %arg2: memref<19968x128xf32, #tpu.memory_space<hbm>>, %arg3: memref<16384xi32, #tpu.memory_space<hbm>>, %arg4: memref<16384x128xf32, #tpu.memory_space<hbm>>, %arg5: memref<512xi32, #tpu.memory_space<vmem>>, %arg6: memref<512x128xf32, #tpu.memory_space<vmem>>, %arg7: memref<!tpu.dma_semaphore, #tpu.memory_space<semaphore_mem>>, %arg8: memref<!tpu.dma_semaphore, #tpu.memory_space<semaphore_mem>>, %arg9: memref<!tpu.dma_semaphore, #tpu.memory_space<semaphore_mem>>, %arg10: memref<!tpu.dma_semaphore, #tpu.memory_space<semaphore_mem>>, %arg11: memref<!tpu.dma_semaphore, #tpu.memory_space<semaphore_mem>>) attributes {dimension_semantics = [#tpu.dimension_semantics<core_parallel>, #tpu.dimension_semantics<subcore_parallel>], iteration_bounds = array<i64: 2, 16>, scalar_prefetch = 0 : i64, scratch_operands = 7 : i64, tpu.core_type = #tpu.core_type<sc_vector_subcore>, window_params = [{transform_indices = #map}, {transform_indices = #map1}, {transform_indices = #map}]} {
    %mul3A = arith.constant 2 : i32
    %mul3A_0 = arith.muli %arg1, %mul3A : i32
    %add3A = arith.addi %mul3A_0, %arg0 : i32
    %mul3A_1 = arith.constant 512 : i32
    %mul3A_2 = arith.muli %add3A, %mul3A_1 : i32
    "tpu.region"() ({
      %run_scoped3A = tpu.sem_alloc : memref<!tpu.dma_semaphore, #tpu.memory_space<semaphore_mem>>
      %dma_start3A_265 = tpu.memref_slice %arg3[%mul3A_2] : memref<16384xi32, #tpu.memory_space<hbm>> -> memref<512xi32, #tpu.memory_space<hbm>>
      %dma_start3A_266 = tpu.memref_slice %arg3[%mul3A_2] : memref<16384xi32, #tpu.memory_space<hbm>> -> memref<512xi32, #tpu.memory_space<hbm>>
      tpu.enqueue_dma source(%dma_start3A_266 : memref<512xi32, #tpu.memory_space<hbm>>) target(%arg5 : memref<512xi32, #tpu.memory_space<vmem>>) target_semaphore(%run_scoped3A : memref<!tpu.dma_semaphore, #tpu.memory_space<semaphore_mem>>)
      %dma_wait3A_267 = tpu.memref_slice %arg3[%mul3A_2] : memref<16384xi32, #tpu.memory_space<hbm>> -> memref<512xi32, #tpu.memory_space<hbm>>
      %dma_wait3A_268 = tpu.memref_slice %arg3[%mul3A_2] : memref<16384xi32, #tpu.memory_space<hbm>> -> memref<512xi32, #tpu.memory_space<hbm>>
      tpu.wait_dma2 semaphore(%run_scoped3A : memref<!tpu.dma_semaphore, #tpu.memory_space<semaphore_mem>>) src(%dma_wait3A_268 : memref<512xi32, #tpu.memory_space<hbm>>) dst(%arg5 : memref<512xi32, #tpu.memory_space<vmem>>)
      tpu.yield
    }) : () -> ()
    %dma_start3A = arith.constant 0 : i32
    %dma_start3A_3 = arith.constant 0 : i32
    %dma_start3A_4 = tpu.memref_slice %arg6[%dma_start3A, %dma_start3A_3] : memref<512x128xf32, #tpu.memory_space<vmem>> -> memref<32x128xf32, #tpu.memory_space<vmem>>
    %dma_start3A_5 = arith.constant 0 : i32
    %dma_start3A_6 = tpu.memref_slice %arg5[%dma_start3A_5] : memref<512xi32, #tpu.memory_space<vmem>> -> memref<32xi32, #tpu.memory_space<vmem>>
    %dma_start3A_7 = arith.constant 0 : i32
    %dma_start3A_8 = arith.constant 0 : i32
    %dma_start3A_9 = tpu.memref_slice %arg2[%dma_start3A_7, %dma_start3A_8] : memref<19968x128xf32, #tpu.memory_space<hbm>> -> memref<19968x128xf32, #tpu.memory_space<hbm>>
    tpu.enqueue_indirect_dma source(%dma_start3A_9 : memref<19968x128xf32, #tpu.memory_space<hbm>>) target(%dma_start3A_4 : memref<32x128xf32, #tpu.memory_space<vmem>>) offsets(%dma_start3A_6 : memref<32xi32, #tpu.memory_space<vmem>>) semaphore(%arg7 : memref<!tpu.dma_semaphore, #tpu.memory_space<semaphore_mem>>)
    %dma_start3A_10 = arith.constant 32 : i32
    %dma_start3A_11 = arith.constant 0 : i32
    %dma_start3A_12 = tpu.memref_slice %arg6[%dma_start3A_10, %dma_start3A_11] : memref<512x128xf32, #tpu.memory_space<vmem>> -> memref<32x128xf32, #tpu.memory_space<vmem>>
    %dma_start3A_13 = arith.constant 32 : i32
    %dma_start3A_14 = tpu.memref_slice %arg5[%dma_start3A_13] : memref<512xi32, #tpu.memory_space<vmem>> -> memref<32xi32, #tpu.memory_space<vmem>>
    %dma_start3A_15 = arith.constant 0 : i32
    %dma_start3A_16 = arith.constant 0 : i32
    %dma_start3A_17 = tpu.memref_slice %arg2[%dma_start3A_15, %dma_start3A_16] : memref<19968x128xf32, #tpu.memory_space<hbm>> -> memref<19968x128xf32, #tpu.memory_space<hbm>>
    tpu.enqueue_indirect_dma source(%dma_start3A_17 : memref<19968x128xf32, #tpu.memory_space<hbm>>) target(%dma_start3A_12 : memref<32x128xf32, #tpu.memory_space<vmem>>) offsets(%dma_start3A_14 : memref<32xi32, #tpu.memory_space<vmem>>) semaphore(%arg8 : memref<!tpu.dma_semaphore, #tpu.memory_space<semaphore_mem>>)
    %dma_start3A_18 = arith.constant 64 : i32
    %dma_start3A_19 = arith.constant 0 : i32
    %dma_start3A_20 = tpu.memref_slice %arg6[%dma_start3A_18, %dma_start3A_19] : memref<512x128xf32, #tpu.memory_space<vmem>> -> memref<32x128xf32, #tpu.memory_space<vmem>>
    %dma_start3A_21 = arith.constant 64 : i32
    %dma_start3A_22 = tpu.memref_slice %arg5[%dma_start3A_21] : memref<512xi32, #tpu.memory_space<vmem>> -> memref<32xi32, #tpu.memory_space<vmem>>
    %dma_start3A_23 = arith.constant 0 : i32
    %dma_start3A_24 = arith.constant 0 : i32
    %dma_start3A_25 = tpu.memref_slice %arg2[%dma_start3A_23, %dma_start3A_24] : memref<19968x128xf32, #tpu.memory_space<hbm>> -> memref<19968x128xf32, #tpu.memory_space<hbm>>
    tpu.enqueue_indirect_dma source(%dma_start3A_25 : memref<19968x128xf32, #tpu.memory_space<hbm>>) target(%dma_start3A_20 : memref<32x128xf32, #tpu.memory_space<vmem>>) offsets(%dma_start3A_22 : memref<32xi32, #tpu.memory_space<vmem>>) semaphore(%arg9 : memref<!tpu.dma_semaphore, #tpu.memory_space<semaphore_mem>>)
    %dma_start3A_26 = arith.constant 96 : i32
    %dma_start3A_27 = arith.constant 0 : i32
    %dma_start3A_28 = tpu.memref_slice %arg6[%dma_start3A_26, %dma_start3A_27] : memref<512x128xf32, #tpu.memory_space<vmem>> -> memref<32x128xf32, #tpu.memory_space<vmem>>
    %dma_start3A_29 = arith.constant 96 : i32
    %dma_start3A_30 = tpu.memref_slice %arg5[%dma_start3A_29] : memref<512xi32, #tpu.memory_space<vmem>> -> memref<32xi32, #tpu.memory_space<vmem>>
    %dma_start3A_31 = arith.constant 0 : i32
    %dma_start3A_32 = arith.constant 0 : i32
    %dma_start3A_33 = tpu.memref_slice %arg2[%dma_start3A_31, %dma_start3A_32] : memref<19968x128xf32, #tpu.memory_space<hbm>> -> memref<19968x128xf32, #tpu.memory_space<hbm>>
    tpu.enqueue_indirect_dma source(%dma_start3A_33 : memref<19968x128xf32, #tpu.memory_space<hbm>>) target(%dma_start3A_28 : memref<32x128xf32, #tpu.memory_space<vmem>>) offsets(%dma_start3A_30 : memref<32xi32, #tpu.memory_space<vmem>>) semaphore(%arg10 : memref<!tpu.dma_semaphore, #tpu.memory_space<semaphore_mem>>)
    %dma_start3A_34 = arith.constant 128 : i32
    %dma_start3A_35 = arith.constant 0 : i32
    %dma_start3A_36 = tpu.memref_slice %arg6[%dma_start3A_34, %dma_start3A_35] : memref<512x128xf32, #tpu.memory_space<vmem>> -> memref<32x128xf32, #tpu.memory_space<vmem>>
    %dma_start3A_37 = arith.constant 128 : i32
    %dma_start3A_38 = tpu.memref_slice %arg5[%dma_start3A_37] : memref<512xi32, #tpu.memory_space<vmem>> -> memref<32xi32, #tpu.memory_space<vmem>>
    %dma_start3A_39 = arith.constant 0 : i32
    %dma_start3A_40 = arith.constant 0 : i32
    %dma_start3A_41 = tpu.memref_slice %arg2[%dma_start3A_39, %dma_start3A_40] : memref<19968x128xf32, #tpu.memory_space<hbm>> -> memref<19968x128xf32, #tpu.memory_space<hbm>>
    tpu.enqueue_indirect_dma source(%dma_start3A_41 : memref<19968x128xf32, #tpu.memory_space<hbm>>) target(%dma_start3A_36 : memref<32x128xf32, #tpu.memory_space<vmem>>) offsets(%dma_start3A_38 : memref<32xi32, #tpu.memory_space<vmem>>) semaphore(%arg7 : memref<!tpu.dma_semaphore, #tpu.memory_space<semaphore_mem>>)
    %dma_start3A_42 = arith.constant 160 : i32
    %dma_start3A_43 = arith.constant 0 : i32
    %dma_start3A_44 = tpu.memref_slice %arg6[%dma_start3A_42, %dma_start3A_43] : memref<512x128xf32, #tpu.memory_space<vmem>> -> memref<32x128xf32, #tpu.memory_space<vmem>>
    %dma_start3A_45 = arith.constant 160 : i32
    %dma_start3A_46 = tpu.memref_slice %arg5[%dma_start3A_45] : memref<512xi32, #tpu.memory_space<vmem>> -> memref<32xi32, #tpu.memory_space<vmem>>
    %dma_start3A_47 = arith.constant 0 : i32
    %dma_start3A_48 = arith.constant 0 : i32
    %dma_start3A_49 = tpu.memref_slice %arg2[%dma_start3A_47, %dma_start3A_48] : memref<19968x128xf32, #tpu.memory_space<hbm>> -> memref<19968x128xf32, #tpu.memory_space<hbm>>
    tpu.enqueue_indirect_dma source(%dma_start3A_49 : memref<19968x128xf32, #tpu.memory_space<hbm>>) target(%dma_start3A_44 : memref<32x128xf32, #tpu.memory_space<vmem>>) offsets(%dma_start3A_46 : memref<32xi32, #tpu.memory_space<vmem>>) semaphore(%arg8 : memref<!tpu.dma_semaphore, #tpu.memory_space<semaphore_mem>>)
    %dma_start3A_50 = arith.constant 192 : i32
    %dma_start3A_51 = arith.constant 0 : i32
    %dma_start3A_52 = tpu.memref_slice %arg6[%dma_start3A_50, %dma_start3A_51] : memref<512x128xf32, #tpu.memory_space<vmem>> -> memref<32x128xf32, #tpu.memory_space<vmem>>
    %dma_start3A_53 = arith.constant 192 : i32
    %dma_start3A_54 = tpu.memref_slice %arg5[%dma_start3A_53] : memref<512xi32, #tpu.memory_space<vmem>> -> memref<32xi32, #tpu.memory_space<vmem>>
    %dma_start3A_55 = arith.constant 0 : i32
    %dma_start3A_56 = arith.constant 0 : i32
    %dma_start3A_57 = tpu.memref_slice %arg2[%dma_start3A_55, %dma_start3A_56] : memref<19968x128xf32, #tpu.memory_space<hbm>> -> memref<19968x128xf32, #tpu.memory_space<hbm>>
    tpu.enqueue_indirect_dma source(%dma_start3A_57 : memref<19968x128xf32, #tpu.memory_space<hbm>>) target(%dma_start3A_52 : memref<32x128xf32, #tpu.memory_space<vmem>>) offsets(%dma_start3A_54 : memref<32xi32, #tpu.memory_space<vmem>>) semaphore(%arg9 : memref<!tpu.dma_semaphore, #tpu.memory_space<semaphore_mem>>)
    %dma_start3A_58 = arith.constant 224 : i32
    %dma_start3A_59 = arith.constant 0 : i32
    %dma_start3A_60 = tpu.memref_slice %arg6[%dma_start3A_58, %dma_start3A_59] : memref<512x128xf32, #tpu.memory_space<vmem>> -> memref<32x128xf32, #tpu.memory_space<vmem>>
    %dma_start3A_61 = arith.constant 224 : i32
    %dma_start3A_62 = tpu.memref_slice %arg5[%dma_start3A_61] : memref<512xi32, #tpu.memory_space<vmem>> -> memref<32xi32, #tpu.memory_space<vmem>>
    %dma_start3A_63 = arith.constant 0 : i32
    %dma_start3A_64 = arith.constant 0 : i32
    %dma_start3A_65 = tpu.memref_slice %arg2[%dma_start3A_63, %dma_start3A_64] : memref<19968x128xf32, #tpu.memory_space<hbm>> -> memref<19968x128xf32, #tpu.memory_space<hbm>>
    tpu.enqueue_indirect_dma source(%dma_start3A_65 : memref<19968x128xf32, #tpu.memory_space<hbm>>) target(%dma_start3A_60 : memref<32x128xf32, #tpu.memory_space<vmem>>) offsets(%dma_start3A_62 : memref<32xi32, #tpu.memory_space<vmem>>) semaphore(%arg10 : memref<!tpu.dma_semaphore, #tpu.memory_space<semaphore_mem>>)
    %dma_start3A_66 = arith.constant 256 : i32
    %dma_start3A_67 = arith.constant 0 : i32
    %dma_start3A_68 = tpu.memref_slice %arg6[%dma_start3A_66, %dma_start3A_67] : memref<512x128xf32, #tpu.memory_space<vmem>> -> memref<32x128xf32, #tpu.memory_space<vmem>>
    %dma_start3A_69 = arith.constant 256 : i32
    %dma_start3A_70 = tpu.memref_slice %arg5[%dma_start3A_69] : memref<512xi32, #tpu.memory_space<vmem>> -> memref<32xi32, #tpu.memory_space<vmem>>
    %dma_start3A_71 = arith.constant 0 : i32
    %dma_start3A_72 = arith.constant 0 : i32
    %dma_start3A_73 = tpu.memref_slice %arg2[%dma_start3A_71, %dma_start3A_72] : memref<19968x128xf32, #tpu.memory_space<hbm>> -> memref<19968x128xf32, #tpu.memory_space<hbm>>
    tpu.enqueue_indirect_dma source(%dma_start3A_73 : memref<19968x128xf32, #tpu.memory_space<hbm>>) target(%dma_start3A_68 : memref<32x128xf32, #tpu.memory_space<vmem>>) offsets(%dma_start3A_70 : memref<32xi32, #tpu.memory_space<vmem>>) semaphore(%arg7 : memref<!tpu.dma_semaphore, #tpu.memory_space<semaphore_mem>>)
    %dma_start3A_74 = arith.constant 288 : i32
    %dma_start3A_75 = arith.constant 0 : i32
    %dma_start3A_76 = tpu.memref_slice %arg6[%dma_start3A_74, %dma_start3A_75] : memref<512x128xf32, #tpu.memory_space<vmem>> -> memref<32x128xf32, #tpu.memory_space<vmem>>
    %dma_start3A_77 = arith.constant 288 : i32
    %dma_start3A_78 = tpu.memref_slice %arg5[%dma_start3A_77] : memref<512xi32, #tpu.memory_space<vmem>> -> memref<32xi32, #tpu.memory_space<vmem>>
    %dma_start3A_79 = arith.constant 0 : i32
    %dma_start3A_80 = arith.constant 0 : i32
    %dma_start3A_81 = tpu.memref_slice %arg2[%dma_start3A_79, %dma_start3A_80] : memref<19968x128xf32, #tpu.memory_space<hbm>> -> memref<19968x128xf32, #tpu.memory_space<hbm>>
    tpu.enqueue_indirect_dma source(%dma_start3A_81 : memref<19968x128xf32, #tpu.memory_space<hbm>>) target(%dma_start3A_76 : memref<32x128xf32, #tpu.memory_space<vmem>>) offsets(%dma_start3A_78 : memref<32xi32, #tpu.memory_space<vmem>>) semaphore(%arg8 : memref<!tpu.dma_semaphore, #tpu.memory_space<semaphore_mem>>)
    %dma_start3A_82 = arith.constant 320 : i32
    %dma_start3A_83 = arith.constant 0 : i32
    %dma_start3A_84 = tpu.memref_slice %arg6[%dma_start3A_82, %dma_start3A_83] : memref<512x128xf32, #tpu.memory_space<vmem>> -> memref<32x128xf32, #tpu.memory_space<vmem>>
    %dma_start3A_85 = arith.constant 320 : i32
    %dma_start3A_86 = tpu.memref_slice %arg5[%dma_start3A_85] : memref<512xi32, #tpu.memory_space<vmem>> -> memref<32xi32, #tpu.memory_space<vmem>>
    %dma_start3A_87 = arith.constant 0 : i32
    %dma_start3A_88 = arith.constant 0 : i32
    %dma_start3A_89 = tpu.memref_slice %arg2[%dma_start3A_87, %dma_start3A_88] : memref<19968x128xf32, #tpu.memory_space<hbm>> -> memref<19968x128xf32, #tpu.memory_space<hbm>>
    tpu.enqueue_indirect_dma source(%dma_start3A_89 : memref<19968x128xf32, #tpu.memory_space<hbm>>) target(%dma_start3A_84 : memref<32x128xf32, #tpu.memory_space<vmem>>) offsets(%dma_start3A_86 : memref<32xi32, #tpu.memory_space<vmem>>) semaphore(%arg9 : memref<!tpu.dma_semaphore, #tpu.memory_space<semaphore_mem>>)
    %dma_start3A_90 = arith.constant 352 : i32
    %dma_start3A_91 = arith.constant 0 : i32
    %dma_start3A_92 = tpu.memref_slice %arg6[%dma_start3A_90, %dma_start3A_91] : memref<512x128xf32, #tpu.memory_space<vmem>> -> memref<32x128xf32, #tpu.memory_space<vmem>>
    %dma_start3A_93 = arith.constant 352 : i32
    %dma_start3A_94 = tpu.memref_slice %arg5[%dma_start3A_93] : memref<512xi32, #tpu.memory_space<vmem>> -> memref<32xi32, #tpu.memory_space<vmem>>
    %dma_start3A_95 = arith.constant 0 : i32
    %dma_start3A_96 = arith.constant 0 : i32
    %dma_start3A_97 = tpu.memref_slice %arg2[%dma_start3A_95, %dma_start3A_96] : memref<19968x128xf32, #tpu.memory_space<hbm>> -> memref<19968x128xf32, #tpu.memory_space<hbm>>
    tpu.enqueue_indirect_dma source(%dma_start3A_97 : memref<19968x128xf32, #tpu.memory_space<hbm>>) target(%dma_start3A_92 : memref<32x128xf32, #tpu.memory_space<vmem>>) offsets(%dma_start3A_94 : memref<32xi32, #tpu.memory_space<vmem>>) semaphore(%arg10 : memref<!tpu.dma_semaphore, #tpu.memory_space<semaphore_mem>>)
    %dma_start3A_98 = arith.constant 384 : i32
    %dma_start3A_99 = arith.constant 0 : i32
    %dma_start3A_100 = tpu.memref_slice %arg6[%dma_start3A_98, %dma_start3A_99] : memref<512x128xf32, #tpu.memory_space<vmem>> -> memref<32x128xf32, #tpu.memory_space<vmem>>
    %dma_start3A_101 = arith.constant 384 : i32
    %dma_start3A_102 = tpu.memref_slice %arg5[%dma_start3A_101] : memref<512xi32, #tpu.memory_space<vmem>> -> memref<32xi32, #tpu.memory_space<vmem>>
    %dma_start3A_103 = arith.constant 0 : i32
    %dma_start3A_104 = arith.constant 0 : i32
    %dma_start3A_105 = tpu.memref_slice %arg2[%dma_start3A_103, %dma_start3A_104] : memref<19968x128xf32, #tpu.memory_space<hbm>> -> memref<19968x128xf32, #tpu.memory_space<hbm>>
    tpu.enqueue_indirect_dma source(%dma_start3A_105 : memref<19968x128xf32, #tpu.memory_space<hbm>>) target(%dma_start3A_100 : memref<32x128xf32, #tpu.memory_space<vmem>>) offsets(%dma_start3A_102 : memref<32xi32, #tpu.memory_space<vmem>>) semaphore(%arg7 : memref<!tpu.dma_semaphore, #tpu.memory_space<semaphore_mem>>)
    %dma_start3A_106 = arith.constant 416 : i32
    %dma_start3A_107 = arith.constant 0 : i32
    %dma_start3A_108 = tpu.memref_slice %arg6[%dma_start3A_106, %dma_start3A_107] : memref<512x128xf32, #tpu.memory_space<vmem>> -> memref<32x128xf32, #tpu.memory_space<vmem>>
    %dma_start3A_109 = arith.constant 416 : i32
    %dma_start3A_110 = tpu.memref_slice %arg5[%dma_start3A_109] : memref<512xi32, #tpu.memory_space<vmem>> -> memref<32xi32, #tpu.memory_space<vmem>>
    %dma_start3A_111 = arith.constant 0 : i32
    %dma_start3A_112 = arith.constant 0 : i32
    %dma_start3A_113 = tpu.memref_slice %arg2[%dma_start3A_111, %dma_start3A_112] : memref<19968x128xf32, #tpu.memory_space<hbm>> -> memref<19968x128xf32, #tpu.memory_space<hbm>>
    tpu.enqueue_indirect_dma source(%dma_start3A_113 : memref<19968x128xf32, #tpu.memory_space<hbm>>) target(%dma_start3A_108 : memref<32x128xf32, #tpu.memory_space<vmem>>) offsets(%dma_start3A_110 : memref<32xi32, #tpu.memory_space<vmem>>) semaphore(%arg8 : memref<!tpu.dma_semaphore, #tpu.memory_space<semaphore_mem>>)
    %dma_start3A_114 = arith.constant 448 : i32
    %dma_start3A_115 = arith.constant 0 : i32
    %dma_start3A_116 = tpu.memref_slice %arg6[%dma_start3A_114, %dma_start3A_115] : memref<512x128xf32, #tpu.memory_space<vmem>> -> memref<32x128xf32, #tpu.memory_space<vmem>>
    %dma_start3A_117 = arith.constant 448 : i32
    %dma_start3A_118 = tpu.memref_slice %arg5[%dma_start3A_117] : memref<512xi32, #tpu.memory_space<vmem>> -> memref<32xi32, #tpu.memory_space<vmem>>
    %dma_start3A_119 = arith.constant 0 : i32
    %dma_start3A_120 = arith.constant 0 : i32
    %dma_start3A_121 = tpu.memref_slice %arg2[%dma_start3A_119, %dma_start3A_120] : memref<19968x128xf32, #tpu.memory_space<hbm>> -> memref<19968x128xf32, #tpu.memory_space<hbm>>
    tpu.enqueue_indirect_dma source(%dma_start3A_121 : memref<19968x128xf32, #tpu.memory_space<hbm>>) target(%dma_start3A_116 : memref<32x128xf32, #tpu.memory_space<vmem>>) offsets(%dma_start3A_118 : memref<32xi32, #tpu.memory_space<vmem>>) semaphore(%arg9 : memref<!tpu.dma_semaphore, #tpu.memory_space<semaphore_mem>>)
    %dma_start3A_122 = arith.constant 480 : i32
    %dma_start3A_123 = arith.constant 0 : i32
    %dma_start3A_124 = tpu.memref_slice %arg6[%dma_start3A_122, %dma_start3A_123] : memref<512x128xf32, #tpu.memory_space<vmem>> -> memref<32x128xf32, #tpu.memory_space<vmem>>
    %dma_start3A_125 = arith.constant 480 : i32
    %dma_start3A_126 = tpu.memref_slice %arg5[%dma_start3A_125] : memref<512xi32, #tpu.memory_space<vmem>> -> memref<32xi32, #tpu.memory_space<vmem>>
    %dma_start3A_127 = arith.constant 0 : i32
    %dma_start3A_128 = arith.constant 0 : i32
    %dma_start3A_129 = tpu.memref_slice %arg2[%dma_start3A_127, %dma_start3A_128] : memref<19968x128xf32, #tpu.memory_space<hbm>> -> memref<19968x128xf32, #tpu.memory_space<hbm>>
    tpu.enqueue_indirect_dma source(%dma_start3A_129 : memref<19968x128xf32, #tpu.memory_space<hbm>>) target(%dma_start3A_124 : memref<32x128xf32, #tpu.memory_space<vmem>>) offsets(%dma_start3A_126 : memref<32xi32, #tpu.memory_space<vmem>>) semaphore(%arg10 : memref<!tpu.dma_semaphore, #tpu.memory_space<semaphore_mem>>)
    %dma_wait3A = arith.constant 0 : i32
    %dma_wait3A_130 = arith.constant 0 : i32
    %dma_wait3A_131 = tpu.memref_slice %arg6[%dma_wait3A, %dma_wait3A_130] : memref<512x128xf32, #tpu.memory_space<vmem>> -> memref<32x128xf32, #tpu.memory_space<vmem>>
    %dma_wait3A_132 = arith.constant 0 : i32
    %dma_wait3A_133 = tpu.memref_slice %arg5[%dma_wait3A_132] : memref<512xi32, #tpu.memory_space<vmem>> -> memref<32xi32, #tpu.memory_space<vmem>>
    %dma_wait3A_134 = arith.constant 0 : i32
    %dma_wait3A_135 = arith.constant 0 : i32
    %dma_wait3A_136 = tpu.memref_slice %arg2[%dma_wait3A_134, %dma_wait3A_135] : memref<19968x128xf32, #tpu.memory_space<hbm>> -> memref<19968x128xf32, #tpu.memory_space<hbm>>
    tpu.wait_indirect_dma semaphore(%arg7 : memref<!tpu.dma_semaphore, #tpu.memory_space<semaphore_mem>>) src(%dma_wait3A_136 : memref<19968x128xf32, #tpu.memory_space<hbm>>) dst(%dma_wait3A_131 : memref<32x128xf32, #tpu.memory_space<vmem>>)
    %dma_wait3A_137 = arith.constant 32 : i32
    %dma_wait3A_138 = arith.constant 0 : i32
    %dma_wait3A_139 = tpu.memref_slice %arg6[%dma_wait3A_137, %dma_wait3A_138] : memref<512x128xf32, #tpu.memory_space<vmem>> -> memref<32x128xf32, #tpu.memory_space<vmem>>
    %dma_wait3A_140 = arith.constant 32 : i32
    %dma_wait3A_141 = tpu.memref_slice %arg5[%dma_wait3A_140] : memref<512xi32, #tpu.memory_space<vmem>> -> memref<32xi32, #tpu.memory_space<vmem>>
    %dma_wait3A_142 = arith.constant 0 : i32
    %dma_wait3A_143 = arith.constant 0 : i32
    %dma_wait3A_144 = tpu.memref_slice %arg2[%dma_wait3A_142, %dma_wait3A_143] : memref<19968x128xf32, #tpu.memory_space<hbm>> -> memref<19968x128xf32, #tpu.memory_space<hbm>>
    tpu.wait_indirect_dma semaphore(%arg8 : memref<!tpu.dma_semaphore, #tpu.memory_space<semaphore_mem>>) src(%dma_wait3A_144 : memref<19968x128xf32, #tpu.memory_space<hbm>>) dst(%dma_wait3A_139 : memref<32x128xf32, #tpu.memory_space<vmem>>)
    %dma_wait3A_145 = arith.constant 64 : i32
    %dma_wait3A_146 = arith.constant 0 : i32
    %dma_wait3A_147 = tpu.memref_slice %arg6[%dma_wait3A_145, %dma_wait3A_146] : memref<512x128xf32, #tpu.memory_space<vmem>> -> memref<32x128xf32, #tpu.memory_space<vmem>>
    %dma_wait3A_148 = arith.constant 64 : i32
    %dma_wait3A_149 = tpu.memref_slice %arg5[%dma_wait3A_148] : memref<512xi32, #tpu.memory_space<vmem>> -> memref<32xi32, #tpu.memory_space<vmem>>
    %dma_wait3A_150 = arith.constant 0 : i32
    %dma_wait3A_151 = arith.constant 0 : i32
    %dma_wait3A_152 = tpu.memref_slice %arg2[%dma_wait3A_150, %dma_wait3A_151] : memref<19968x128xf32, #tpu.memory_space<hbm>> -> memref<19968x128xf32, #tpu.memory_space<hbm>>
    tpu.wait_indirect_dma semaphore(%arg9 : memref<!tpu.dma_semaphore, #tpu.memory_space<semaphore_mem>>) src(%dma_wait3A_152 : memref<19968x128xf32, #tpu.memory_space<hbm>>) dst(%dma_wait3A_147 : memref<32x128xf32, #tpu.memory_space<vmem>>)
    %dma_wait3A_153 = arith.constant 96 : i32
    %dma_wait3A_154 = arith.constant 0 : i32
    %dma_wait3A_155 = tpu.memref_slice %arg6[%dma_wait3A_153, %dma_wait3A_154] : memref<512x128xf32, #tpu.memory_space<vmem>> -> memref<32x128xf32, #tpu.memory_space<vmem>>
    %dma_wait3A_156 = arith.constant 96 : i32
    %dma_wait3A_157 = tpu.memref_slice %arg5[%dma_wait3A_156] : memref<512xi32, #tpu.memory_space<vmem>> -> memref<32xi32, #tpu.memory_space<vmem>>
    %dma_wait3A_158 = arith.constant 0 : i32
    %dma_wait3A_159 = arith.constant 0 : i32
    %dma_wait3A_160 = tpu.memref_slice %arg2[%dma_wait3A_158, %dma_wait3A_159] : memref<19968x128xf32, #tpu.memory_space<hbm>> -> memref<19968x128xf32, #tpu.memory_space<hbm>>
    tpu.wait_indirect_dma semaphore(%arg10 : memref<!tpu.dma_semaphore, #tpu.memory_space<semaphore_mem>>) src(%dma_wait3A_160 : memref<19968x128xf32, #tpu.memory_space<hbm>>) dst(%dma_wait3A_155 : memref<32x128xf32, #tpu.memory_space<vmem>>)
    %dma_wait3A_161 = arith.constant 128 : i32
    %dma_wait3A_162 = arith.constant 0 : i32
    %dma_wait3A_163 = tpu.memref_slice %arg6[%dma_wait3A_161, %dma_wait3A_162] : memref<512x128xf32, #tpu.memory_space<vmem>> -> memref<32x128xf32, #tpu.memory_space<vmem>>
    %dma_wait3A_164 = arith.constant 128 : i32
    %dma_wait3A_165 = tpu.memref_slice %arg5[%dma_wait3A_164] : memref<512xi32, #tpu.memory_space<vmem>> -> memref<32xi32, #tpu.memory_space<vmem>>
    %dma_wait3A_166 = arith.constant 0 : i32
    %dma_wait3A_167 = arith.constant 0 : i32
    %dma_wait3A_168 = tpu.memref_slice %arg2[%dma_wait3A_166, %dma_wait3A_167] : memref<19968x128xf32, #tpu.memory_space<hbm>> -> memref<19968x128xf32, #tpu.memory_space<hbm>>
    tpu.wait_indirect_dma semaphore(%arg7 : memref<!tpu.dma_semaphore, #tpu.memory_space<semaphore_mem>>) src(%dma_wait3A_168 : memref<19968x128xf32, #tpu.memory_space<hbm>>) dst(%dma_wait3A_163 : memref<32x128xf32, #tpu.memory_space<vmem>>)
    %dma_wait3A_169 = arith.constant 160 : i32
    %dma_wait3A_170 = arith.constant 0 : i32
    %dma_wait3A_171 = tpu.memref_slice %arg6[%dma_wait3A_169, %dma_wait3A_170] : memref<512x128xf32, #tpu.memory_space<vmem>> -> memref<32x128xf32, #tpu.memory_space<vmem>>
    %dma_wait3A_172 = arith.constant 160 : i32
    %dma_wait3A_173 = tpu.memref_slice %arg5[%dma_wait3A_172] : memref<512xi32, #tpu.memory_space<vmem>> -> memref<32xi32, #tpu.memory_space<vmem>>
    %dma_wait3A_174 = arith.constant 0 : i32
    %dma_wait3A_175 = arith.constant 0 : i32
    %dma_wait3A_176 = tpu.memref_slice %arg2[%dma_wait3A_174, %dma_wait3A_175] : memref<19968x128xf32, #tpu.memory_space<hbm>> -> memref<19968x128xf32, #tpu.memory_space<hbm>>
    tpu.wait_indirect_dma semaphore(%arg8 : memref<!tpu.dma_semaphore, #tpu.memory_space<semaphore_mem>>) src(%dma_wait3A_176 : memref<19968x128xf32, #tpu.memory_space<hbm>>) dst(%dma_wait3A_171 : memref<32x128xf32, #tpu.memory_space<vmem>>)
    %dma_wait3A_177 = arith.constant 192 : i32
    %dma_wait3A_178 = arith.constant 0 : i32
    %dma_wait3A_179 = tpu.memref_slice %arg6[%dma_wait3A_177, %dma_wait3A_178] : memref<512x128xf32, #tpu.memory_space<vmem>> -> memref<32x128xf32, #tpu.memory_space<vmem>>
    %dma_wait3A_180 = arith.constant 192 : i32
    %dma_wait3A_181 = tpu.memref_slice %arg5[%dma_wait3A_180] : memref<512xi32, #tpu.memory_space<vmem>> -> memref<32xi32, #tpu.memory_space<vmem>>
    %dma_wait3A_182 = arith.constant 0 : i32
    %dma_wait3A_183 = arith.constant 0 : i32
    %dma_wait3A_184 = tpu.memref_slice %arg2[%dma_wait3A_182, %dma_wait3A_183] : memref<19968x128xf32, #tpu.memory_space<hbm>> -> memref<19968x128xf32, #tpu.memory_space<hbm>>
    tpu.wait_indirect_dma semaphore(%arg9 : memref<!tpu.dma_semaphore, #tpu.memory_space<semaphore_mem>>) src(%dma_wait3A_184 : memref<19968x128xf32, #tpu.memory_space<hbm>>) dst(%dma_wait3A_179 : memref<32x128xf32, #tpu.memory_space<vmem>>)
    %dma_wait3A_185 = arith.constant 224 : i32
    %dma_wait3A_186 = arith.constant 0 : i32
    %dma_wait3A_187 = tpu.memref_slice %arg6[%dma_wait3A_185, %dma_wait3A_186] : memref<512x128xf32, #tpu.memory_space<vmem>> -> memref<32x128xf32, #tpu.memory_space<vmem>>
    %dma_wait3A_188 = arith.constant 224 : i32
    %dma_wait3A_189 = tpu.memref_slice %arg5[%dma_wait3A_188] : memref<512xi32, #tpu.memory_space<vmem>> -> memref<32xi32, #tpu.memory_space<vmem>>
    %dma_wait3A_190 = arith.constant 0 : i32
    %dma_wait3A_191 = arith.constant 0 : i32
    %dma_wait3A_192 = tpu.memref_slice %arg2[%dma_wait3A_190, %dma_wait3A_191] : memref<19968x128xf32, #tpu.memory_space<hbm>> -> memref<19968x128xf32, #tpu.memory_space<hbm>>
    tpu.wait_indirect_dma semaphore(%arg10 : memref<!tpu.dma_semaphore, #tpu.memory_space<semaphore_mem>>) src(%dma_wait3A_192 : memref<19968x128xf32, #tpu.memory_space<hbm>>) dst(%dma_wait3A_187 : memref<32x128xf32, #tpu.memory_space<vmem>>)
    %dma_wait3A_193 = arith.constant 256 : i32
    %dma_wait3A_194 = arith.constant 0 : i32
    %dma_wait3A_195 = tpu.memref_slice %arg6[%dma_wait3A_193, %dma_wait3A_194] : memref<512x128xf32, #tpu.memory_space<vmem>> -> memref<32x128xf32, #tpu.memory_space<vmem>>
    %dma_wait3A_196 = arith.constant 256 : i32
    %dma_wait3A_197 = tpu.memref_slice %arg5[%dma_wait3A_196] : memref<512xi32, #tpu.memory_space<vmem>> -> memref<32xi32, #tpu.memory_space<vmem>>
    %dma_wait3A_198 = arith.constant 0 : i32
    %dma_wait3A_199 = arith.constant 0 : i32
    %dma_wait3A_200 = tpu.memref_slice %arg2[%dma_wait3A_198, %dma_wait3A_199] : memref<19968x128xf32, #tpu.memory_space<hbm>> -> memref<19968x128xf32, #tpu.memory_space<hbm>>
    tpu.wait_indirect_dma semaphore(%arg7 : memref<!tpu.dma_semaphore, #tpu.memory_space<semaphore_mem>>) src(%dma_wait3A_200 : memref<19968x128xf32, #tpu.memory_space<hbm>>) dst(%dma_wait3A_195 : memref<32x128xf32, #tpu.memory_space<vmem>>)
    %dma_wait3A_201 = arith.constant 288 : i32
    %dma_wait3A_202 = arith.constant 0 : i32
    %dma_wait3A_203 = tpu.memref_slice %arg6[%dma_wait3A_201, %dma_wait3A_202] : memref<512x128xf32, #tpu.memory_space<vmem>> -> memref<32x128xf32, #tpu.memory_space<vmem>>
    %dma_wait3A_204 = arith.constant 288 : i32
    %dma_wait3A_205 = tpu.memref_slice %arg5[%dma_wait3A_204] : memref<512xi32, #tpu.memory_space<vmem>> -> memref<32xi32, #tpu.memory_space<vmem>>
    %dma_wait3A_206 = arith.constant 0 : i32
    %dma_wait3A_207 = arith.constant 0 : i32
    %dma_wait3A_208 = tpu.memref_slice %arg2[%dma_wait3A_206, %dma_wait3A_207] : memref<19968x128xf32, #tpu.memory_space<hbm>> -> memref<19968x128xf32, #tpu.memory_space<hbm>>
    tpu.wait_indirect_dma semaphore(%arg8 : memref<!tpu.dma_semaphore, #tpu.memory_space<semaphore_mem>>) src(%dma_wait3A_208 : memref<19968x128xf32, #tpu.memory_space<hbm>>) dst(%dma_wait3A_203 : memref<32x128xf32, #tpu.memory_space<vmem>>)
    %dma_wait3A_209 = arith.constant 320 : i32
    %dma_wait3A_210 = arith.constant 0 : i32
    %dma_wait3A_211 = tpu.memref_slice %arg6[%dma_wait3A_209, %dma_wait3A_210] : memref<512x128xf32, #tpu.memory_space<vmem>> -> memref<32x128xf32, #tpu.memory_space<vmem>>
    %dma_wait3A_212 = arith.constant 320 : i32
    %dma_wait3A_213 = tpu.memref_slice %arg5[%dma_wait3A_212] : memref<512xi32, #tpu.memory_space<vmem>> -> memref<32xi32, #tpu.memory_space<vmem>>
    %dma_wait3A_214 = arith.constant 0 : i32
    %dma_wait3A_215 = arith.constant 0 : i32
    %dma_wait3A_216 = tpu.memref_slice %arg2[%dma_wait3A_214, %dma_wait3A_215] : memref<19968x128xf32, #tpu.memory_space<hbm>> -> memref<19968x128xf32, #tpu.memory_space<hbm>>
    tpu.wait_indirect_dma semaphore(%arg9 : memref<!tpu.dma_semaphore, #tpu.memory_space<semaphore_mem>>) src(%dma_wait3A_216 : memref<19968x128xf32, #tpu.memory_space<hbm>>) dst(%dma_wait3A_211 : memref<32x128xf32, #tpu.memory_space<vmem>>)
    %dma_wait3A_217 = arith.constant 352 : i32
    %dma_wait3A_218 = arith.constant 0 : i32
    %dma_wait3A_219 = tpu.memref_slice %arg6[%dma_wait3A_217, %dma_wait3A_218] : memref<512x128xf32, #tpu.memory_space<vmem>> -> memref<32x128xf32, #tpu.memory_space<vmem>>
    %dma_wait3A_220 = arith.constant 352 : i32
    %dma_wait3A_221 = tpu.memref_slice %arg5[%dma_wait3A_220] : memref<512xi32, #tpu.memory_space<vmem>> -> memref<32xi32, #tpu.memory_space<vmem>>
    %dma_wait3A_222 = arith.constant 0 : i32
    %dma_wait3A_223 = arith.constant 0 : i32
    %dma_wait3A_224 = tpu.memref_slice %arg2[%dma_wait3A_222, %dma_wait3A_223] : memref<19968x128xf32, #tpu.memory_space<hbm>> -> memref<19968x128xf32, #tpu.memory_space<hbm>>
    tpu.wait_indirect_dma semaphore(%arg10 : memref<!tpu.dma_semaphore, #tpu.memory_space<semaphore_mem>>) src(%dma_wait3A_224 : memref<19968x128xf32, #tpu.memory_space<hbm>>) dst(%dma_wait3A_219 : memref<32x128xf32, #tpu.memory_space<vmem>>)
    %dma_wait3A_225 = arith.constant 384 : i32
    %dma_wait3A_226 = arith.constant 0 : i32
    %dma_wait3A_227 = tpu.memref_slice %arg6[%dma_wait3A_225, %dma_wait3A_226] : memref<512x128xf32, #tpu.memory_space<vmem>> -> memref<32x128xf32, #tpu.memory_space<vmem>>
    %dma_wait3A_228 = arith.constant 384 : i32
    %dma_wait3A_229 = tpu.memref_slice %arg5[%dma_wait3A_228] : memref<512xi32, #tpu.memory_space<vmem>> -> memref<32xi32, #tpu.memory_space<vmem>>
    %dma_wait3A_230 = arith.constant 0 : i32
    %dma_wait3A_231 = arith.constant 0 : i32
    %dma_wait3A_232 = tpu.memref_slice %arg2[%dma_wait3A_230, %dma_wait3A_231] : memref<19968x128xf32, #tpu.memory_space<hbm>> -> memref<19968x128xf32, #tpu.memory_space<hbm>>
    tpu.wait_indirect_dma semaphore(%arg7 : memref<!tpu.dma_semaphore, #tpu.memory_space<semaphore_mem>>) src(%dma_wait3A_232 : memref<19968x128xf32, #tpu.memory_space<hbm>>) dst(%dma_wait3A_227 : memref<32x128xf32, #tpu.memory_space<vmem>>)
    %dma_wait3A_233 = arith.constant 416 : i32
    %dma_wait3A_234 = arith.constant 0 : i32
    %dma_wait3A_235 = tpu.memref_slice %arg6[%dma_wait3A_233, %dma_wait3A_234] : memref<512x128xf32, #tpu.memory_space<vmem>> -> memref<32x128xf32, #tpu.memory_space<vmem>>
    %dma_wait3A_236 = arith.constant 416 : i32
    %dma_wait3A_237 = tpu.memref_slice %arg5[%dma_wait3A_236] : memref<512xi32, #tpu.memory_space<vmem>> -> memref<32xi32, #tpu.memory_space<vmem>>
    %dma_wait3A_238 = arith.constant 0 : i32
    %dma_wait3A_239 = arith.constant 0 : i32
    %dma_wait3A_240 = tpu.memref_slice %arg2[%dma_wait3A_238, %dma_wait3A_239] : memref<19968x128xf32, #tpu.memory_space<hbm>> -> memref<19968x128xf32, #tpu.memory_space<hbm>>
    tpu.wait_indirect_dma semaphore(%arg8 : memref<!tpu.dma_semaphore, #tpu.memory_space<semaphore_mem>>) src(%dma_wait3A_240 : memref<19968x128xf32, #tpu.memory_space<hbm>>) dst(%dma_wait3A_235 : memref<32x128xf32, #tpu.memory_space<vmem>>)
    %dma_wait3A_241 = arith.constant 448 : i32
    %dma_wait3A_242 = arith.constant 0 : i32
    %dma_wait3A_243 = tpu.memref_slice %arg6[%dma_wait3A_241, %dma_wait3A_242] : memref<512x128xf32, #tpu.memory_space<vmem>> -> memref<32x128xf32, #tpu.memory_space<vmem>>
    %dma_wait3A_244 = arith.constant 448 : i32
    %dma_wait3A_245 = tpu.memref_slice %arg5[%dma_wait3A_244] : memref<512xi32, #tpu.memory_space<vmem>> -> memref<32xi32, #tpu.memory_space<vmem>>
    %dma_wait3A_246 = arith.constant 0 : i32
    %dma_wait3A_247 = arith.constant 0 : i32
    %dma_wait3A_248 = tpu.memref_slice %arg2[%dma_wait3A_246, %dma_wait3A_247] : memref<19968x128xf32, #tpu.memory_space<hbm>> -> memref<19968x128xf32, #tpu.memory_space<hbm>>
    tpu.wait_indirect_dma semaphore(%arg9 : memref<!tpu.dma_semaphore, #tpu.memory_space<semaphore_mem>>) src(%dma_wait3A_248 : memref<19968x128xf32, #tpu.memory_space<hbm>>) dst(%dma_wait3A_243 : memref<32x128xf32, #tpu.memory_space<vmem>>)
    %dma_wait3A_249 = arith.constant 480 : i32
    %dma_wait3A_250 = arith.constant 0 : i32
    %dma_wait3A_251 = tpu.memref_slice %arg6[%dma_wait3A_249, %dma_wait3A_250] : memref<512x128xf32, #tpu.memory_space<vmem>> -> memref<32x128xf32, #tpu.memory_space<vmem>>
    %dma_wait3A_252 = arith.constant 480 : i32
    %dma_wait3A_253 = tpu.memref_slice %arg5[%dma_wait3A_252] : memref<512xi32, #tpu.memory_space<vmem>> -> memref<32xi32, #tpu.memory_space<vmem>>
    %dma_wait3A_254 = arith.constant 0 : i32
    %dma_wait3A_255 = arith.constant 0 : i32
    %dma_wait3A_256 = tpu.memref_slice %arg2[%dma_wait3A_254, %dma_wait3A_255] : memref<19968x128xf32, #tpu.memory_space<hbm>> -> memref<19968x128xf32, #tpu.memory_space<hbm>>
    tpu.wait_indirect_dma semaphore(%arg10 : memref<!tpu.dma_semaphore, #tpu.memory_space<semaphore_mem>>) src(%dma_wait3A_256 : memref<19968x128xf32, #tpu.memory_space<hbm>>) dst(%dma_wait3A_251 : memref<32x128xf32, #tpu.memory_space<vmem>>)
    %dma_start3A_257 = arith.constant 0 : i32
    %dma_start3A_258 = tpu.memref_slice %arg4[%mul3A_2, %dma_start3A_257] : memref<16384x128xf32, #tpu.memory_space<hbm>> -> memref<512x128xf32, #tpu.memory_space<hbm>>
    %dma_start3A_259 = arith.constant 0 : i32
    %dma_start3A_260 = tpu.memref_slice %arg4[%mul3A_2, %dma_start3A_259] : memref<16384x128xf32, #tpu.memory_space<hbm>> -> memref<512x128xf32, #tpu.memory_space<hbm>>
    tpu.enqueue_dma source(%arg6 : memref<512x128xf32, #tpu.memory_space<vmem>>) target(%dma_start3A_260 : memref<512x128xf32, #tpu.memory_space<hbm>>) target_semaphore(%arg11 : memref<!tpu.dma_semaphore, #tpu.memory_space<semaphore_mem>>)
    %dma_wait3A_261 = arith.constant 0 : i32
    %dma_wait3A_262 = tpu.memref_slice %arg4[%mul3A_2, %dma_wait3A_261] : memref<16384x128xf32, #tpu.memory_space<hbm>> -> memref<512x128xf32, #tpu.memory_space<hbm>>
    %dma_wait3A_263 = arith.constant 0 : i32
    %dma_wait3A_264 = tpu.memref_slice %arg4[%mul3A_2, %dma_wait3A_263] : memref<16384x128xf32, #tpu.memory_space<hbm>> -> memref<512x128xf32, #tpu.memory_space<hbm>>
    tpu.wait_dma2 semaphore(%arg11 : memref<!tpu.dma_semaphore, #tpu.memory_space<semaphore_mem>>) src(%arg6 : memref<512x128xf32, #tpu.memory_space<vmem>>) dst(%dma_wait3A_264 : memref<512x128xf32, #tpu.memory_space<hbm>>)
    return
  }
}

module attributes {stable_mosaic.version = 14 : i64} {
  func.func @_zcode_body(%arg0: memref<128x128xf32, #tpu.memory_space<vmem>>, %arg1: memref<128x128xf32, #tpu.memory_space<vmem>>, %arg2: memref<128x128xf32, #tpu.memory_space<vmem>>, %arg3: memref<128x128xi32, #tpu.memory_space<vmem>>, %arg4: memref<128x128xi32, #tpu.memory_space<vmem>>) attributes {dimension_semantics = [], scalar_prefetch = 0 : i64, scratch_operands = 0 : i64, tpu.core_type = #tpu.core_type<tc>} {
    %get3A = arith.constant 0 : index
    %get3A_0 = arith.constant 0 : index
    %get3A_1 = vector.load %arg0[%get3A, %get3A_0] : memref<128x128xf32, #tpu.memory_space<vmem>>, vector<128x128xf32>
    %get3A_2 = arith.constant 0 : index
    %get3A_3 = arith.constant 0 : index
    %get3A_4 = vector.load %arg1[%get3A_2, %get3A_3] : memref<128x128xf32, #tpu.memory_space<vmem>>, vector<128x128xf32>
    %get3A_5 = arith.constant 0 : index
    %get3A_6 = arith.constant 0 : index
    %get3A_7 = vector.load %arg2[%get3A_5, %get3A_6] : memref<128x128xf32, #tpu.memory_space<vmem>>, vector<128x128xf32>
    %reduce_min3A = vector.shape_cast %get3A_1 : vector<128x128xf32> to vector<1x128x128xf32>
    %reduce_min3A_8 = arith.constant dense<0x7F800000> : vector<1xf32>
    %reduce_min3A_9 = vector.multi_reduction <minimumf>, %reduce_min3A, %reduce_min3A_8 [1, 2] : vector<1x128x128xf32> to vector<1xf32>
    %reduce_min3A_10 = vector.shape_cast %reduce_min3A_9 : vector<1xf32> to vector<1x1x1xf32>
    %reduce_min3A_11 = vector.extract %reduce_min3A_10[0, 0, 0] : f32 from vector<1x1x1xf32>
    %sub3A = vector.broadcast %reduce_min3A_11 : f32 to vector<128x128xf32>
    %sub3A_12 = arith.subf %get3A_1, %sub3A : vector<128x128xf32>
    %mul3A = arith.constant 2.560000e+02 : f32
    %mul3A_13 = vector.broadcast %mul3A : f32 to vector<128x128xf32>
    %mul3A_14 = arith.mulf %sub3A_12, %mul3A_13 : vector<128x128xf32>
    %floor3A = math.floor %mul3A_14 : vector<128x128xf32>
    %convert_element_type3A = arith.fptosi %floor3A : vector<128x128xf32> to vector<128x128xi32>
    %jit3A = arith.constant 0 : i32
    %jit3A_15 = arith.constant 255 : i32
    %max3A = vector.broadcast %jit3A : i32 to vector<128x128xi32>
    %max3A_16 = arith.maxsi %max3A, %convert_element_type3A : vector<128x128xi32>
    %min3A = vector.broadcast %jit3A_15 : i32 to vector<128x128xi32>
    %min3A_17 = arith.minsi %min3A, %max3A_16 : vector<128x128xi32>
    %reduce_min3A_18 = vector.shape_cast %get3A_4 : vector<128x128xf32> to vector<1x128x128xf32>
    %reduce_min3A_19 = arith.constant dense<0x7F800000> : vector<1xf32>
    %reduce_min3A_20 = vector.multi_reduction <minimumf>, %reduce_min3A_18, %reduce_min3A_19 [1, 2] : vector<1x128x128xf32> to vector<1xf32>
    %reduce_min3A_21 = vector.shape_cast %reduce_min3A_20 : vector<1xf32> to vector<1x1x1xf32>
    %reduce_min3A_22 = vector.extract %reduce_min3A_21[0, 0, 0] : f32 from vector<1x1x1xf32>
    %sub3A_23 = vector.broadcast %reduce_min3A_22 : f32 to vector<128x128xf32>
    %sub3A_24 = arith.subf %get3A_4, %sub3A_23 : vector<128x128xf32>
    %mul3A_25 = arith.constant 2.560000e+02 : f32
    %mul3A_26 = vector.broadcast %mul3A_25 : f32 to vector<128x128xf32>
    %mul3A_27 = arith.mulf %sub3A_24, %mul3A_26 : vector<128x128xf32>
    %floor3A_28 = math.floor %mul3A_27 : vector<128x128xf32>
    %convert_element_type3A_29 = arith.fptosi %floor3A_28 : vector<128x128xf32> to vector<128x128xi32>
    %jit3A_30 = arith.constant 0 : i32
    %jit3A_31 = arith.constant 255 : i32
    %max3A_32 = vector.broadcast %jit3A_30 : i32 to vector<128x128xi32>
    %max3A_33 = arith.maxsi %max3A_32, %convert_element_type3A_29 : vector<128x128xi32>
    %min3A_34 = vector.broadcast %jit3A_31 : i32 to vector<128x128xi32>
    %min3A_35 = arith.minsi %min3A_34, %max3A_33 : vector<128x128xi32>
    %reduce_min3A_36 = vector.shape_cast %get3A_7 : vector<128x128xf32> to vector<1x128x128xf32>
    %reduce_min3A_37 = arith.constant dense<0x7F800000> : vector<1xf32>
    %reduce_min3A_38 = vector.multi_reduction <minimumf>, %reduce_min3A_36, %reduce_min3A_37 [1, 2] : vector<1x128x128xf32> to vector<1xf32>
    %reduce_min3A_39 = vector.shape_cast %reduce_min3A_38 : vector<1xf32> to vector<1x1x1xf32>
    %reduce_min3A_40 = vector.extract %reduce_min3A_39[0, 0, 0] : f32 from vector<1x1x1xf32>
    %sub3A_41 = vector.broadcast %reduce_min3A_40 : f32 to vector<128x128xf32>
    %sub3A_42 = arith.subf %get3A_7, %sub3A_41 : vector<128x128xf32>
    %mul3A_43 = arith.constant 2.560000e+02 : f32
    %mul3A_44 = vector.broadcast %mul3A_43 : f32 to vector<128x128xf32>
    %mul3A_45 = arith.mulf %sub3A_42, %mul3A_44 : vector<128x128xf32>
    %floor3A_46 = math.floor %mul3A_45 : vector<128x128xf32>
    %convert_element_type3A_47 = arith.fptosi %floor3A_46 : vector<128x128xf32> to vector<128x128xi32>
    %jit3A_48 = arith.constant 0 : i32
    %jit3A_49 = arith.constant 255 : i32
    %max3A_50 = vector.broadcast %jit3A_48 : i32 to vector<128x128xi32>
    %max3A_51 = arith.maxsi %max3A_50, %convert_element_type3A_47 : vector<128x128xi32>
    %min3A_52 = vector.broadcast %jit3A_49 : i32 to vector<128x128xi32>
    %min3A_53 = arith.minsi %min3A_52, %max3A_51 : vector<128x128xi32>
    %broadcast_in_dim3A = arith.constant 0 : i32
    %broadcast_in_dim3A_54 = vector.broadcast %broadcast_in_dim3A : i32 to vector<128x128xi32>
    %shift_right_arithmetic3A = arith.constant 0 : i32
    %shift_right_arithmetic3A_55 = vector.broadcast %shift_right_arithmetic3A : i32 to vector<128x128xi32>
    %shift_right_arithmetic3A_56 = arith.shrsi %min3A_17, %shift_right_arithmetic3A_55 : vector<128x128xi32>
    %and3A = arith.constant 1 : i32
    %and3A_57 = vector.broadcast %and3A : i32 to vector<128x128xi32>
    %and3A_58 = arith.andi %shift_right_arithmetic3A_56, %and3A_57 : vector<128x128xi32>
    %shift_left3A = arith.constant 0 : i32
    %shift_left3A_59 = vector.broadcast %shift_left3A : i32 to vector<128x128xi32>
    %shift_left3A_60 = arith.shli %and3A_58, %shift_left3A_59 : vector<128x128xi32>
    %or3A = arith.ori %broadcast_in_dim3A_54, %shift_left3A_60 : vector<128x128xi32>
    %shift_right_arithmetic3A_61 = arith.constant 0 : i32
    %shift_right_arithmetic3A_62 = vector.broadcast %shift_right_arithmetic3A_61 : i32 to vector<128x128xi32>
    %shift_right_arithmetic3A_63 = arith.shrsi %min3A_35, %shift_right_arithmetic3A_62 : vector<128x128xi32>
    %and3A_64 = arith.constant 1 : i32
    %and3A_65 = vector.broadcast %and3A_64 : i32 to vector<128x128xi32>
    %and3A_66 = arith.andi %shift_right_arithmetic3A_63, %and3A_65 : vector<128x128xi32>
    %shift_left3A_67 = arith.constant 1 : i32
    %shift_left3A_68 = vector.broadcast %shift_left3A_67 : i32 to vector<128x128xi32>
    %shift_left3A_69 = arith.shli %and3A_66, %shift_left3A_68 : vector<128x128xi32>
    %or3A_70 = arith.ori %or3A, %shift_left3A_69 : vector<128x128xi32>
    %shift_right_arithmetic3A_71 = arith.constant 0 : i32
    %shift_right_arithmetic3A_72 = vector.broadcast %shift_right_arithmetic3A_71 : i32 to vector<128x128xi32>
    %shift_right_arithmetic3A_73 = arith.shrsi %min3A_53, %shift_right_arithmetic3A_72 : vector<128x128xi32>
    %and3A_74 = arith.constant 1 : i32
    %and3A_75 = vector.broadcast %and3A_74 : i32 to vector<128x128xi32>
    %and3A_76 = arith.andi %shift_right_arithmetic3A_73, %and3A_75 : vector<128x128xi32>
    %shift_left3A_77 = arith.constant 2 : i32
    %shift_left3A_78 = vector.broadcast %shift_left3A_77 : i32 to vector<128x128xi32>
    %shift_left3A_79 = arith.shli %and3A_76, %shift_left3A_78 : vector<128x128xi32>
    %or3A_80 = arith.ori %or3A_70, %shift_left3A_79 : vector<128x128xi32>
    %shift_right_arithmetic3A_81 = arith.constant 1 : i32
    %shift_right_arithmetic3A_82 = vector.broadcast %shift_right_arithmetic3A_81 : i32 to vector<128x128xi32>
    %shift_right_arithmetic3A_83 = arith.shrsi %min3A_17, %shift_right_arithmetic3A_82 : vector<128x128xi32>
    %and3A_84 = arith.constant 1 : i32
    %and3A_85 = vector.broadcast %and3A_84 : i32 to vector<128x128xi32>
    %and3A_86 = arith.andi %shift_right_arithmetic3A_83, %and3A_85 : vector<128x128xi32>
    %shift_left3A_87 = arith.constant 3 : i32
    %shift_left3A_88 = vector.broadcast %shift_left3A_87 : i32 to vector<128x128xi32>
    %shift_left3A_89 = arith.shli %and3A_86, %shift_left3A_88 : vector<128x128xi32>
    %or3A_90 = arith.ori %or3A_80, %shift_left3A_89 : vector<128x128xi32>
    %shift_right_arithmetic3A_91 = arith.constant 1 : i32
    %shift_right_arithmetic3A_92 = vector.broadcast %shift_right_arithmetic3A_91 : i32 to vector<128x128xi32>
    %shift_right_arithmetic3A_93 = arith.shrsi %min3A_35, %shift_right_arithmetic3A_92 : vector<128x128xi32>
    %and3A_94 = arith.constant 1 : i32
    %and3A_95 = vector.broadcast %and3A_94 : i32 to vector<128x128xi32>
    %and3A_96 = arith.andi %shift_right_arithmetic3A_93, %and3A_95 : vector<128x128xi32>
    %shift_left3A_97 = arith.constant 4 : i32
    %shift_left3A_98 = vector.broadcast %shift_left3A_97 : i32 to vector<128x128xi32>
    %shift_left3A_99 = arith.shli %and3A_96, %shift_left3A_98 : vector<128x128xi32>
    %or3A_100 = arith.ori %or3A_90, %shift_left3A_99 : vector<128x128xi32>
    %shift_right_arithmetic3A_101 = arith.constant 1 : i32
    %shift_right_arithmetic3A_102 = vector.broadcast %shift_right_arithmetic3A_101 : i32 to vector<128x128xi32>
    %shift_right_arithmetic3A_103 = arith.shrsi %min3A_53, %shift_right_arithmetic3A_102 : vector<128x128xi32>
    %and3A_104 = arith.constant 1 : i32
    %and3A_105 = vector.broadcast %and3A_104 : i32 to vector<128x128xi32>
    %and3A_106 = arith.andi %shift_right_arithmetic3A_103, %and3A_105 : vector<128x128xi32>
    %shift_left3A_107 = arith.constant 5 : i32
    %shift_left3A_108 = vector.broadcast %shift_left3A_107 : i32 to vector<128x128xi32>
    %shift_left3A_109 = arith.shli %and3A_106, %shift_left3A_108 : vector<128x128xi32>
    %or3A_110 = arith.ori %or3A_100, %shift_left3A_109 : vector<128x128xi32>
    %shift_right_arithmetic3A_111 = arith.constant 2 : i32
    %shift_right_arithmetic3A_112 = vector.broadcast %shift_right_arithmetic3A_111 : i32 to vector<128x128xi32>
    %shift_right_arithmetic3A_113 = arith.shrsi %min3A_17, %shift_right_arithmetic3A_112 : vector<128x128xi32>
    %and3A_114 = arith.constant 1 : i32
    %and3A_115 = vector.broadcast %and3A_114 : i32 to vector<128x128xi32>
    %and3A_116 = arith.andi %shift_right_arithmetic3A_113, %and3A_115 : vector<128x128xi32>
    %shift_left3A_117 = arith.constant 6 : i32
    %shift_left3A_118 = vector.broadcast %shift_left3A_117 : i32 to vector<128x128xi32>
    %shift_left3A_119 = arith.shli %and3A_116, %shift_left3A_118 : vector<128x128xi32>
    %or3A_120 = arith.ori %or3A_110, %shift_left3A_119 : vector<128x128xi32>
    %shift_right_arithmetic3A_121 = arith.constant 2 : i32
    %shift_right_arithmetic3A_122 = vector.broadcast %shift_right_arithmetic3A_121 : i32 to vector<128x128xi32>
    %shift_right_arithmetic3A_123 = arith.shrsi %min3A_35, %shift_right_arithmetic3A_122 : vector<128x128xi32>
    %and3A_124 = arith.constant 1 : i32
    %and3A_125 = vector.broadcast %and3A_124 : i32 to vector<128x128xi32>
    %and3A_126 = arith.andi %shift_right_arithmetic3A_123, %and3A_125 : vector<128x128xi32>
    %shift_left3A_127 = arith.constant 7 : i32
    %shift_left3A_128 = vector.broadcast %shift_left3A_127 : i32 to vector<128x128xi32>
    %shift_left3A_129 = arith.shli %and3A_126, %shift_left3A_128 : vector<128x128xi32>
    %or3A_130 = arith.ori %or3A_120, %shift_left3A_129 : vector<128x128xi32>
    %shift_right_arithmetic3A_131 = arith.constant 2 : i32
    %shift_right_arithmetic3A_132 = vector.broadcast %shift_right_arithmetic3A_131 : i32 to vector<128x128xi32>
    %shift_right_arithmetic3A_133 = arith.shrsi %min3A_53, %shift_right_arithmetic3A_132 : vector<128x128xi32>
    %and3A_134 = arith.constant 1 : i32
    %and3A_135 = vector.broadcast %and3A_134 : i32 to vector<128x128xi32>
    %and3A_136 = arith.andi %shift_right_arithmetic3A_133, %and3A_135 : vector<128x128xi32>
    %shift_left3A_137 = arith.constant 8 : i32
    %shift_left3A_138 = vector.broadcast %shift_left3A_137 : i32 to vector<128x128xi32>
    %shift_left3A_139 = arith.shli %and3A_136, %shift_left3A_138 : vector<128x128xi32>
    %or3A_140 = arith.ori %or3A_130, %shift_left3A_139 : vector<128x128xi32>
    %shift_right_arithmetic3A_141 = arith.constant 3 : i32
    %shift_right_arithmetic3A_142 = vector.broadcast %shift_right_arithmetic3A_141 : i32 to vector<128x128xi32>
    %shift_right_arithmetic3A_143 = arith.shrsi %min3A_17, %shift_right_arithmetic3A_142 : vector<128x128xi32>
    %and3A_144 = arith.constant 1 : i32
    %and3A_145 = vector.broadcast %and3A_144 : i32 to vector<128x128xi32>
    %and3A_146 = arith.andi %shift_right_arithmetic3A_143, %and3A_145 : vector<128x128xi32>
    %shift_left3A_147 = arith.constant 9 : i32
    %shift_left3A_148 = vector.broadcast %shift_left3A_147 : i32 to vector<128x128xi32>
    %shift_left3A_149 = arith.shli %and3A_146, %shift_left3A_148 : vector<128x128xi32>
    %or3A_150 = arith.ori %or3A_140, %shift_left3A_149 : vector<128x128xi32>
    %shift_right_arithmetic3A_151 = arith.constant 3 : i32
    %shift_right_arithmetic3A_152 = vector.broadcast %shift_right_arithmetic3A_151 : i32 to vector<128x128xi32>
    %shift_right_arithmetic3A_153 = arith.shrsi %min3A_35, %shift_right_arithmetic3A_152 : vector<128x128xi32>
    %and3A_154 = arith.constant 1 : i32
    %and3A_155 = vector.broadcast %and3A_154 : i32 to vector<128x128xi32>
    %and3A_156 = arith.andi %shift_right_arithmetic3A_153, %and3A_155 : vector<128x128xi32>
    %shift_left3A_157 = arith.constant 10 : i32
    %shift_left3A_158 = vector.broadcast %shift_left3A_157 : i32 to vector<128x128xi32>
    %shift_left3A_159 = arith.shli %and3A_156, %shift_left3A_158 : vector<128x128xi32>
    %or3A_160 = arith.ori %or3A_150, %shift_left3A_159 : vector<128x128xi32>
    %shift_right_arithmetic3A_161 = arith.constant 3 : i32
    %shift_right_arithmetic3A_162 = vector.broadcast %shift_right_arithmetic3A_161 : i32 to vector<128x128xi32>
    %shift_right_arithmetic3A_163 = arith.shrsi %min3A_53, %shift_right_arithmetic3A_162 : vector<128x128xi32>
    %and3A_164 = arith.constant 1 : i32
    %and3A_165 = vector.broadcast %and3A_164 : i32 to vector<128x128xi32>
    %and3A_166 = arith.andi %shift_right_arithmetic3A_163, %and3A_165 : vector<128x128xi32>
    %shift_left3A_167 = arith.constant 11 : i32
    %shift_left3A_168 = vector.broadcast %shift_left3A_167 : i32 to vector<128x128xi32>
    %shift_left3A_169 = arith.shli %and3A_166, %shift_left3A_168 : vector<128x128xi32>
    %or3A_170 = arith.ori %or3A_160, %shift_left3A_169 : vector<128x128xi32>
    %shift_right_arithmetic3A_171 = arith.constant 4 : i32
    %shift_right_arithmetic3A_172 = vector.broadcast %shift_right_arithmetic3A_171 : i32 to vector<128x128xi32>
    %shift_right_arithmetic3A_173 = arith.shrsi %min3A_17, %shift_right_arithmetic3A_172 : vector<128x128xi32>
    %and3A_174 = arith.constant 1 : i32
    %and3A_175 = vector.broadcast %and3A_174 : i32 to vector<128x128xi32>
    %and3A_176 = arith.andi %shift_right_arithmetic3A_173, %and3A_175 : vector<128x128xi32>
    %shift_left3A_177 = arith.constant 12 : i32
    %shift_left3A_178 = vector.broadcast %shift_left3A_177 : i32 to vector<128x128xi32>
    %shift_left3A_179 = arith.shli %and3A_176, %shift_left3A_178 : vector<128x128xi32>
    %or3A_180 = arith.ori %or3A_170, %shift_left3A_179 : vector<128x128xi32>
    %shift_right_arithmetic3A_181 = arith.constant 4 : i32
    %shift_right_arithmetic3A_182 = vector.broadcast %shift_right_arithmetic3A_181 : i32 to vector<128x128xi32>
    %shift_right_arithmetic3A_183 = arith.shrsi %min3A_35, %shift_right_arithmetic3A_182 : vector<128x128xi32>
    %and3A_184 = arith.constant 1 : i32
    %and3A_185 = vector.broadcast %and3A_184 : i32 to vector<128x128xi32>
    %and3A_186 = arith.andi %shift_right_arithmetic3A_183, %and3A_185 : vector<128x128xi32>
    %shift_left3A_187 = arith.constant 13 : i32
    %shift_left3A_188 = vector.broadcast %shift_left3A_187 : i32 to vector<128x128xi32>
    %shift_left3A_189 = arith.shli %and3A_186, %shift_left3A_188 : vector<128x128xi32>
    %or3A_190 = arith.ori %or3A_180, %shift_left3A_189 : vector<128x128xi32>
    %shift_right_arithmetic3A_191 = arith.constant 4 : i32
    %shift_right_arithmetic3A_192 = vector.broadcast %shift_right_arithmetic3A_191 : i32 to vector<128x128xi32>
    %shift_right_arithmetic3A_193 = arith.shrsi %min3A_53, %shift_right_arithmetic3A_192 : vector<128x128xi32>
    %and3A_194 = arith.constant 1 : i32
    %and3A_195 = vector.broadcast %and3A_194 : i32 to vector<128x128xi32>
    %and3A_196 = arith.andi %shift_right_arithmetic3A_193, %and3A_195 : vector<128x128xi32>
    %shift_left3A_197 = arith.constant 14 : i32
    %shift_left3A_198 = vector.broadcast %shift_left3A_197 : i32 to vector<128x128xi32>
    %shift_left3A_199 = arith.shli %and3A_196, %shift_left3A_198 : vector<128x128xi32>
    %or3A_200 = arith.ori %or3A_190, %shift_left3A_199 : vector<128x128xi32>
    %shift_right_arithmetic3A_201 = arith.constant 5 : i32
    %shift_right_arithmetic3A_202 = vector.broadcast %shift_right_arithmetic3A_201 : i32 to vector<128x128xi32>
    %shift_right_arithmetic3A_203 = arith.shrsi %min3A_17, %shift_right_arithmetic3A_202 : vector<128x128xi32>
    %and3A_204 = arith.constant 1 : i32
    %and3A_205 = vector.broadcast %and3A_204 : i32 to vector<128x128xi32>
    %and3A_206 = arith.andi %shift_right_arithmetic3A_203, %and3A_205 : vector<128x128xi32>
    %shift_left3A_207 = arith.constant 15 : i32
    %shift_left3A_208 = vector.broadcast %shift_left3A_207 : i32 to vector<128x128xi32>
    %shift_left3A_209 = arith.shli %and3A_206, %shift_left3A_208 : vector<128x128xi32>
    %or3A_210 = arith.ori %or3A_200, %shift_left3A_209 : vector<128x128xi32>
    %shift_right_arithmetic3A_211 = arith.constant 5 : i32
    %shift_right_arithmetic3A_212 = vector.broadcast %shift_right_arithmetic3A_211 : i32 to vector<128x128xi32>
    %shift_right_arithmetic3A_213 = arith.shrsi %min3A_35, %shift_right_arithmetic3A_212 : vector<128x128xi32>
    %and3A_214 = arith.constant 1 : i32
    %and3A_215 = vector.broadcast %and3A_214 : i32 to vector<128x128xi32>
    %and3A_216 = arith.andi %shift_right_arithmetic3A_213, %and3A_215 : vector<128x128xi32>
    %shift_left3A_217 = arith.constant 16 : i32
    %shift_left3A_218 = vector.broadcast %shift_left3A_217 : i32 to vector<128x128xi32>
    %shift_left3A_219 = arith.shli %and3A_216, %shift_left3A_218 : vector<128x128xi32>
    %or3A_220 = arith.ori %or3A_210, %shift_left3A_219 : vector<128x128xi32>
    %shift_right_arithmetic3A_221 = arith.constant 5 : i32
    %shift_right_arithmetic3A_222 = vector.broadcast %shift_right_arithmetic3A_221 : i32 to vector<128x128xi32>
    %shift_right_arithmetic3A_223 = arith.shrsi %min3A_53, %shift_right_arithmetic3A_222 : vector<128x128xi32>
    %and3A_224 = arith.constant 1 : i32
    %and3A_225 = vector.broadcast %and3A_224 : i32 to vector<128x128xi32>
    %and3A_226 = arith.andi %shift_right_arithmetic3A_223, %and3A_225 : vector<128x128xi32>
    %shift_left3A_227 = arith.constant 17 : i32
    %shift_left3A_228 = vector.broadcast %shift_left3A_227 : i32 to vector<128x128xi32>
    %shift_left3A_229 = arith.shli %and3A_226, %shift_left3A_228 : vector<128x128xi32>
    %or3A_230 = arith.ori %or3A_220, %shift_left3A_229 : vector<128x128xi32>
    %shift_right_arithmetic3A_231 = arith.constant 6 : i32
    %shift_right_arithmetic3A_232 = vector.broadcast %shift_right_arithmetic3A_231 : i32 to vector<128x128xi32>
    %shift_right_arithmetic3A_233 = arith.shrsi %min3A_17, %shift_right_arithmetic3A_232 : vector<128x128xi32>
    %and3A_234 = arith.constant 1 : i32
    %and3A_235 = vector.broadcast %and3A_234 : i32 to vector<128x128xi32>
    %and3A_236 = arith.andi %shift_right_arithmetic3A_233, %and3A_235 : vector<128x128xi32>
    %shift_left3A_237 = arith.constant 18 : i32
    %shift_left3A_238 = vector.broadcast %shift_left3A_237 : i32 to vector<128x128xi32>
    %shift_left3A_239 = arith.shli %and3A_236, %shift_left3A_238 : vector<128x128xi32>
    %or3A_240 = arith.ori %or3A_230, %shift_left3A_239 : vector<128x128xi32>
    %shift_right_arithmetic3A_241 = arith.constant 6 : i32
    %shift_right_arithmetic3A_242 = vector.broadcast %shift_right_arithmetic3A_241 : i32 to vector<128x128xi32>
    %shift_right_arithmetic3A_243 = arith.shrsi %min3A_35, %shift_right_arithmetic3A_242 : vector<128x128xi32>
    %and3A_244 = arith.constant 1 : i32
    %and3A_245 = vector.broadcast %and3A_244 : i32 to vector<128x128xi32>
    %and3A_246 = arith.andi %shift_right_arithmetic3A_243, %and3A_245 : vector<128x128xi32>
    %shift_left3A_247 = arith.constant 19 : i32
    %shift_left3A_248 = vector.broadcast %shift_left3A_247 : i32 to vector<128x128xi32>
    %shift_left3A_249 = arith.shli %and3A_246, %shift_left3A_248 : vector<128x128xi32>
    %or3A_250 = arith.ori %or3A_240, %shift_left3A_249 : vector<128x128xi32>
    %shift_right_arithmetic3A_251 = arith.constant 6 : i32
    %shift_right_arithmetic3A_252 = vector.broadcast %shift_right_arithmetic3A_251 : i32 to vector<128x128xi32>
    %shift_right_arithmetic3A_253 = arith.shrsi %min3A_53, %shift_right_arithmetic3A_252 : vector<128x128xi32>
    %and3A_254 = arith.constant 1 : i32
    %and3A_255 = vector.broadcast %and3A_254 : i32 to vector<128x128xi32>
    %and3A_256 = arith.andi %shift_right_arithmetic3A_253, %and3A_255 : vector<128x128xi32>
    %shift_left3A_257 = arith.constant 20 : i32
    %shift_left3A_258 = vector.broadcast %shift_left3A_257 : i32 to vector<128x128xi32>
    %shift_left3A_259 = arith.shli %and3A_256, %shift_left3A_258 : vector<128x128xi32>
    %or3A_260 = arith.ori %or3A_250, %shift_left3A_259 : vector<128x128xi32>
    %shift_right_arithmetic3A_261 = arith.constant 7 : i32
    %shift_right_arithmetic3A_262 = vector.broadcast %shift_right_arithmetic3A_261 : i32 to vector<128x128xi32>
    %shift_right_arithmetic3A_263 = arith.shrsi %min3A_17, %shift_right_arithmetic3A_262 : vector<128x128xi32>
    %and3A_264 = arith.constant 1 : i32
    %and3A_265 = vector.broadcast %and3A_264 : i32 to vector<128x128xi32>
    %and3A_266 = arith.andi %shift_right_arithmetic3A_263, %and3A_265 : vector<128x128xi32>
    %shift_left3A_267 = arith.constant 21 : i32
    %shift_left3A_268 = vector.broadcast %shift_left3A_267 : i32 to vector<128x128xi32>
    %shift_left3A_269 = arith.shli %and3A_266, %shift_left3A_268 : vector<128x128xi32>
    %or3A_270 = arith.ori %or3A_260, %shift_left3A_269 : vector<128x128xi32>
    %shift_right_arithmetic3A_271 = arith.constant 7 : i32
    %shift_right_arithmetic3A_272 = vector.broadcast %shift_right_arithmetic3A_271 : i32 to vector<128x128xi32>
    %shift_right_arithmetic3A_273 = arith.shrsi %min3A_35, %shift_right_arithmetic3A_272 : vector<128x128xi32>
    %and3A_274 = arith.constant 1 : i32
    %and3A_275 = vector.broadcast %and3A_274 : i32 to vector<128x128xi32>
    %and3A_276 = arith.andi %shift_right_arithmetic3A_273, %and3A_275 : vector<128x128xi32>
    %shift_left3A_277 = arith.constant 22 : i32
    %shift_left3A_278 = vector.broadcast %shift_left3A_277 : i32 to vector<128x128xi32>
    %shift_left3A_279 = arith.shli %and3A_276, %shift_left3A_278 : vector<128x128xi32>
    %or3A_280 = arith.ori %or3A_270, %shift_left3A_279 : vector<128x128xi32>
    %shift_right_arithmetic3A_281 = arith.constant 7 : i32
    %shift_right_arithmetic3A_282 = vector.broadcast %shift_right_arithmetic3A_281 : i32 to vector<128x128xi32>
    %shift_right_arithmetic3A_283 = arith.shrsi %min3A_53, %shift_right_arithmetic3A_282 : vector<128x128xi32>
    %and3A_284 = arith.constant 1 : i32
    %and3A_285 = vector.broadcast %and3A_284 : i32 to vector<128x128xi32>
    %and3A_286 = arith.andi %shift_right_arithmetic3A_283, %and3A_285 : vector<128x128xi32>
    %shift_left3A_287 = arith.constant 23 : i32
    %shift_left3A_288 = vector.broadcast %shift_left3A_287 : i32 to vector<128x128xi32>
    %shift_left3A_289 = arith.shli %and3A_286, %shift_left3A_288 : vector<128x128xi32>
    %or3A_290 = arith.ori %or3A_280, %shift_left3A_289 : vector<128x128xi32>
    %get3A_291 = arith.constant 0 : index
    %get3A_292 = arith.constant 0 : index
    %get3A_293 = vector.load %arg3[%get3A_291, %get3A_292] : memref<128x128xi32, #tpu.memory_space<vmem>>, vector<128x128xi32>
    %shift_left3A_294 = arith.constant 24 : i32
    %shift_left3A_295 = vector.broadcast %shift_left3A_294 : i32 to vector<128x128xi32>
    %shift_left3A_296 = arith.shli %get3A_293, %shift_left3A_295 : vector<128x128xi32>
    %or3A_297 = arith.ori %or3A_290, %shift_left3A_296 : vector<128x128xi32>
    %swap3A = arith.constant 0 : index
    %swap3A_298 = arith.constant 0 : index
    %swap3A_299 = vector.load %arg4[%swap3A, %swap3A_298] : memref<128x128xi32, #tpu.memory_space<vmem>>, vector<128x128xi32>
    tpu.vector_store %arg4[%swap3A, %swap3A_298], %or3A_297 {strides = array<i32>} : memref<128x128xi32, #tpu.memory_space<vmem>>, vector<128x128xi32>,
    return
  }
}

module attributes {stable_mosaic.version = 14 : i64} {
  func.func @_embed_body(%arg0: i32, %arg1: memref<2048x6xf32, #tpu.memory_space<vmem>>, %arg2: memref<6x64xf32, #tpu.memory_space<vmem>>, %arg3: memref<1x64xf32, #tpu.memory_space<vmem>>, %arg4: memref<2048x128xf32, #tpu.memory_space<vmem>>) attributes {dimension_semantics = [#tpu.dimension_semantics<arbitrary>], iteration_bounds = array<i64: 8>, scalar_prefetch = 0 : i64, scratch_operands = 0 : i64, tpu.core_type = #tpu.core_type<tc>, window_params = [{transform_indices = @transform_0, window_bounds = array<i64: 2048, 6>}, {pipeline_mode = #tpu.pipeline_mode<synchronous>, transform_indices = @transform_1, window_bounds = array<i64: 6, 64>}, {pipeline_mode = #tpu.pipeline_mode<synchronous>, transform_indices = @transform_2, window_bounds = array<i64: 1, 64>}, {transform_indices = @transform_3, window_bounds = array<i64: 2048, 128>}]} {
    %get3A = arith.constant 0 : index
    %get3A_0 = arith.constant 0 : index
    %get3A_1 = vector.load %arg1[%get3A, %get3A_0] : memref<2048x6xf32, #tpu.memory_space<vmem>>, vector<2048x6xf32>
    %get3A_2 = arith.constant 0 : index
    %get3A_3 = arith.constant 0 : index
    %get3A_4 = vector.load %arg2[%get3A_2, %get3A_3] : memref<6x64xf32, #tpu.memory_space<vmem>>, vector<6x64xf32>
    %dot_general3A = arith.constant dense<0.000000e+00> : vector<2048x64xf32>
    %dot_general3A_5 = tpu.matmul %get3A_1, %get3A_4, %dot_general3A {dimension_numbers = #tpu.dot_dimension_numbers<[1], [0], [0], [1], [0, 0, 1, 1], [], []>, transpose_lhs_hint = false} : vector<2048x6xf32>, vector<6x64xf32>, vector<2048x64xf32> -> vector<2048x64xf32>
    %get3A_6 = arith.constant 0 : index
    %get3A_7 = arith.constant 0 : index
    %get3A_8 = vector.load %arg3[%get3A_6, %get3A_7] : memref<1x64xf32, #tpu.memory_space<vmem>>, vector<1x64xf32>
    %add3A = vector.broadcast %get3A_8 : vector<1x64xf32> to vector<2048x64xf32>
    %add3A_9 = arith.addf %dot_general3A_5, %add3A : vector<2048x64xf32>
    %broadcast_in_dim3A = arith.constant 0.000000e+00 : f32
    %broadcast_in_dim3A_10 = vector.broadcast %broadcast_in_dim3A : f32 to vector<2048x64xf32>
    %concatenate3A = tpu.concatenate %add3A_9, %broadcast_in_dim3A_10 in 1 : vector<2048x64xf32>, vector<2048x64xf32> -> vector<2048x128xf32>
    %swap3A = arith.constant 0 : index
    %swap3A_11 = arith.constant 0 : index
    %swap3A_12 = vector.load %arg4[%swap3A, %swap3A_11] : memref<2048x128xf32, #tpu.memory_space<vmem>>, vector<2048x128xf32>
    tpu.vector_store %arg4[%swap3A, %swap3A_11], %concatenate3A {strides = array<i32>} : memref<2048x128xf32, #tpu.memory_space<vmem>>, vector<2048x128xf32>,
    return
  }
  func.func @transform_0(%arg0: i32) -> (i32, i32) {
    %c0_i32 = arith.constant 0 : i32
    %c0_i32_0 = arith.constant 0 : i32
    return %arg0, %c0_i32 : i32, i32
  }
  func.func @transform_1(%arg0: i32) -> (i32, i32) {
    %c0_i32 = arith.constant 0 : i32
    %c0_i32_0 = arith.constant 0 : i32
    %c0_i32_1 = arith.constant 0 : i32
    return %c0_i32, %c0_i32_0 : i32, i32
  }
  func.func @transform_2(%arg0: i32) -> (i32, i32) {
    %c0_i32 = arith.constant 0 : i32
    %c0_i32_0 = arith.constant 0 : i32
    %c0_i32_1 = arith.constant 0 : i32
    return %c0_i32, %c0_i32_0 : i32, i32
  }
  func.func @transform_3(%arg0: i32) -> (i32, i32) {
    %c0_i32 = arith.constant 0 : i32
    %c0_i32_0 = arith.constant 0 : i32
    return %arg0, %c0_i32 : i32, i32
  }
}

module attributes {stable_mosaic.version = 14 : i64} {
  func.func @_attn_body(%arg0: i32, %arg1: memref<512x128xf32, #tpu.memory_space<vmem>>, %arg2: memref<1x64xf32, #tpu.memory_space<vmem>>, %arg3: memref<1x64xf32, #tpu.memory_space<vmem>>, %arg4: memref<64x192xf32, #tpu.memory_space<vmem>>, %arg5: memref<1x192xf32, #tpu.memory_space<vmem>>, %arg6: memref<64x64xf32, #tpu.memory_space<vmem>>, %arg7: memref<1x64xf32, #tpu.memory_space<vmem>>, %arg8: memref<512x128xf32, #tpu.memory_space<vmem>>) attributes {dimension_semantics = [#tpu.dimension_semantics<arbitrary>], iteration_bounds = array<i64: 39>, scalar_prefetch = 0 : i64, scratch_operands = 0 : i64, tpu.core_type = #tpu.core_type<tc>, window_params = [{transform_indices = @transform_0, window_bounds = array<i64: 512, 128>}, {pipeline_mode = #tpu.pipeline_mode<synchronous>, transform_indices = @transform_1, window_bounds = array<i64: 1, 64>}, {pipeline_mode = #tpu.pipeline_mode<synchronous>, transform_indices = @transform_2, window_bounds = array<i64: 1, 64>}, {pipeline_mode = #tpu.pipeline_mode<synchronous>, transform_indices = @transform_3, window_bounds = array<i64: 64, 192>}, {pipeline_mode = #tpu.pipeline_mode<synchronous>, transform_indices = @transform_4, window_bounds = array<i64: 1, 192>}, {pipeline_mode = #tpu.pipeline_mode<synchronous>, transform_indices = @transform_5, window_bounds = array<i64: 64, 64>}, {pipeline_mode = #tpu.pipeline_mode<synchronous>, transform_indices = @transform_6, window_bounds = array<i64: 1, 64>}, {transform_indices = @transform_7, window_bounds = array<i64: 512, 128>}]} {
    %get3A = arith.constant 0 : index
    %get3A_0 = arith.constant 0 : index
    %get3A_1 = vector.load %arg1[%get3A, %get3A_0] : memref<512x128xf32, #tpu.memory_space<vmem>>, vector<512x64xf32>
    %reduce_sum3A = arith.constant dense<0.000000e+00> : vector<512xf32>
    %reduce_sum3A_2 = vector.multi_reduction <add>, %get3A_1, %reduce_sum3A [1] : vector<512x64xf32> to vector<512xf32>
    %broadcast_in_dim3A = vector.shape_cast %reduce_sum3A_2 : vector<512xf32> to vector<512x1xf32>
    %div3A = arith.constant 6.400000e+01 : f32
    %div3A_3 = vector.broadcast %div3A : f32 to vector<512x1xf32>
    %div3A_4 = arith.divf %broadcast_in_dim3A, %div3A_3 : vector<512x1xf32>
    %sub3A = vector.broadcast %div3A_4 : vector<512x1xf32> to vector<512x64xf32>
    %sub3A_5 = arith.subf %get3A_1, %sub3A : vector<512x64xf32>
    %square3A = arith.mulf %sub3A_5, %sub3A_5 : vector<512x64xf32>
    %reduce_sum3A_6 = arith.constant dense<0.000000e+00> : vector<512xf32>
    %reduce_sum3A_7 = vector.multi_reduction <add>, %square3A, %reduce_sum3A_6 [1] : vector<512x64xf32> to vector<512xf32>
    %broadcast_in_dim3A_8 = vector.shape_cast %reduce_sum3A_7 : vector<512xf32> to vector<512x1xf32>
    %div3A_9 = arith.constant 6.400000e+01 : f32
    %div3A_10 = vector.broadcast %div3A_9 : f32 to vector<512x1xf32>
    %div3A_11 = arith.divf %broadcast_in_dim3A_8, %div3A_10 : vector<512x1xf32>
    %sub3A_12 = vector.broadcast %div3A_4 : vector<512x1xf32> to vector<512x64xf32>
    %sub3A_13 = arith.subf %get3A_1, %sub3A_12 : vector<512x64xf32>
    %add3A = arith.constant 9.99999974E-6 : f32
    %add3A_14 = vector.broadcast %add3A : f32 to vector<512x1xf32>
    %add3A_15 = arith.addf %div3A_11, %add3A_14 : vector<512x1xf32>
    %rsqrt3A = math.rsqrt %add3A_15 : vector<512x1xf32>
    %mul3A = vector.broadcast %rsqrt3A : vector<512x1xf32> to vector<512x64xf32>
    %mul3A_16 = arith.mulf %sub3A_13, %mul3A : vector<512x64xf32>
    %get3A_17 = arith.constant 0 : index
    %get3A_18 = arith.constant 0 : index
    %get3A_19 = vector.load %arg2[%get3A_17, %get3A_18] : memref<1x64xf32, #tpu.memory_space<vmem>>, vector<1x64xf32>
    %mul3A_20 = vector.broadcast %get3A_19 : vector<1x64xf32> to vector<512x64xf32>
    %mul3A_21 = arith.mulf %mul3A_16, %mul3A_20 : vector<512x64xf32>
    %get3A_22 = arith.constant 0 : index
    %get3A_23 = arith.constant 0 : index
    %get3A_24 = vector.load %arg3[%get3A_22, %get3A_23] : memref<1x64xf32, #tpu.memory_space<vmem>>, vector<1x64xf32>
    %add3A_25 = vector.broadcast %get3A_24 : vector<1x64xf32> to vector<512x64xf32>
    %add3A_26 = arith.addf %mul3A_21, %add3A_25 : vector<512x64xf32>
    %convert_element_type3A = arith.truncf %add3A_26 : vector<512x64xf32> to vector<512x64xbf16>
    %get3A_27 = arith.constant 0 : index
    %get3A_28 = arith.constant 0 : index
    %get3A_29 = vector.load %arg4[%get3A_27, %get3A_28] : memref<64x192xf32, #tpu.memory_space<vmem>>, vector<64x192xf32>
    %convert_element_type3A_30 = arith.truncf %get3A_29 : vector<64x192xf32> to vector<64x192xbf16>
    %dot_general3A = arith.constant dense<0.000000e+00> : vector<512x192xf32>
    %dot_general3A_31 = tpu.matmul %convert_element_type3A, %convert_element_type3A_30, %dot_general3A {dimension_numbers = #tpu.dot_dimension_numbers<[1], [0], [0], [1], [0, 0, 1, 1], [], []>, transpose_lhs_hint = false} : vector<512x64xbf16>, vector<64x192xbf16>, vector<512x192xf32> -> vector<512x192xf32>
    %get3A_32 = arith.constant 0 : index
    %get3A_33 = arith.constant 0 : index
    %get3A_34 = vector.load %arg5[%get3A_32, %get3A_33] : memref<1x192xf32, #tpu.memory_space<vmem>>, vector<1x192xf32>
    %add3A_35 = vector.broadcast %get3A_34 : vector<1x192xf32> to vector<512x192xf32>
    %add3A_36 = arith.addf %dot_general3A_31, %add3A_35 : vector<512x192xf32>
    %convert_element_type3A_37 = arith.truncf %add3A_36 : vector<512x192xf32> to vector<512x192xbf16>
    %slice3A = vector.extract_strided_slice %convert_element_type3A_37 {offsets = [0, 0], sizes = [512, 16], strides = [1, 1]} : vector<512x192xbf16> to vector<512x16xbf16>
    %slice3A_38 = vector.extract_strided_slice %convert_element_type3A_37 {offsets = [0, 64], sizes = [512, 16], strides = [1, 1]} : vector<512x192xbf16> to vector<512x16xbf16>
    %slice3A_39 = vector.extract_strided_slice %convert_element_type3A_37 {offsets = [0, 128], sizes = [512, 16], strides = [1, 1]} : vector<512x192xbf16> to vector<512x16xbf16>
    %dot_general3A_40 = arith.constant dense<0.000000e+00> : vector<512x512xf32>
    %dot_general3A_41 = tpu.matmul %slice3A, %slice3A_38, %dot_general3A_40 {dimension_numbers = #tpu.dot_dimension_numbers<[1], [1], [0], [0], [0, 0, 1, 0], [], []>, transpose_lhs_hint = false} : vector<512x16xbf16>, vector<512x16xbf16>, vector<512x512xf32> -> vector<512x512xf32>
    %mul3A_42 = arith.constant 2.500000e-01 : f32
    %mul3A_43 = vector.broadcast %mul3A_42 : f32 to vector<512x512xf32>
    %mul3A_44 = arith.mulf %dot_general3A_41, %mul3A_43 : vector<512x512xf32>
    %exp3A = math.exp %mul3A_44 : vector<512x512xf32>
    %reduce_sum3A_45 = arith.constant dense<0.000000e+00> : vector<512xf32>
    %reduce_sum3A_46 = vector.multi_reduction <add>, %exp3A, %reduce_sum3A_45 [1] : vector<512x512xf32> to vector<512xf32>
    %broadcast_in_dim3A_47 = vector.shape_cast %reduce_sum3A_46 : vector<512xf32> to vector<512x1xf32>
    %convert_element_type3A_48 = arith.truncf %exp3A : vector<512x512xf32> to vector<512x512xbf16>
    %dot_general3A_49 = arith.constant dense<0.000000e+00> : vector<512x16xf32>
    %dot_general3A_50 = tpu.matmul %convert_element_type3A_48, %slice3A_39, %dot_general3A_49 {dimension_numbers = #tpu.dot_dimension_numbers<[1], [0], [0], [1], [0, 0, 1, 1], [], []>, transpose_lhs_hint = false} : vector<512x512xbf16>, vector<512x16xbf16>, vector<512x16xf32> -> vector<512x16xf32>
    %div3A_51 = vector.broadcast %broadcast_in_dim3A_47 : vector<512x1xf32> to vector<512x16xf32>
    %div3A_52 = arith.divf %dot_general3A_50, %div3A_51 : vector<512x16xf32>
    %slice3A_53 = vector.extract_strided_slice %convert_element_type3A_37 {offsets = [0, 16], sizes = [512, 16], strides = [1, 1]} : vector<512x192xbf16> to vector<512x16xbf16>
    %slice3A_54 = vector.extract_strided_slice %convert_element_type3A_37 {offsets = [0, 80], sizes = [512, 16], strides = [1, 1]} : vector<512x192xbf16> to vector<512x16xbf16>
    %slice3A_55 = vector.extract_strided_slice %convert_element_type3A_37 {offsets = [0, 144], sizes = [512, 16], strides = [1, 1]} : vector<512x192xbf16> to vector<512x16xbf16>
    %dot_general3A_56 = arith.constant dense<0.000000e+00> : vector<512x512xf32>
    %dot_general3A_57 = tpu.matmul %slice3A_53, %slice3A_54, %dot_general3A_56 {dimension_numbers = #tpu.dot_dimension_numbers<[1], [1], [0], [0], [0, 0, 1, 0], [], []>, transpose_lhs_hint = false} : vector<512x16xbf16>, vector<512x16xbf16>, vector<512x512xf32> -> vector<512x512xf32>
    %mul3A_58 = arith.constant 2.500000e-01 : f32
    %mul3A_59 = vector.broadcast %mul3A_58 : f32 to vector<512x512xf32>
    %mul3A_60 = arith.mulf %dot_general3A_57, %mul3A_59 : vector<512x512xf32>
    %exp3A_61 = math.exp %mul3A_60 : vector<512x512xf32>
    %reduce_sum3A_62 = arith.constant dense<0.000000e+00> : vector<512xf32>
    %reduce_sum3A_63 = vector.multi_reduction <add>, %exp3A_61, %reduce_sum3A_62 [1] : vector<512x512xf32> to vector<512xf32>
    %broadcast_in_dim3A_64 = vector.shape_cast %reduce_sum3A_63 : vector<512xf32> to vector<512x1xf32>
    %convert_element_type3A_65 = arith.truncf %exp3A_61 : vector<512x512xf32> to vector<512x512xbf16>
    %dot_general3A_66 = arith.constant dense<0.000000e+00> : vector<512x16xf32>
    %dot_general3A_67 = tpu.matmul %convert_element_type3A_65, %slice3A_55, %dot_general3A_66 {dimension_numbers = #tpu.dot_dimension_numbers<[1], [0], [0], [1], [0, 0, 1, 1], [], []>, transpose_lhs_hint = false} : vector<512x512xbf16>, vector<512x16xbf16>, vector<512x16xf32> -> vector<512x16xf32>
    %div3A_68 = vector.broadcast %broadcast_in_dim3A_64 : vector<512x1xf32> to vector<512x16xf32>
    %div3A_69 = arith.divf %dot_general3A_67, %div3A_68 : vector<512x16xf32>
    %slice3A_70 = vector.extract_strided_slice %convert_element_type3A_37 {offsets = [0, 32], sizes = [512, 16], strides = [1, 1]} : vector<512x192xbf16> to vector<512x16xbf16>
    %slice3A_71 = vector.extract_strided_slice %convert_element_type3A_37 {offsets = [0, 96], sizes = [512, 16], strides = [1, 1]} : vector<512x192xbf16> to vector<512x16xbf16>
    %slice3A_72 = vector.extract_strided_slice %convert_element_type3A_37 {offsets = [0, 160], sizes = [512, 16], strides = [1, 1]} : vector<512x192xbf16> to vector<512x16xbf16>
    %dot_general3A_73 = arith.constant dense<0.000000e+00> : vector<512x512xf32>
    %dot_general3A_74 = tpu.matmul %slice3A_70, %slice3A_71, %dot_general3A_73 {dimension_numbers = #tpu.dot_dimension_numbers<[1], [1], [0], [0], [0, 0, 1, 0], [], []>, transpose_lhs_hint = false} : vector<512x16xbf16>, vector<512x16xbf16>, vector<512x512xf32> -> vector<512x512xf32>
    %mul3A_75 = arith.constant 2.500000e-01 : f32
    %mul3A_76 = vector.broadcast %mul3A_75 : f32 to vector<512x512xf32>
    %mul3A_77 = arith.mulf %dot_general3A_74, %mul3A_76 : vector<512x512xf32>
    %exp3A_78 = math.exp %mul3A_77 : vector<512x512xf32>
    %reduce_sum3A_79 = arith.constant dense<0.000000e+00> : vector<512xf32>
    %reduce_sum3A_80 = vector.multi_reduction <add>, %exp3A_78, %reduce_sum3A_79 [1] : vector<512x512xf32> to vector<512xf32>
    %broadcast_in_dim3A_81 = vector.shape_cast %reduce_sum3A_80 : vector<512xf32> to vector<512x1xf32>
    %convert_element_type3A_82 = arith.truncf %exp3A_78 : vector<512x512xf32> to vector<512x512xbf16>
    %dot_general3A_83 = arith.constant dense<0.000000e+00> : vector<512x16xf32>
    %dot_general3A_84 = tpu.matmul %convert_element_type3A_82, %slice3A_72, %dot_general3A_83 {dimension_numbers = #tpu.dot_dimension_numbers<[1], [0], [0], [1], [0, 0, 1, 1], [], []>, transpose_lhs_hint = false} : vector<512x512xbf16>, vector<512x16xbf16>, vector<512x16xf32> -> vector<512x16xf32>
    %div3A_85 = vector.broadcast %broadcast_in_dim3A_81 : vector<512x1xf32> to vector<512x16xf32>
    %div3A_86 = arith.divf %dot_general3A_84, %div3A_85 : vector<512x16xf32>
    %slice3A_87 = vector.extract_strided_slice %convert_element_type3A_37 {offsets = [0, 48], sizes = [512, 16], strides = [1, 1]} : vector<512x192xbf16> to vector<512x16xbf16>
    %slice3A_88 = vector.extract_strided_slice %convert_element_type3A_37 {offsets = [0, 112], sizes = [512, 16], strides = [1, 1]} : vector<512x192xbf16> to vector<512x16xbf16>
    %slice3A_89 = vector.extract_strided_slice %convert_element_type3A_37 {offsets = [0, 176], sizes = [512, 16], strides = [1, 1]} : vector<512x192xbf16> to vector<512x16xbf16>
    %dot_general3A_90 = arith.constant dense<0.000000e+00> : vector<512x512xf32>
    %dot_general3A_91 = tpu.matmul %slice3A_87, %slice3A_88, %dot_general3A_90 {dimension_numbers = #tpu.dot_dimension_numbers<[1], [1], [0], [0], [0, 0, 1, 0], [], []>, transpose_lhs_hint = false} : vector<512x16xbf16>, vector<512x16xbf16>, vector<512x512xf32> -> vector<512x512xf32>
    %mul3A_92 = arith.constant 2.500000e-01 : f32
    %mul3A_93 = vector.broadcast %mul3A_92 : f32 to vector<512x512xf32>
    %mul3A_94 = arith.mulf %dot_general3A_91, %mul3A_93 : vector<512x512xf32>
    %exp3A_95 = math.exp %mul3A_94 : vector<512x512xf32>
    %reduce_sum3A_96 = arith.constant dense<0.000000e+00> : vector<512xf32>
    %reduce_sum3A_97 = vector.multi_reduction <add>, %exp3A_95, %reduce_sum3A_96 [1] : vector<512x512xf32> to vector<512xf32>
    %broadcast_in_dim3A_98 = vector.shape_cast %reduce_sum3A_97 : vector<512xf32> to vector<512x1xf32>
    %convert_element_type3A_99 = arith.truncf %exp3A_95 : vector<512x512xf32> to vector<512x512xbf16>
    %dot_general3A_100 = arith.constant dense<0.000000e+00> : vector<512x16xf32>
    %dot_general3A_101 = tpu.matmul %convert_element_type3A_99, %slice3A_89, %dot_general3A_100 {dimension_numbers = #tpu.dot_dimension_numbers<[1], [0], [0], [1], [0, 0, 1, 1], [], []>, transpose_lhs_hint = false} : vector<512x512xbf16>, vector<512x16xbf16>, vector<512x16xf32> -> vector<512x16xf32>
    %div3A_102 = vector.broadcast %broadcast_in_dim3A_98 : vector<512x1xf32> to vector<512x16xf32>
    %div3A_103 = arith.divf %dot_general3A_101, %div3A_102 : vector<512x16xf32>
    %concatenate3A = tpu.concatenate %div3A_52, %div3A_69, %div3A_86, %div3A_103 in 1 : vector<512x16xf32>, vector<512x16xf32>, vector<512x16xf32>, vector<512x16xf32> -> vector<512x64xf32>
    %convert_element_type3A_104 = arith.truncf %concatenate3A : vector<512x64xf32> to vector<512x64xbf16>
    %get3A_105 = arith.constant 0 : index
    %get3A_106 = arith.constant 0 : index
    %get3A_107 = vector.load %arg6[%get3A_105, %get3A_106] : memref<64x64xf32, #tpu.memory_space<vmem>>, vector<64x64xf32>
    %convert_element_type3A_108 = arith.truncf %get3A_107 : vector<64x64xf32> to vector<64x64xbf16>
    %dot_general3A_109 = arith.constant dense<0.000000e+00> : vector<512x64xf32>
    %dot_general3A_110 = tpu.matmul %convert_element_type3A_104, %convert_element_type3A_108, %dot_general3A_109 {dimension_numbers = #tpu.dot_dimension_numbers<[1], [0], [0], [1], [0, 0, 1, 1], [], []>, transpose_lhs_hint = false} : vector<512x64xbf16>, vector<64x64xbf16>, vector<512x64xf32> -> vector<512x64xf32>
    %get3A_111 = arith.constant 0 : index
    %get3A_112 = arith.constant 0 : index
    %get3A_113 = vector.load %arg7[%get3A_111, %get3A_112] : memref<1x64xf32, #tpu.memory_space<vmem>>, vector<1x64xf32>
    %add3A_114 = vector.broadcast %get3A_113 : vector<1x64xf32> to vector<512x64xf32>
    %add3A_115 = arith.addf %dot_general3A_110, %add3A_114 : vector<512x64xf32>
    %broadcast_in_dim3A_116 = arith.constant 0.000000e+00 : f32
    %broadcast_in_dim3A_117 = vector.broadcast %broadcast_in_dim3A_116 : f32 to vector<512x64xf32>
    %concatenate3A_118 = tpu.concatenate %add3A_115, %broadcast_in_dim3A_117 in 1 : vector<512x64xf32>, vector<512x64xf32> -> vector<512x128xf32>
    %swap3A = arith.constant 0 : index
    %swap3A_119 = arith.constant 0 : index
    %swap3A_120 = vector.load %arg8[%swap3A, %swap3A_119] : memref<512x128xf32, #tpu.memory_space<vmem>>, vector<512x128xf32>
    tpu.vector_store %arg8[%swap3A, %swap3A_119], %concatenate3A_118 {strides = array<i32>} : memref<512x128xf32, #tpu.memory_space<vmem>>, vector<512x128xf32>,
    return
  }
  func.func @transform_0(%arg0: i32) -> (i32, i32) {
    %c0_i32 = arith.constant 0 : i32
    %c0_i32_0 = arith.constant 0 : i32
    return %arg0, %c0_i32 : i32, i32
  }
  func.func @transform_1(%arg0: i32) -> (i32, i32) {
    %c0_i32 = arith.constant 0 : i32
    %c0_i32_0 = arith.constant 0 : i32
    %c0_i32_1 = arith.constant 0 : i32
    return %c0_i32, %c0_i32_0 : i32, i32
  }
  func.func @transform_2(%arg0: i32) -> (i32, i32) {
    %c0_i32 = arith.constant 0 : i32
    %c0_i32_0 = arith.constant 0 : i32
    %c0_i32_1 = arith.constant 0 : i32
    return %c0_i32, %c0_i32_0 : i32, i32
  }
  func.func @transform_3(%arg0: i32) -> (i32, i32) {
    %c0_i32 = arith.constant 0 : i32
    %c0_i32_0 = arith.constant 0 : i32
    %c0_i32_1 = arith.constant 0 : i32
    return %c0_i32, %c0_i32_0 : i32, i32
  }
  func.func @transform_4(%arg0: i32) -> (i32, i32) {
    %c0_i32 = arith.constant 0 : i32
    %c0_i32_0 = arith.constant 0 : i32
    %c0_i32_1 = arith.constant 0 : i32
    return %c0_i32, %c0_i32_0 : i32, i32
  }
  func.func @transform_5(%arg0: i32) -> (i32, i32) {
    %c0_i32 = arith.constant 0 : i32
    %c0_i32_0 = arith.constant 0 : i32
    %c0_i32_1 = arith.constant 0 : i32
    return %c0_i32, %c0_i32_0 : i32, i32
  }
  func.func @transform_6(%arg0: i32) -> (i32, i32) {
    %c0_i32 = arith.constant 0 : i32
    %c0_i32_0 = arith.constant 0 : i32
    %c0_i32_1 = arith.constant 0 : i32
    return %c0_i32, %c0_i32_0 : i32, i32
  }
  func.func @transform_7(%arg0: i32) -> (i32, i32) {
    %c0_i32 = arith.constant 0 : i32
    %c0_i32_0 = arith.constant 0 : i32
    return %arg0, %c0_i32 : i32, i32
  }
}

module attributes {stable_mosaic.version = 14 : i64} {
  func.func @_mlp_body(%arg0: i32, %arg1: memref<2496x128xf32, #tpu.memory_space<vmem>>, %arg2: memref<2496x128xf32, #tpu.memory_space<vmem>>, %arg3: memref<1x64xf32, #tpu.memory_space<vmem>>, %arg4: memref<1x64xf32, #tpu.memory_space<vmem>>, %arg5: memref<64x256xf32, #tpu.memory_space<vmem>>, %arg6: memref<1x256xf32, #tpu.memory_space<vmem>>, %arg7: memref<256x64xf32, #tpu.memory_space<vmem>>, %arg8: memref<1x64xf32, #tpu.memory_space<vmem>>, %arg9: memref<2496x128xf32, #tpu.memory_space<vmem>>) attributes {dimension_semantics = [#tpu.dimension_semantics<arbitrary>], iteration_bounds = array<i64: 8>, scalar_prefetch = 0 : i64, scratch_operands = 0 : i64, tpu.core_type = #tpu.core_type<tc>, window_params = [{transform_indices = @transform_0, window_bounds = array<i64: 2496, 128>}, {transform_indices = @transform_1, window_bounds = array<i64: 2496, 128>}, {pipeline_mode = #tpu.pipeline_mode<synchronous>, transform_indices = @transform_2, window_bounds = array<i64: 1, 64>}, {pipeline_mode = #tpu.pipeline_mode<synchronous>, transform_indices = @transform_3, window_bounds = array<i64: 1, 64>}, {pipeline_mode = #tpu.pipeline_mode<synchronous>, transform_indices = @transform_4, window_bounds = array<i64: 64, 256>}, {pipeline_mode = #tpu.pipeline_mode<synchronous>, transform_indices = @transform_5, window_bounds = array<i64: 1, 256>}, {pipeline_mode = #tpu.pipeline_mode<synchronous>, transform_indices = @transform_6, window_bounds = array<i64: 256, 64>}, {pipeline_mode = #tpu.pipeline_mode<synchronous>, transform_indices = @transform_7, window_bounds = array<i64: 1, 64>}, {transform_indices = @transform_8, window_bounds = array<i64: 2496, 128>}]} {
    %get3A = arith.constant 0 : index
    %get3A_0 = arith.constant 0 : index
    %get3A_1 = vector.load %arg1[%get3A, %get3A_0] : memref<2496x128xf32, #tpu.memory_space<vmem>>, vector<2496x64xf32>
    %get3A_2 = arith.constant 0 : index
    %get3A_3 = arith.constant 0 : index
    %get3A_4 = vector.load %arg2[%get3A_2, %get3A_3] : memref<2496x128xf32, #tpu.memory_space<vmem>>, vector<2496x64xf32>
    %add3A = arith.addf %get3A_1, %get3A_4 : vector<2496x64xf32>
    %reduce_sum3A = arith.constant dense<0.000000e+00> : vector<2496xf32>
    %reduce_sum3A_5 = vector.multi_reduction <add>, %add3A, %reduce_sum3A [1] : vector<2496x64xf32> to vector<2496xf32>
    %broadcast_in_dim3A = vector.shape_cast %reduce_sum3A_5 : vector<2496xf32> to vector<2496x1xf32>
    %div3A = arith.constant 6.400000e+01 : f32
    %div3A_6 = vector.broadcast %div3A : f32 to vector<2496x1xf32>
    %div3A_7 = arith.divf %broadcast_in_dim3A, %div3A_6 : vector<2496x1xf32>
    %sub3A = vector.broadcast %div3A_7 : vector<2496x1xf32> to vector<2496x64xf32>
    %sub3A_8 = arith.subf %add3A, %sub3A : vector<2496x64xf32>
    %square3A = arith.mulf %sub3A_8, %sub3A_8 : vector<2496x64xf32>
    %reduce_sum3A_9 = arith.constant dense<0.000000e+00> : vector<2496xf32>
    %reduce_sum3A_10 = vector.multi_reduction <add>, %square3A, %reduce_sum3A_9 [1] : vector<2496x64xf32> to vector<2496xf32>
    %broadcast_in_dim3A_11 = vector.shape_cast %reduce_sum3A_10 : vector<2496xf32> to vector<2496x1xf32>
    %div3A_12 = arith.constant 6.400000e+01 : f32
    %div3A_13 = vector.broadcast %div3A_12 : f32 to vector<2496x1xf32>
    %div3A_14 = arith.divf %broadcast_in_dim3A_11, %div3A_13 : vector<2496x1xf32>
    %sub3A_15 = vector.broadcast %div3A_7 : vector<2496x1xf32> to vector<2496x64xf32>
    %sub3A_16 = arith.subf %add3A, %sub3A_15 : vector<2496x64xf32>
    %add3A_17 = arith.constant 9.99999974E-6 : f32
    %add3A_18 = vector.broadcast %add3A_17 : f32 to vector<2496x1xf32>
    %add3A_19 = arith.addf %div3A_14, %add3A_18 : vector<2496x1xf32>
    %rsqrt3A = math.rsqrt %add3A_19 : vector<2496x1xf32>
    %mul3A = vector.broadcast %rsqrt3A : vector<2496x1xf32> to vector<2496x64xf32>
    %mul3A_20 = arith.mulf %sub3A_16, %mul3A : vector<2496x64xf32>
    %get3A_21 = arith.constant 0 : index
    %get3A_22 = arith.constant 0 : index
    %get3A_23 = vector.load %arg3[%get3A_21, %get3A_22] : memref<1x64xf32, #tpu.memory_space<vmem>>, vector<1x64xf32>
    %mul3A_24 = vector.broadcast %get3A_23 : vector<1x64xf32> to vector<2496x64xf32>
    %mul3A_25 = arith.mulf %mul3A_20, %mul3A_24 : vector<2496x64xf32>
    %get3A_26 = arith.constant 0 : index
    %get3A_27 = arith.constant 0 : index
    %get3A_28 = vector.load %arg4[%get3A_26, %get3A_27] : memref<1x64xf32, #tpu.memory_space<vmem>>, vector<1x64xf32>
    %add3A_29 = vector.broadcast %get3A_28 : vector<1x64xf32> to vector<2496x64xf32>
    %add3A_30 = arith.addf %mul3A_25, %add3A_29 : vector<2496x64xf32>
    %get3A_31 = arith.constant 0 : index
    %get3A_32 = arith.constant 0 : index
    %get3A_33 = vector.load %arg5[%get3A_31, %get3A_32] : memref<64x256xf32, #tpu.memory_space<vmem>>, vector<64x256xf32>
    %dot_general3A = arith.constant dense<0.000000e+00> : vector<2496x256xf32>
    %dot_general3A_34 = tpu.matmul %add3A_30, %get3A_33, %dot_general3A {dimension_numbers = #tpu.dot_dimension_numbers<[1], [0], [0], [1], [0, 0, 1, 1], [], []>, transpose_lhs_hint = false} : vector<2496x64xf32>, vector<64x256xf32>, vector<2496x256xf32> -> vector<2496x256xf32>
    %get3A_35 = arith.constant 0 : index
    %get3A_36 = arith.constant 0 : index
    %get3A_37 = vector.load %arg6[%get3A_35, %get3A_36] : memref<1x256xf32, #tpu.memory_space<vmem>>, vector<1x256xf32>
    %add3A_38 = vector.broadcast %get3A_37 : vector<1x256xf32> to vector<2496x256xf32>
    %add3A_39 = arith.addf %dot_general3A_34, %add3A_38 : vector<2496x256xf32>
    %integer_pow3A = arith.mulf %add3A_39, %add3A_39 : vector<2496x256xf32>
    %integer_pow3A_40 = arith.mulf %add3A_39, %integer_pow3A : vector<2496x256xf32>
    %mul3A_41 = arith.constant 4.471500e-02 : f32
    %mul3A_42 = vector.broadcast %mul3A_41 : f32 to vector<2496x256xf32>
    %mul3A_43 = arith.mulf %mul3A_42, %integer_pow3A_40 : vector<2496x256xf32>
    %add3A_44 = arith.addf %add3A_39, %mul3A_43 : vector<2496x256xf32>
    %mul3A_45 = arith.constant 0.797884583 : f32
    %mul3A_46 = vector.broadcast %mul3A_45 : f32 to vector<2496x256xf32>
    %mul3A_47 = arith.mulf %mul3A_46, %add3A_44 : vector<2496x256xf32>
    %tanh3A = math.tanh %mul3A_47 : vector<2496x256xf32>
    %add3A_48 = arith.constant 1.000000e+00 : f32
    %add3A_49 = vector.broadcast %add3A_48 : f32 to vector<2496x256xf32>
    %add3A_50 = arith.addf %add3A_49, %tanh3A : vector<2496x256xf32>
    %mul3A_51 = arith.constant 5.000000e-01 : f32
    %mul3A_52 = vector.broadcast %mul3A_51 : f32 to vector<2496x256xf32>
    %mul3A_53 = arith.mulf %mul3A_52, %add3A_50 : vector<2496x256xf32>
    %mul3A_54 = arith.mulf %add3A_39, %mul3A_53 : vector<2496x256xf32>
    %get3A_55 = arith.constant 0 : index
    %get3A_56 = arith.constant 0 : index
    %get3A_57 = vector.load %arg7[%get3A_55, %get3A_56] : memref<256x64xf32, #tpu.memory_space<vmem>>, vector<256x64xf32>
    %dot_general3A_58 = arith.constant dense<0.000000e+00> : vector<2496x64xf32>
    %dot_general3A_59 = tpu.matmul %mul3A_54, %get3A_57, %dot_general3A_58 {dimension_numbers = #tpu.dot_dimension_numbers<[1], [0], [0], [1], [0, 0, 1, 1], [], []>, transpose_lhs_hint = false} : vector<2496x256xf32>, vector<256x64xf32>, vector<2496x64xf32> -> vector<2496x64xf32>
    %get3A_60 = arith.constant 0 : index
    %get3A_61 = arith.constant 0 : index
    %get3A_62 = vector.load %arg8[%get3A_60, %get3A_61] : memref<1x64xf32, #tpu.memory_space<vmem>>, vector<1x64xf32>
    %add3A_63 = vector.broadcast %get3A_62 : vector<1x64xf32> to vector<2496x64xf32>
    %add3A_64 = arith.addf %dot_general3A_59, %add3A_63 : vector<2496x64xf32>
    %add3A_65 = arith.addf %add3A, %add3A_64 : vector<2496x64xf32>
    %broadcast_in_dim3A_66 = arith.constant 0.000000e+00 : f32
    %broadcast_in_dim3A_67 = vector.broadcast %broadcast_in_dim3A_66 : f32 to vector<2496x64xf32>
    %concatenate3A = tpu.concatenate %add3A_65, %broadcast_in_dim3A_67 in 1 : vector<2496x64xf32>, vector<2496x64xf32> -> vector<2496x128xf32>
    %swap3A = arith.constant 0 : index
    %swap3A_68 = arith.constant 0 : index
    %swap3A_69 = vector.load %arg9[%swap3A, %swap3A_68] : memref<2496x128xf32, #tpu.memory_space<vmem>>, vector<2496x128xf32>
    tpu.vector_store %arg9[%swap3A, %swap3A_68], %concatenate3A {strides = array<i32>} : memref<2496x128xf32, #tpu.memory_space<vmem>>, vector<2496x128xf32>,
    return
  }
  func.func @transform_0(%arg0: i32) -> (i32, i32) {
    %c0_i32 = arith.constant 0 : i32
    %c0_i32_0 = arith.constant 0 : i32
    return %arg0, %c0_i32 : i32, i32
  }
  func.func @transform_1(%arg0: i32) -> (i32, i32) {
    %c0_i32 = arith.constant 0 : i32
    %c0_i32_0 = arith.constant 0 : i32
    return %arg0, %c0_i32 : i32, i32
  }
  func.func @transform_2(%arg0: i32) -> (i32, i32) {
    %c0_i32 = arith.constant 0 : i32
    %c0_i32_0 = arith.constant 0 : i32
    %c0_i32_1 = arith.constant 0 : i32
    return %c0_i32, %c0_i32_0 : i32, i32
  }
  func.func @transform_3(%arg0: i32) -> (i32, i32) {
    %c0_i32 = arith.constant 0 : i32
    %c0_i32_0 = arith.constant 0 : i32
    %c0_i32_1 = arith.constant 0 : i32
    return %c0_i32, %c0_i32_0 : i32, i32
  }
  func.func @transform_4(%arg0: i32) -> (i32, i32) {
    %c0_i32 = arith.constant 0 : i32
    %c0_i32_0 = arith.constant 0 : i32
    %c0_i32_1 = arith.constant 0 : i32
    return %c0_i32, %c0_i32_0 : i32, i32
  }
  func.func @transform_5(%arg0: i32) -> (i32, i32) {
    %c0_i32 = arith.constant 0 : i32
    %c0_i32_0 = arith.constant 0 : i32
    %c0_i32_1 = arith.constant 0 : i32
    return %c0_i32, %c0_i32_0 : i32, i32
  }
  func.func @transform_6(%arg0: i32) -> (i32, i32) {
    %c0_i32 = arith.constant 0 : i32
    %c0_i32_0 = arith.constant 0 : i32
    %c0_i32_1 = arith.constant 0 : i32
    return %c0_i32, %c0_i32_0 : i32, i32
  }
  func.func @transform_7(%arg0: i32) -> (i32, i32) {
    %c0_i32 = arith.constant 0 : i32
    %c0_i32_0 = arith.constant 0 : i32
    %c0_i32_1 = arith.constant 0 : i32
    return %c0_i32, %c0_i32_0 : i32, i32
  }
  func.func @transform_8(%arg0: i32) -> (i32, i32) {
    %c0_i32 = arith.constant 0 : i32
    %c0_i32_0 = arith.constant 0 : i32
    return %arg0, %c0_i32 : i32, i32
  }
}

</mosaic_0001>

<sc_bundles>
// kernel: gather_offload_async_start.1
scs
__scs_entry_jumppad:
0x0: {  	(pc) =	sbr.rel $0x88, $3  }
0x1: {  	(tag) =	ssettag $0x0;
	lr =	simm.s32 $0x1  }
0x2: {  	[smem:$0x3F90] =	sst lr;
	_ =	strace $0xD0000000  }
0x3: {  	_ = 	snop  }
0x4: {  	_ = 	snop  }
0x5: {  	_ = 	snop  }
0x6: {  	_ = 	snop  }
0x7: {  	_ = 	snop  }
__scs_overlays_trampoline_lowered:
0x8: {  	[smem:$0x3F9F] =	sst s0  }
0x9: {  	[smem:$0x3FA0] =	sst s1  }
0xa: {  	[smem:$0x3FA1] =	sst s2  }
0xb: {  	[smem:$0x3FA2] =	sst s3  }
0xc: {  	[smem:$0x3FA3] =	sst s4  }
0xd: {  	[smem:$0x3FA4] =	sst s5  }
0xe: {  	[smem:$0x3FA5] =	sst s6  }
0xf: {  	[smem:$0x3FA6] =	sst s7  }
0x10: {  	[smem:$0x3FA7] =	sst s8  }
0x11: {  	[smem:$0x3FA8] =	sst s9;
	s0 =	simm.s32 @!p0 $0x0  }
0x12: {  	s1 =	sld [smem:$0x3F8E];
	s0 =	simm.s32 @p0 $0x1  }
0x13: {  	[smem:$0x3FA9] =	sst s0;
	s0 =	simm.s32 @!p1 $0x0  }
0x14: {  	s2 =	sld [smem:$0x3F8D];
	s0 =	simm.s32 @p1 $0x1  }
0x15: {  	[smem:$0x3FAA] =	sst s0;
	s0 =	simm.s32 @!p2 $0x0  }
0x16: {  	s3 =	sld [smem:$0x3FDB];
	s0 =	simm.s32 @p2 $0x1  }
0x17: {  	s4 =	simm.s32 $0x1BF5;
	[smem:$0x3FAC] =	sst s0  }
0x18: {  	s0 =	sld [smem:$0x3F8F];
	_ =	swait.ge [sflag:s4], $0x0  }
0x19: {  	s7 =	sld [smem:$0x3F90]  }
0x1a: {  	s8 =	sadd.s32 $0xFFFFE003, lr  }
0x1b: {  	s9 =	sadd.s32 $0xFFFFFEF7, lr;
	s5 =	simm.s32 $0xFFFFFFFF;
	p2 =	slt.u32 s8, $0xFFFFF086  }
0x1c: {  	p1 =	slt.u32 s9, $0xF7A;
	s5 =	simm.s32 @!p2 $0x0  }
0x1d: {  	s5 =	simm.s32 @p1 $0x1;
	p0 =	seq.s32 s7, s2  }
0x1e: {  	s7 =	smul.u32 @!p0 $0xF7A, s2;
	p2 =	seq.s32 @!p0 s5, $0x0  }
0x1f: {  	s9 =	smul.u32 $0xF7A, s1;
	s8 =	simm.s32 @!p0 $0x1BF5;
	p2 =	por !p2, p0  }
0x20: {  	[sflag:s8] =	ssyncset.s32 @!p0 $0xFFFFF086;
	s6 =	sadd.s32 @!p0 s3, s7;
	s7 =	simm.s32 @!p0 $0x108  }
0x21: {  	s3 =	sadd.s32 s3, s9;
	s6 =	sadd.s32 @!p0 $0x88, s6;
	s7 =	simm.s32 @p2 $0x1082  }
0x22: {  	[simem:s7], [sflag:s8] =	dma.local @!p0 [hbm:s6], $0xF7A  }
0x23: {  	s9 =	sor.u32 $0xD0000000, s2;
	s6 =	simm.s32 $0x108;
	_ =	swait.ge @!p0 [sflag:s8], $0x0  }
0x24: {  	s3 =	sadd.s32 $0x88, s3;
	s6 =	simm.s32 @!p1 $0x1082;
	[sflag:s4] =	ssyncset.s32 $0xFFFFF086  }
0x25: {  	[simem:s6], [sflag:s4] =	dma.local [hbm:s3], $0xF7A  }
0x26: {  	[smem:$0x3F90] =	sst s1;
	(tag) =	ssettag s2;
	_ =	strace s9  }
0x27: {  	s1 =	sld [smem:$0x3FA0]  }
0x28: {  	s2 =	sld [smem:$0x3FA1]  }
0x29: {  	s4 =	sld [smem:$0x3FA3]  }
0x2a: {  	p0 =	seq.s32 s5, $0x0;
	s5 =	sld [smem:$0x3FA4]  }
0x2b: {  	s6 =	sld [smem:$0x3FA5]  }
0x2c: {  	s7 =	sld [smem:$0x3FA6]  }
0x2d: {  	s3 =	simm.s32 $0x108;
	s8 =	sld [smem:$0x3FA7]  }
0x2e: {  	s3 =	simm.s32 @!p0 $0x1082;
	s9 =	sld [smem:$0x3FA8]  }
0x2f: {  	lr =	sadd.s32 s0, s3;
	s0 =	sld [smem:$0x3F9F]  }
0x30: {  	s3 =	sld [smem:$0x3FA2]  }
0x31: {  	[smem:$0x3FAB] =	sst s10  }
0x32: {  	s10 =	sld [smem:$0x3FA9];
	_ =	sdelay $0x3  }
0x33: {  	p0 =	seq.s32 s10, $0x1;
	s10 =	sld [smem:$0x3FAB];
	_ =	sdelay $0x3  }
0x34: {  	[smem:$0x3FAB] =	sst s10  }
0x35: {  	s10 =	sld [smem:$0x3FAA];
	_ =	sdelay $0x3  }
0x36: {  	p1 =	seq.s32 s10, $0x1;
	s10 =	sld [smem:$0x3FAB];
	_ =	sdelay $0x3  }
0x37: {  	[smem:$0x3FAB] =	sst s10  }
0x38: {  	s10 =	sld [smem:$0x3FAC]  }
0x39: {  	_ = 	snop;
	(pc) =	sbr.ind lr, $3  }
0x3a: {  	_ = 	snop  }
0x3b: {  	_ = 	snop  }
0x3c: {  	p2 =	seq.s32 s10, $0x1;
	s10 =	sld [smem:$0x3FAB]  }
0x3d: {  	_ =	shalt  }
0x3e: {  	_ =	shalt  }
0x3f: {  	_ =	shalt  }
0x40: {  	_ =	shalt  }
0x41: {  	_ =	shalt  }
0x42: {  	_ =	shalt  }
0x43: {  	_ =	shalt  }
0x44: {  	_ =	shalt  }
0x45: {  	_ =	shalt  }
0x46: {  	_ =	shalt  }
0x47: {  	_ =	shalt  }
0x48: {  	_ =	shalt  }
0x49: {  	_ =	shalt  }
0x4a: {  	_ =	shalt  }
0x4b: {  	_ =	shalt  }
0x4c: {  	_ =	shalt  }
0x4d: {  	_ =	shalt  }
0x4e: {  	_ =	shalt  }
0x4f: {  	_ =	shalt  }
0x50: {  	_ =	shalt  }
0x51: {  	_ =	shalt  }
0x52: {  	_ =	shalt  }
0x53: {  	_ =	shalt  }
0x54: {  	_ =	shalt  }
0x55: {  	_ =	shalt  }
0x56: {  	_ =	shalt  }
0x57: {  	_ =	shalt  }
0x58: {  	_ =	shalt  }
0x59: {  	_ =	shalt  }
0x5a: {  	_ =	shalt  }
0x5b: {  	_ =	shalt  }
0x5c: {  	_ =	shalt  }
0x5d: {  	_ =	shalt  }
0x5e: {  	_ =	shalt  }
0x5f: {  	_ =	shalt  }
0x60: {  	_ =	shalt  }
0x61: {  	_ =	shalt  }
0x62: {  	_ =	shalt  }
0x63: {  	_ =	shalt  }
0x64: {  	_ =	shalt  }
0x65: {  	_ =	shalt  }
0x66: {  	_ =	shalt  }
0x67: {  	_ =	shalt  }
0x68: {  	_ =	shalt  }
0x69: {  	_ =	shalt  }
0x6a: {  	_ =	shalt  }
0x6b: {  	_ =	shalt  }
0x6c: {  	_ =	shalt  }
0x6d: {  	_ =	shalt  }
0x6e: {  	_ =	shalt  }
0x6f: {  	_ =	shalt  }
0x70: {  	_ =	shalt  }
0x71: {  	_ =	shalt  }
0x72: {  	_ =	shalt  }
0x73: {  	_ =	shalt  }
0x74: {  	_ =	shalt  }
0x75: {  	_ =	shalt  }
0x76: {  	_ =	shalt  }
0x77: {  	_ =	shalt  }
0x78: {  	_ =	shalt  }
0x79: {  	_ =	shalt  }
0x7a: {  	_ =	shalt  }
0x7b: {  	_ =	shalt  }
0x7c: {  	_ =	shalt  }
0x7d: {  	_ =	shalt  }
0x7e: {  	_ =	shalt  }
0x7f: {  	_ =	shalt  }
0x80: {  	_ =	shalt  }
0x81: {  	_ =	shalt  }
0x82: {  	_ =	shalt  }
0x83: {  	_ =	shalt  }
0x84: {  	_ =	shalt  }
0x85: {  	_ =	shalt  }
0x86: {  	_ =	shalt  }
0x87: {  	_ =	shalt  }
.Lfunc_end0:
.L_simem_size_0:
called_computation.2_lowered:
.L_overlay_start_0:
0x88: {  	s2 =	sld [smem:$0x3FD9]  }
0x89: {  	s3 =	sld [smem:$0x3FFE];
	_ =	sdelay $0x1  }
0x8a: {  	s1 =	srdreg.scid  }
0x8b: {  	s0 =	sand.u32 $0x1, s1  }
0x8c: {  	s17 =	sshll.u32 s0, $0xA;
	s2 =	sadd.s32 s3, s2  }
0x8d: {  	s2 =	sadd.s32 s2, s17  }
0x8e: {  	[smem:$0x3FB7] =	sst s2  }
0x8f: {  	_ = 	snop  }
0x90: {  	s2 =	sld [smem:$0x3FD0];
	(tm) =	ssettm $0x1  }
0x91: {  	s18 =	sld [smem:$0x3FFB];
	_ =	sdelay $0x3  }
0x92: {  	_ =	strace s18  }
0x93: {  	s3 =	sld [smem:$0x3FFC];
	_ =	sdelay $0x3  }
0x94: {  	_ =	strace s3  }
0x95: {  	s3 =	sld [smem:$0x3FFD];
	_ =	sdelay $0x3  }
0x96: {  	_ =	strace s3  }
0x97: {  	_ =	strace $0x8FFFFFFF  }
0x98: {  	s19 =	sld [smem:$0x3FDB];
	_ =	sdelay $0x1  }
0x99: {  	s4 =	simm.s32 $_scs_section_size  }
0x9a: {  	s5 =	simm.s32 $_size__tile_overlayer_lowered;
	s6 =	simm.s32 $_tile_overlayer_lowered  }
0x9b: {  	s22 =	simm.s32 $0x1BFF;
	s21 =	sshll.u32 s6, $0x1;
	s3 =	sadd.s32 s4, s19  }
0x9c: {  	s7 =	simm.s32 $0x0;
	s20 =	sshll.u32 s5, $0x1;
	s5 =	sadd.s32 s21, s3  }
0x9d: {  	[timem:s7], [sflag:s22] =	dma.local [hbm:s5], s20  }
0x9e: {  	_ =	swait.ge [sflag:s22], s20  }
0x9f: {  	s4 =	ssub.s32 $0x0, s20;
	[sflag:s22] =	ssyncset.done $0x0  }
0xa0: {  	[sflag:s22] =	ssyncadd.s32 s4;
	_ =	sdelay $0x1  }
0xa1: {  	s23 =	simm.s32 $0x1B8B  }
0xa2: {  	_ =	swait.ge [sflag:s23], $0x1  }
0xa3: {  	[sflag:s23] =	ssyncset.done $0x0  }
0xa4: {  	s25 =	simm.s32 $0x1B8E;
	s24 =	sld [smem:$0x3FFE];
	[sflag:s23] =	ssyncadd.s32 $0xFFFFFFFF  }
0xa5: {  	s26 =	simm.s32 $execute0_lowered;
	[smem:$0x3FD2] =	sst s25  }
0xa6: {  	s5 =	sshll.u32 s26, $0x1;
	_ =	strace $0x80000052;
	[dreg:$0x1] =	wrdreg $0xFFFFFFFF  }
0xa7: {  	s28 =	simm.s32 $_size_execute0_lowered;
	s3 =	sadd.s32 s3, s5;
	[dreg:$0x0] =	wrdreg $0x0  }
0xa8: {  	s5 =	sshll.u32 s28, $0x1;
	[dreg:$0x2] =	wrdreg s3  }
0xa9: {  	[dreg:$0x3] =	wrdreg s5  }
0xaa: {  	[dreg:$0x4] =	wrdreg $0xC0  }
0xab: {  	_ =	task [dreg:s7], $0x5FFFF  }
0xac: {  	[dreg:$0x1] =	wrdreg $0xFFFFFFFF  }
0xad: {  	[dreg:$0x0] =	wrdreg $0x60  }
0xae: {  	[dreg:$0x2] =	wrdreg s24  }
0xaf: {  	[dreg:$0x3] =	wrdreg s2  }
0xb0: {  	[dreg:$0x4] =	wrdreg $0x9  }
0xb1: {  	_ =	task.clear_ibuf [dreg:s7], $0x5FFFF;
	_ =	strace $0x90000052  }
0xb2: {  	s29 =	simm.s32 $0x9;
	_ =	strace $0x80000054  }
0xb3: {  	_ =	swait.ge [sflag:s29], $0x1  }
0xb4: {  	[sflag:s29] =	ssyncadd.s32 $0xFFFFFFFF  }
0xb5: {  	_ =	strace $0x90000054  }
0xb6: {  	_ =	sfence  }
0xb7: {  	s30 =	sld [smem:$0x0];
	_ =	sdelay $0x2  }
0xb8: {  	s31 =	sshll.u32 s1, $0xD;
	s1 =	sshrl.u32 s1, $0x2  }
0xb9: {  	s3 =	sand.u32 $0x4000, s31;
	s1 =	sadd.s32 s1, s30  }
0xba: {  	s0 =	sor.u32 s3, s0;
	s1 =	sshll.u32 s1, $0x11  }
0xbb: {  	s0 =	sor.u32 s1, s0  }
0xbc: {  	s0 =	sadd.s32 $0x8F2B, s0  }
0xbd: {  	[sflag:s0] =	ssyncadd.remote.s32 $0x1  }
0xbe: {  	_ =	sfence.sel $0xFFFF  }
0xbf: {  	[dreg:$0x0] =	wrdreg $0xFFFFFFFF;
	(pc) =	sbr.abs _section_cstart, $3  }
0xc0: {  	[dreg:$0x1] =	wrdreg $0xFFFFFFFF  }
0xc1: {  	_ =	task.clear_ibuf [dreg:s7], $0x2FFFF;
	_ =	strace $0x9FFFFFFF  }
0xc2: {  	(tm) =	ssettm $0x7FFFFFFF  }
0xc3: {  	_ =	shalt  }
tec
execute0_lowered:
.L_overlay_start_1:
0x0: {  	(tag) =	ssettag $0x1  }
0x1: {  	s1 =	srdreg.scid;
	s5 =	rddreg [dreg:$0x0]  }
0x2: {  	s0 =	stileid.u32;
	s2 =	rddreg [dreg:$0x1];
	s6 =	simm.s32 $0x1  }
0x3: {  	s9 =	simm.s32 $0x1;
	s10 =	simm.s32 $0x3;
	s1 =	sshll.u32 s1, $0x8  }
0x4: {  	s13 =	simm.s32 $0x0;
	s3 =	sshll.u32 s0, $0x9;
	s4 =	sand.u32 $0x100, s1  }
0x5: {  	s12 =	simm.s32 $0x0;
	s1 =	rddreg [dreg:$0x2];
	s3 =	sor.u32 s3, s4  }
0x6: {  	_ =	strace $0x80000053;
	s4 =	sadd.s32 $0x4C00, s5;
	s8 =	ssub.s32 $0x4000, s3  }
.Ltmp0:
0x7: {  	s5 =	sadd.s32 $0x46000, s5;
	s7 =	sand.u32 $0x1F00, s8;
	(pc) =	sbr.rel .LBB2_1-.Ltmp0, $4  }
0x8: {  	[sflag:s6] =	ssyncpa.u1 $0x0;
	s11 =	smov.u32 s3;
	p0 =	sne.s32 s7, $0x0  }
0x9: {  	s8 =	sshrl.u32 s8, $0xD;
	s7 =	simm.s32 $0x2;
	s9 =	simm.s32 @!p0 $0x0  }
0xa: {  	[sflag:s7] =	ssyncpa.u1 $0x0;
	p0 =	por $0x0, $0x0;
	s8 =	sadd.s32 s9, s8  }
0xb: {  	vm0 =	vmmov $0xffff;
	[sflag:s10] =	ssyncpa.u1 $0x0;
	s10 =	simm.s32 $0x0;
	s9 =	sadd.s32 $0x1, s8  }
.LBB2_4:
0xc: {  	v2 =	vnsel vm1, $0x0, v2  }
0xd: {  	vm1 =	vgt.s32 v0, $0x0;
	v2 =	vmin.u32 v2, $0x3FFF  }
0xe: {  	v0 =	vnsel vm1, $0x0, v0  }
0xf: {  	v0 =	vmin.u32 v0, $0x3FFF  }
0x10: {  	[tilespmem:s15], [sflag:$0x1] =	stream.indirect_vreg.gather [hbm4b:s4+s10], $0x1, v1, vm0, $0x4038;
	[tilespmem:$0x400] =	vst v63  }
0x11: {  	(ifvalue) =	ssetifvalue $0x7FFFFFFF  }
0x12: {  	[tilespmem:s16], [sflag:$0x1] =	stream.indirect_vreg.gather [hbm4b:s4+s10], $0x1, v2, vm0, $0x4038;
	[tilespmem:$0x400] =	vst v63  }
0x13: {  	s29 =	sadd.s32 $0x10, s16;
	(ifvalue) =	ssetifvalue $0x7FFFFFFF  }
0x14: {  	[tilespmem:s29], [sflag:$0x1] =	stream.indirect_vreg.gather [hbm4b:s4+s10], $0x1, v0, vm0, $0x4038;
	[tilespmem:$0x400] =	vst v63  }
0x15: {  	_ =	swait.ge [sflag:s6], $0x100  }
0x16: {  	s30 =	sshrl.u32 s13, $0x3;
	[sflag:s6] =	ssyncset.done $0x0  }
0x17: {  	s31 =	sand.u32 $0x7, s13;
	s15 =	sadd.s32 s2, s30;
	[sflag:s6] =	ssyncadd.s32 $0xFFFFFF00  }
0x18: {  	[hbm4b:s15+s31] =	stream.linear.scatter [tilespmem:s14], [sflag:$0x3], $0x100, $0x38;
	[tilespmem:$0x400] =	vst v63  }
.LBB2_5:
0x19: {  	s15 =	sadd.s32 $0x2000, s11  }
0x1a: {  	p2 =	sgt.s32 s15, $0x3FFF  }
0x1b: {  	s15 =	smov.u32 @p2 s3;
	p2 =	sne.s32 s12, s9  }
.Ltmp1:
0x1c: {  	p1 =	slt.u32 s12, $0x2;
	(pc) =	sbr.rel @!p2 .LBB2_6-.Ltmp1, $4  }
0x1d: {  	s14 =	simm.s32 @!p1 $0x3  }
0x1e: {  	s16 =	sadd.s32 $0x1, s12;
	_ =	swait.ge @!p1 [sflag:s14], $0x100  }
0x1f: {  	s13 =	smov.u32 s11;
	p0 =	por !p0, !p0;
	[sflag:s14] =	ssyncset.done @!p1 $0x0  }
0x20: {  	s12 =	smov.u32 s16;
	s11 =	smov.u32 s15;
	[sflag:s14] =	ssyncadd.s32 @!p1 $0xFFFFFF00  }
.LBB2_1:
0x21: {  	p1 =	sge.u32 s12, s8  }
0x22: {  	s14 =	sxor.u32 @!p1 $0xFFFFFFFF, s12  }
0x23: {  	s31 =	sadd.s32 $0xFFFFFFFF, s12;
	s15 =	sshrl.u32 @!p1 s11, $0x3;
	s14 =	sshll.u32 @!p1 s14, $0x8  }
0x24: {  	s16 =	sand.u32 @!p1 $0x7, s11;
	s15 =	sadd.s32 @!p1 s5, s15;
	s14 =	sand.u32 @!p1 $0x100, s14  }
0x25: {  	[tilespmem:s14], [sflag:$0x2] =	stream.linear.gather @!p1 [hbm4b:s15+s16], $0x100, $0x38;
	[tilespmem:$0x400] =	vst v63  }
0x26: {  	p1 =	sge.u32 s31, s8  }
.Ltmp2:
0x27: {  	_ = 	snop;
	(pc) =	sbr.rel @p1 .LBB2_5-.Ltmp2, $1  }
0x28: {  	_ =	sdelay $0x3  }
0x29: {  	s14 =	simm.s32 $0x1  }
0x2a: {  	_ =	swait.ge [sflag:s7], $0x100;
	s14 =	simm.s32 @!p0 $0x0  }
0x2b: {  	[sflag:s7] =	ssyncset.done $0x0;
	s14 =	sshll.u32 s14, $0x8  }
0x2c: {  	[sflag:s7] =	ssyncadd.s32 $0xFFFFFF00;
	(ifvalue) =	ssetifvalue $0x7FFFFFFF;
	v0 =	vld.msk [tilespmem:s14+$0x0 ss:$0x1], $0xffff;
	_ =	sdelay $0x4  }
0x2d: {  	s15 =	sadd.s32 $0x10, s14;
	vm1 =	vgt.s32 v0, $0x0  }
0x2e: {  	v2 =	vld.msk [tilespmem:s15+$0x0 ss:$0x1], $0xffff;
	v1 =	vnsel vm1, $0x0, v0  }
0x2f: {  	v1 =	vmin.u32 v1, $0x3FFF;
	_ =	sdelay $0x1  }
0x30: {  	s16 =	sshll.u32 s12, $0x8;
	s18 =	simm.s32 $0x20  }
0x31: {  	s16 =	sand.u32 $0x100, s16;
	s17 =	sadd.s32 $0x10, s15;
	s15 =	sor.u32 $0x200, s14  }
0x32: {  	s14 =	sor.u32 $0x200, s16;
	s16 =	sadd.s32 $0x10, s15;
	v0 =	vld.msk [tilespmem:s17+$0x0 ss:$0x1], $0xffff;
	vm1 =	vgt.s32 v2, $0x0;
	(ifvalue) =	ssetifvalue $0x7FFFFFFF  }
.LBB2_3:
0x33: {  	[tilespmem:s15], [sflag:$0x1] =	stream.indirect_vreg.gather [hbm4b:s4+s10], $0x1, v1, vm0, $0x4038;
	[tilespmem:$0x400] =	vst v63  }
0x34: {  	s18 =	sadd.s32 $0x10, s18  }
0x35: {  	v2 =	vnsel vm1, $0x0, v2;
	p1 =	slt.u32 s18, $0xF0  }
.Ltmp3:
0x36: {  	s15 =	smov.u32 s16;
	v1 =	vmin.u32 v2, $0x3FFF;
	(pc) =	sbr.rel @p1 .LBB2_3-.Ltmp3, $3  }
0x37: {  	_ =	sdelay $0x1  }
0x38: {  	s17 =	sadd.s32 $0x10, s17  }
0x39: {  	vm1 =	vgt.s32 v0, $0x0;
	s16 =	sadd.s32 $0x10, s16;
	v2 =	vmov v0;
	(ifvalue) =	ssetifvalue $0x7FFFFFFF;
	v0 =	vld.msk [tilespmem:s17+$0x0 ss:$0x1], $0xffff  }
.Ltmp4:
0x3a: {  	_ = 	snop;
	(pc) =	sbr.rel .LBB2_4-.Ltmp4, $1  }
0x3b: {  	_ =	sdelay $0x3  }
.LBB2_6:
0x3c: {  	_ =	sfence.sel $0x180000  }
0x3d: {  	s2 =	simm.s32 $0x2;
	[bflag:$0x0] =	sbarrier.arrive $0xFFFF  }
0x3e: {  	s30 =	simm.s32 $0x3;
	[sflag:s2] =	ssyncpa.u1 $0x1  }
0x3f: {  	s31 =	simm.s32 $0x1;
	[sflag:s30] =	ssyncpa.u1 $0x1  }
0x40: {  	[sflag:s31] =	ssyncpa.u1 $0x1  }
0x41: {  	p0 =	sne.s32 s0, $0x0;
	_ =	strace $0x90000053  }
0x42: {  	s0 =	sadd.s32 @!p0 $0x100000, s1;
	[bflag:$0x2] =	sbarrier.arrive $0xFFFF  }
0x43: {  	[sflag:s0] =	ssyncadd.tile.s32 @!p0 $0x1;
	_ =	shalt  }
.Lfunc_end2:
_tile_overlayer_lowered:
.L_overlay_start_2:
0x44: {  	(tag) =	ssettag $0x2  }
0x45: {  	s0 =	rddreg [dreg:$0x0];
	s2 =	stileid.u32  }
0x46: {  	s1 =	rddreg [dreg:$0x1];
	p0 =	sne.s32 s2, $0x0  }
0x47: {  	s3 =	rddreg [dreg:$0x2];
	[bflag:$0x3] =	sbarrier.arrive $0xFFFF;
	s2 =	simm.s32 @!p0 $0x1C01  }
0x48: {  	[timem:s3], [sflag:s2] =	dma.local @!p0 [hbm:s0], s1  }
0x49: {  	s0 =	simm.s32 @!p0 $0x1  }
0x4a: {  	_ =	swait.ge @!p0 [sflag:s0], s1  }
0x4b: {  	s1 =	ssub.s32 @!p0 $0x0, s1;
	[sflag:s0] =	ssyncset.done @!p0 $0x0  }
0x4c: {  	[sflag:s0] =	ssyncadd.s32 @!p0 s1  }
0x4d: {  	[bflag:$0x3] =	sbarrier.arrive $0xFFFF  }
0x4e: {  	_ =	shalt  }

// kernel: gather_offload_async_start
scs
__scs_entry_jumppad:
0x0: {  	(pc) =	sbr.rel $0x88, $3  }
0x1: {  	(tag) =	ssettag $0x0;
	lr =	simm.s32 $0x1  }
0x2: {  	[smem:$0x3F90] =	sst lr;
	_ =	strace $0xD0000000  }
0x3: {  	_ = 	snop  }
0x4: {  	_ = 	snop  }
0x5: {  	_ = 	snop  }
0x6: {  	_ = 	snop  }
0x7: {  	_ = 	snop  }
__scs_overlays_trampoline_lowered:
0x8: {  	[smem:$0x3F9F] =	sst s0  }
0x9: {  	[smem:$0x3FA0] =	sst s1  }
0xa: {  	[smem:$0x3FA1] =	sst s2  }
0xb: {  	[smem:$0x3FA2] =	sst s3  }
0xc: {  	[smem:$0x3FA3] =	sst s4  }
0xd: {  	[smem:$0x3FA4] =	sst s5  }
0xe: {  	[smem:$0x3FA5] =	sst s6  }
0xf: {  	[smem:$0x3FA6] =	sst s7  }
0x10: {  	[smem:$0x3FA7] =	sst s8  }
0x11: {  	[smem:$0x3FA8] =	sst s9;
	s0 =	simm.s32 @!p0 $0x0  }
0x12: {  	s1 =	sld [smem:$0x3F8E];
	s0 =	simm.s32 @p0 $0x1  }
0x13: {  	[smem:$0x3FA9] =	sst s0;
	s0 =	simm.s32 @!p1 $0x0  }
0x14: {  	s2 =	sld [smem:$0x3F8D];
	s0 =	simm.s32 @p1 $0x1  }
0x15: {  	[smem:$0x3FAA] =	sst s0;
	s0 =	simm.s32 @!p2 $0x0  }
0x16: {  	s3 =	sld [smem:$0x3FDB];
	s0 =	simm.s32 @p2 $0x1  }
0x17: {  	s4 =	simm.s32 $0x1BF5;
	[smem:$0x3FAC] =	sst s0  }
0x18: {  	s0 =	sld [smem:$0x3F8F];
	_ =	swait.ge [sflag:s4], $0x0  }
0x19: {  	s7 =	sld [smem:$0x3F90]  }
0x1a: {  	s8 =	sadd.s32 $0xFFFFE003, lr  }
0x1b: {  	s9 =	sadd.s32 $0xFFFFFEF7, lr;
	s5 =	simm.s32 $0xFFFFFFFF;
	p2 =	slt.u32 s8, $0xFFFFF086  }
0x1c: {  	p1 =	slt.u32 s9, $0xF7A;
	s5 =	simm.s32 @!p2 $0x0  }
0x1d: {  	s5 =	simm.s32 @p1 $0x1;
	p0 =	seq.s32 s7, s2  }
0x1e: {  	s7 =	smul.u32 @!p0 $0xF7A, s2;
	p2 =	seq.s32 @!p0 s5, $0x0  }
0x1f: {  	s9 =	smul.u32 $0xF7A, s1;
	s8 =	simm.s32 @!p0 $0x1BF5;
	p2 =	por !p2, p0  }
0x20: {  	[sflag:s8] =	ssyncset.s32 @!p0 $0xFFFFF086;
	s6 =	sadd.s32 @!p0 s3, s7;
	s7 =	simm.s32 @!p0 $0x108  }
0x21: {  	s3 =	sadd.s32 s3, s9;
	s6 =	sadd.s32 @!p0 $0x88, s6;
	s7 =	simm.s32 @p2 $0x1082  }
0x22: {  	[simem:s7], [sflag:s8] =	dma.local @!p0 [hbm:s6], $0xF7A  }
0x23: {  	s9 =	sor.u32 $0xD0000000, s2;
	s6 =	simm.s32 $0x108;
	_ =	swait.ge @!p0 [sflag:s8], $0x0  }
0x24: {  	s3 =	sadd.s32 $0x88, s3;
	s6 =	simm.s32 @!p1 $0x1082;
	[sflag:s4] =	ssyncset.s32 $0xFFFFF086  }
0x25: {  	[simem:s6], [sflag:s4] =	dma.local [hbm:s3], $0xF7A  }
0x26: {  	[smem:$0x3F90] =	sst s1;
	(tag) =	ssettag s2;
	_ =	strace s9  }
0x27: {  	s1 =	sld [smem:$0x3FA0]  }
0x28: {  	s2 =	sld [smem:$0x3FA1]  }
0x29: {  	s4 =	sld [smem:$0x3FA3]  }
0x2a: {  	p0 =	seq.s32 s5, $0x0;
	s5 =	sld [smem:$0x3FA4]  }
0x2b: {  	s6 =	sld [smem:$0x3FA5]  }
0x2c: {  	s7 =	sld [smem:$0x3FA6]  }
0x2d: {  	s3 =	simm.s32 $0x108;
	s8 =	sld [smem:$0x3FA7]  }
0x2e: {  	s3 =	simm.s32 @!p0 $0x1082;
	s9 =	sld [smem:$0x3FA8]  }
0x2f: {  	lr =	sadd.s32 s0, s3;
	s0 =	sld [smem:$0x3F9F]  }
0x30: {  	s3 =	sld [smem:$0x3FA2]  }
0x31: {  	[smem:$0x3FAB] =	sst s10  }
0x32: {  	s10 =	sld [smem:$0x3FA9];
	_ =	sdelay $0x3  }
0x33: {  	p0 =	seq.s32 s10, $0x1;
	s10 =	sld [smem:$0x3FAB];
	_ =	sdelay $0x3  }
0x34: {  	[smem:$0x3FAB] =	sst s10  }
0x35: {  	s10 =	sld [smem:$0x3FAA];
	_ =	sdelay $0x3  }
0x36: {  	p1 =	seq.s32 s10, $0x1;
	s10 =	sld [smem:$0x3FAB];
	_ =	sdelay $0x3  }
0x37: {  	[smem:$0x3FAB] =	sst s10  }
0x38: {  	s10 =	sld [smem:$0x3FAC]  }
0x39: {  	_ = 	snop;
	(pc) =	sbr.ind lr, $3  }
0x3a: {  	_ = 	snop  }
0x3b: {  	_ = 	snop  }
0x3c: {  	p2 =	seq.s32 s10, $0x1;
	s10 =	sld [smem:$0x3FAB]  }
0x3d: {  	_ =	shalt  }
0x3e: {  	_ =	shalt  }
0x3f: {  	_ =	shalt  }
0x40: {  	_ =	shalt  }
0x41: {  	_ =	shalt  }
0x42: {  	_ =	shalt  }
0x43: {  	_ =	shalt  }
0x44: {  	_ =	shalt  }
0x45: {  	_ =	shalt  }
0x46: {  	_ =	shalt  }
0x47: {  	_ =	shalt  }
0x48: {  	_ =	shalt  }
0x49: {  	_ =	shalt  }
0x4a: {  	_ =	shalt  }
0x4b: {  	_ =	shalt  }
0x4c: {  	_ =	shalt  }
0x4d: {  	_ =	shalt  }
0x4e: {  	_ =	shalt  }
0x4f: {  	_ =	shalt  }
0x50: {  	_ =	shalt  }
0x51: {  	_ =	shalt  }
0x52: {  	_ =	shalt  }
0x53: {  	_ =	shalt  }
0x54: {  	_ =	shalt  }
0x55: {  	_ =	shalt  }
0x56: {  	_ =	shalt  }
0x57: {  	_ =	shalt  }
0x58: {  	_ =	shalt  }
0x59: {  	_ =	shalt  }
0x5a: {  	_ =	shalt  }
0x5b: {  	_ =	shalt  }
0x5c: {  	_ =	shalt  }
0x5d: {  	_ =	shalt  }
0x5e: {  	_ =	shalt  }
0x5f: {  	_ =	shalt  }
0x60: {  	_ =	shalt  }
0x61: {  	_ =	shalt  }
0x62: {  	_ =	shalt  }
0x63: {  	_ =	shalt  }
0x64: {  	_ =	shalt  }
0x65: {  	_ =	shalt  }
0x66: {  	_ =	shalt  }
0x67: {  	_ =	shalt  }
0x68: {  	_ =	shalt  }
0x69: {  	_ =	shalt  }
0x6a: {  	_ =	shalt  }
0x6b: {  	_ =	shalt  }
0x6c: {  	_ =	shalt  }
0x6d: {  	_ =	shalt  }
0x6e: {  	_ =	shalt  }
0x6f: {  	_ =	shalt  }
0x70: {  	_ =	shalt  }
0x71: {  	_ =	shalt  }
0x72: {  	_ =	shalt  }
0x73: {  	_ =	shalt  }
0x74: {  	_ =	shalt  }
0x75: {  	_ =	shalt  }
0x76: {  	_ =	shalt  }
0x77: {  	_ =	shalt  }
0x78: {  	_ =	shalt  }
0x79: {  	_ =	shalt  }
0x7a: {  	_ =	shalt  }
0x7b: {  	_ =	shalt  }
0x7c: {  	_ =	shalt  }
0x7d: {  	_ =	shalt  }
0x7e: {  	_ =	shalt  }
0x7f: {  	_ =	shalt  }
0x80: {  	_ =	shalt  }
0x81: {  	_ =	shalt  }
0x82: {  	_ =	shalt  }
0x83: {  	_ =	shalt  }
0x84: {  	_ =	shalt  }
0x85: {  	_ =	shalt  }
0x86: {  	_ =	shalt  }
0x87: {  	_ =	shalt  }
.Lfunc_end0:
.L_simem_size_0:
called_computation.1_lowered:
.L_overlay_start_0:
0x88: {  	s2 =	sld [smem:$0x3FD9]  }
0x89: {  	s3 =	sld [smem:$0x3FFE];
	_ =	sdelay $0x1  }
0x8a: {  	s1 =	srdreg.scid  }
0x8b: {  	s0 =	sand.u32 $0x1, s1  }
0x8c: {  	s16 =	sshll.u32 s0, $0xA;
	s2 =	sadd.s32 s3, s2  }
0x8d: {  	s2 =	sadd.s32 s2, s16  }
0x8e: {  	[smem:$0x3FB7] =	sst s2  }
0x8f: {  	_ = 	snop  }
0x90: {  	(tm) =	ssettm $0x1  }
0x91: {  	s17 =	sld [smem:$0x3FFB];
	_ =	sdelay $0x3  }
0x92: {  	_ =	strace s17  }
0x93: {  	s2 =	sld [smem:$0x3FFC];
	_ =	sdelay $0x3  }
0x94: {  	_ =	strace s2  }
0x95: {  	s2 =	sld [smem:$0x3FFD];
	_ =	sdelay $0x3  }
0x96: {  	_ =	strace s2  }
0x97: {  	_ =	strace $0x8FFFFFFF  }
0x98: {  	s18 =	sld [smem:$0x3FDB];
	_ =	sdelay $0x1  }
0x99: {  	s19 =	simm.s32 $_scs_section_size  }
0x9a: {  	s4 =	simm.s32 $_size__tile_overlayer_lowered;
	s5 =	simm.s32 $_tile_overlayer_lowered  }
0x9b: {  	s22 =	simm.s32 $0x1BFF;
	s21 =	sshll.u32 s5, $0x1;
	s2 =	sadd.s32 s19, s18  }
0x9c: {  	s6 =	simm.s32 $0x0;
	s20 =	sshll.u32 s4, $0x1;
	s4 =	sadd.s32 s21, s2  }
0x9d: {  	[timem:s6], [sflag:s22] =	dma.local [hbm:s4], s20  }
0x9e: {  	_ =	swait.ge [sflag:s22], s20  }
0x9f: {  	s3 =	ssub.s32 $0x0, s20;
	[sflag:s22] =	ssyncset.done $0x0  }
0xa0: {  	[sflag:s22] =	ssyncadd.s32 s3;
	_ =	sdelay $0x1  }
0xa1: {  	s23 =	simm.s32 $0x1B8B  }
0xa2: {  	_ =	swait.ge [sflag:s23], $0x1  }
0xa3: {  	[sflag:s23] =	ssyncset.done $0x0  }
0xa4: {  	s25 =	simm.s32 $0x1B8E;
	s24 =	sld [smem:$0x3FFE];
	[sflag:s23] =	ssyncadd.s32 $0xFFFFFFFF  }
0xa5: {  	s26 =	simm.s32 $execute0_lowered;
	[smem:$0x3FD2] =	sst s25  }
0xa6: {  	s4 =	sshll.u32 s26, $0x1;
	_ =	strace $0x80000049;
	[dreg:$0x1] =	wrdreg $0xFFFFFFFF  }
0xa7: {  	s28 =	simm.s32 $_size_execute0_lowered;
	s2 =	sadd.s32 s2, s4;
	[dreg:$0x0] =	wrdreg $0x0  }
0xa8: {  	s4 =	sshll.u32 s28, $0x1;
	[dreg:$0x2] =	wrdreg s2  }
0xa9: {  	[dreg:$0x3] =	wrdreg s4  }
0xaa: {  	[dreg:$0x4] =	wrdreg $0xC0  }
0xab: {  	_ =	task [dreg:s6], $0x5FFFF  }
0xac: {  	[dreg:$0x1] =	wrdreg $0xFFFFFFFF  }
0xad: {  	[dreg:$0x0] =	wrdreg $0x60  }
0xae: {  	[dreg:$0x2] =	wrdreg s24  }
0xaf: {  	[dreg:$0x3] =	wrdreg $0x9  }
0xb0: {  	_ =	task.clear_ibuf [dreg:s6], $0x4FFFF;
	_ =	strace $0x90000049  }
0xb1: {  	s29 =	simm.s32 $0x9;
	_ =	strace $0x8000004B  }
0xb2: {  	_ =	swait.ge [sflag:s29], $0x1  }
0xb3: {  	[sflag:s29] =	ssyncadd.s32 $0xFFFFFFFF  }
0xb4: {  	_ =	strace $0x9000004B  }
0xb5: {  	_ =	sfence  }
0xb6: {  	s30 =	sld [smem:$0x0];
	_ =	sdelay $0x2  }
0xb7: {  	s31 =	sshll.u32 s1, $0xD;
	s1 =	sshrl.u32 s1, $0x2  }
0xb8: {  	s3 =	sand.u32 $0x4000, s31;
	s1 =	sadd.s32 s1, s30  }
0xb9: {  	s0 =	sor.u32 s3, s0;
	s1 =	sshll.u32 s1, $0x11  }
0xba: {  	s0 =	sor.u32 s1, s0  }
0xbb: {  	s0 =	sadd.s32 $0x8F2B, s0  }
0xbc: {  	[sflag:s0] =	ssyncadd.remote.s32 $0x1  }
0xbd: {  	_ =	sfence.sel $0xFFFF  }
0xbe: {  	[dreg:$0x0] =	wrdreg $0xFFFFFFFF;
	(pc) =	sbr.abs _section_cstart, $3  }
0xbf: {  	[dreg:$0x1] =	wrdreg $0xFFFFFFFF  }
0xc0: {  	_ =	task.clear_ibuf [dreg:s6], $0x2FFFF;
	_ =	strace $0x9FFFFFFF  }
0xc1: {  	(tm) =	ssettm $0x7FFFFFFF  }
tec
execute0_lowered:
.L_overlay_start_1:
0x0: {  	(tag) =	ssettag $0x1  }
0x1: {  	s8 =	rddreg [dreg:$0x0]  }
0x2: {  	s0 =	rddreg [dreg:$0x1];
	_ =	strace $0x8000004A;
	s1 =	stileid.u32  }
0x3: {  	s3 =	srdreg.scid;
	s4 =	simm.s32 $0x1;
	s7 =	simm.s32 $0x1  }
0x4: {  	s9 =	simm.s32 $0x1;
	s10 =	simm.s32 $0x3;
	s13 =	simm.s32 $0x0  }
0x5: {  	s12 =	simm.s32 $0x0;
	s5 =	sand.u32 $0x1, s3;
	s6 =	sshll.u32 s1, $0x1  }
0x6: {  	s2 =	sadd.s32 $0x4E00, s8;
	s3 =	sadd.s32 $0x46000, s8;
	s5 =	sor.u32 s6, s5  }
.Ltmp0:
0x7: {  	[sflag:s4] =	ssyncpa.u1 $0x0;
	p0 =	slt.u32 s5, $0x11;
	(pc) =	sbr.rel .LBB2_1-.Ltmp0, $4  }
0x8: {  	s6 =	simm.s32 $0x2;
	s7 =	simm.s32 @!p0 $0x0;
	p0 =	sne.s32 s5, $0x10  }
0x9: {  	[sflag:s6] =	ssyncpa.u1 $0x0;
	s5 =	smul.u32 $0x1A0, s5;
	s9 =	simm.s32 @!p0 $0x0  }
0xa: {  	s8 =	sadd.s32 $0x47E00, s8;
	[sflag:s10] =	ssyncpa.u1 $0x0;
	s7 =	sadd.s32 s9, s7  }
0xb: {  	vm0 =	vmmov $0xffff;
	s10 =	simm.s32 $0x0;
	s11 =	smov.u32 s5;
	s9 =	sadd.s32 $0x1, s7  }
.LBB2_4:
0xc: {  	v2 =	vnsel vm1, $0x0, v2  }
0xd: {  	vm1 =	vgt.s32 v0, $0x0;
	v2 =	vmin.u32 v2, $0x3FFF  }
0xe: {  	v0 =	vnsel vm1, $0x0, v0  }
0xf: {  	v0 =	vmin.u32 v0, $0x3FFF  }
0x10: {  	[tilespmem:s18], [sflag:$0x1] =	stream.indirect_vreg.gather [hbm4b:s2+s10], $0x1, v1, vm0, $0x4038;
	[tilespmem:$0x680] =	vst v63  }
0x11: {  	(ifvalue) =	ssetifvalue $0x7FFFFFFF  }
0x12: {  	[tilespmem:s15], [sflag:$0x1] =	stream.indirect_vreg.gather [hbm4b:s2+s10], $0x1, v2, vm0, $0x4038;
	[tilespmem:$0x680] =	vst v63  }
0x13: {  	s29 =	sadd.s32 $0x10, s15;
	(ifvalue) =	ssetifvalue $0x7FFFFFFF  }
0x14: {  	[tilespmem:s29], [sflag:$0x1] =	stream.indirect_vreg.gather [hbm4b:s2+s10], $0x1, v0, vm0, $0x4038;
	[tilespmem:$0x680] =	vst v63  }
0x15: {  	_ =	swait.ge [sflag:s4], $0x1A0  }
0x16: {  	s30 =	sshrl.u32 s13, $0x3;
	[sflag:s4] =	ssyncset.done $0x0  }
0x17: {  	s31 =	sand.u32 $0x7, s13;
	s15 =	sadd.s32 s8, s30;
	[sflag:s4] =	ssyncadd.s32 $0xFFFFFE60  }
0x18: {  	[hbm4b:s15+s31] =	stream.linear.scatter [tilespmem:s14], [sflag:$0x3], $0x1A0, $0x38;
	[tilespmem:$0x680] =	vst v63  }
.LBB2_5:
0x19: {  	s15 =	sadd.s32 $0x3400, s11  }
0x1a: {  	p1 =	sgt.s32 s15, $0x4DFF  }
0x1b: {  	s15 =	smov.u32 @p1 s5;
	p1 =	sne.s32 s12, s9  }
.Ltmp1:
0x1c: {  	p0 =	slt.u32 s12, $0x2;
	(pc) =	sbr.rel @!p1 .LBB2_6-.Ltmp1, $4  }
0x1d: {  	s14 =	simm.s32 @!p0 $0x3  }
0x1e: {  	_ =	swait.ge @!p0 [sflag:s14], $0x1A0  }
0x1f: {  	s16 =	sadd.s32 $0x1, s12;
	s13 =	smov.u32 s11;
	[sflag:s14] =	ssyncset.done @!p0 $0x0  }
0x20: {  	s12 =	smov.u32 s16;
	s11 =	smov.u32 s15;
	[sflag:s14] =	ssyncadd.s32 @!p0 $0xFFFFFE60  }
.LBB2_1:
0x21: {  	p0 =	sge.u32 s12, s7  }
0x22: {  	s14 =	sxor.u32 @!p0 $0x1, s12  }
0x23: {  	s14 =	smul.u32 @!p0 $0x680, s14  }
0x24: {  	s31 =	sadd.s32 $0xFFFFFFFF, s12;
	s15 =	sshrl.u32 @!p0 s11, $0x3  }
0x25: {  	s16 =	sand.u32 @!p0 $0x7, s11;
	s15 =	sadd.s32 @!p0 s3, s15;
	s14 =	sshra.s32 @!p0 s14, $0x2  }
0x26: {  	[tilespmem:s14], [sflag:$0x2] =	stream.linear.gather @!p0 [hbm4b:s15+s16], $0x1A0, $0x38;
	[tilespmem:$0x680] =	vst v63  }
0x27: {  	p0 =	sge.u32 s31, s7  }
.Ltmp2:
0x28: {  	_ = 	snop;
	(pc) =	sbr.rel @p0 .LBB2_5-.Ltmp2, $1  }
0x29: {  	_ =	sdelay $0x3  }
0x2a: {  	s14 =	sand.u32 $0x1, s12  }
0x2b: {  	_ =	swait.ge [sflag:s6], $0x1A0;
	p0 =	seq.s32 s14, $0x1;
	s14 =	simm.s32 $0x1A0  }
0x2c: {  	[sflag:s6] =	ssyncset.done $0x0;
	s14 =	simm.s32 @!p0 $0x0  }
0x2d: {  	[sflag:s6] =	ssyncadd.s32 $0xFFFFFE60;
	(ifvalue) =	ssetifvalue $0x7FFFFFFF;
	v0 =	vld.msk [tilespmem:s14+$0x0 ss:$0x1], $0xffff;
	_ =	sdelay $0x4  }
0x2e: {  	s15 =	sadd.s32 $0x10, s14;
	vm1 =	vgt.s32 v0, $0x0  }
0x2f: {  	v2 =	vld.msk [tilespmem:s15+$0x0 ss:$0x1], $0xffff;
	v1 =	vnsel vm1, $0x0, v0  }
0x30: {  	v1 =	vmin.u32 v1, $0x3FFF;
	_ =	sdelay $0x2  }
0x31: {  	s17 =	simm.s32 $0x20;
	s14 =	sadd.s32 $0x340, s14;
	s16 =	sadd.s32 $0x10, s15  }
0x32: {  	s15 =	sadd.s32 $0x10, s14;
	s18 =	smov.u32 s14;
	v0 =	vld.msk [tilespmem:s16+$0x0 ss:$0x1], $0xffff;
	vm1 =	vgt.s32 v2, $0x0;
	(ifvalue) =	ssetifvalue $0x7FFFFFFF  }
.LBB2_3:
0x33: {  	[tilespmem:s18], [sflag:$0x1] =	stream.indirect_vreg.gather [hbm4b:s2+s10], $0x1, v1, vm0, $0x4038;
	[tilespmem:$0x680] =	vst v63  }
0x34: {  	s17 =	sadd.s32 $0x10, s17  }
0x35: {  	v2 =	vnsel vm1, $0x0, v2;
	p0 =	slt.u32 s17, $0x190  }
.Ltmp3:
0x36: {  	s18 =	smov.u32 s15;
	v1 =	vmin.u32 v2, $0x3FFF;
	(pc) =	sbr.rel @p0 .LBB2_3-.Ltmp3, $3  }
0x37: {  	_ =	sdelay $0x1  }
0x38: {  	s16 =	sadd.s32 $0x10, s16  }
0x39: {  	vm1 =	vgt.s32 v0, $0x0;
	s15 =	sadd.s32 $0x10, s15;
	v2 =	vmov v0;
	(ifvalue) =	ssetifvalue $0x7FFFFFFF;
	v0 =	vld.msk [tilespmem:s16+$0x0 ss:$0x1], $0xffff  }
.Ltmp4:
0x3a: {  	_ = 	snop;
	(pc) =	sbr.rel .LBB2_4-.Ltmp4, $1  }
0x3b: {  	_ =	sdelay $0x3  }
.LBB2_6:
0x3c: {  	_ =	sfence.sel $0x180000  }
0x3d: {  	s2 =	simm.s32 $0x2;
	[bflag:$0x0] =	sbarrier.arrive $0xFFFF  }
0x3e: {  	s30 =	simm.s32 $0x3;
	[sflag:s2] =	ssyncpa.u1 $0x1  }
0x3f: {  	s31 =	simm.s32 $0x1;
	[sflag:s30] =	ssyncpa.u1 $0x1  }
0x40: {  	[sflag:s31] =	ssyncpa.u1 $0x1  }
0x41: {  	p0 =	sne.s32 s1, $0x0;
	_ =	strace $0x9000004A  }
0x42: {  	s0 =	sadd.s32 @!p0 $0x100000, s0;
	[bflag:$0x2] =	sbarrier.arrive $0xFFFF  }
0x43: {  	[sflag:s0] =	ssyncadd.tile.s32 @!p0 $0x1;
	_ =	shalt  }
.Lfunc_end2:
_tile_overlayer_lowered:
.L_overlay_start_2:
0x44: {  	(tag) =	ssettag $0x2  }
0x45: {  	s0 =	rddreg [dreg:$0x0];
	s2 =	stileid.u32  }
0x46: {  	s1 =	rddreg [dreg:$0x1];
	p0 =	sne.s32 s2, $0x0  }
0x47: {  	s3 =	rddreg [dreg:$0x2];
	[bflag:$0x3] =	sbarrier.arrive $0xFFFF;
	s2 =	simm.s32 @!p0 $0x1C01  }
0x48: {  	[timem:s3], [sflag:s2] =	dma.local @!p0 [hbm:s0], s1  }
0x49: {  	s0 =	simm.s32 @!p0 $0x1  }
0x4a: {  	_ =	swait.ge @!p0 [sflag:s0], s1  }
0x4b: {  	s1 =	ssub.s32 @!p0 $0x0, s1;
	[sflag:s0] =	ssyncset.done @!p0 $0x0  }
0x4c: {  	[sflag:s0] =	ssyncadd.s32 @!p0 s1  }
0x4d: {  	[bflag:$0x3] =	sbarrier.arrive $0xFFFF  }
0x4e: {  	_ =	shalt  }

// kernel: kernel.11.cloned.1.call-start
scs
__scs_entry_jumppad:
0x0: {  	(pc) =	sbr.rel $0x88, $3  }
0x1: {  	(tag) =	ssettag $0x0;
	lr =	simm.s32 $0x1  }
0x2: {  	[smem:$0x3F90] =	sst lr;
	_ =	strace $0xD0000000  }
0x3: {  	_ = 	snop  }
0x4: {  	_ = 	snop  }
0x5: {  	_ = 	snop  }
0x6: {  	_ = 	snop  }
0x7: {  	_ = 	snop  }
__scs_overlays_trampoline_lowered:
0x8: {  	[smem:$0x3F9F] =	sst s0  }
0x9: {  	[smem:$0x3FA0] =	sst s1  }
0xa: {  	[smem:$0x3FA1] =	sst s2  }
0xb: {  	[smem:$0x3FA2] =	sst s3  }
0xc: {  	[smem:$0x3FA3] =	sst s4  }
0xd: {  	[smem:$0x3FA4] =	sst s5  }
0xe: {  	[smem:$0x3FA5] =	sst s6  }
0xf: {  	[smem:$0x3FA6] =	sst s7  }
0x10: {  	[smem:$0x3FA7] =	sst s8  }
0x11: {  	[smem:$0x3FA8] =	sst s9;
	s0 =	simm.s32 @!p0 $0x0  }
0x12: {  	s1 =	sld [smem:$0x3F8E];
	s0 =	simm.s32 @p0 $0x1  }
0x13: {  	[smem:$0x3FA9] =	sst s0;
	s0 =	simm.s32 @!p1 $0x0  }
0x14: {  	s2 =	sld [smem:$0x3F8D];
	s0 =	simm.s32 @p1 $0x1  }
0x15: {  	[smem:$0x3FAA] =	sst s0;
	s0 =	simm.s32 @!p2 $0x0  }
0x16: {  	s3 =	sld [smem:$0x3FDB];
	s0 =	simm.s32 @p2 $0x1  }
0x17: {  	s4 =	simm.s32 $0x1BF5;
	[smem:$0x3FAC] =	sst s0  }
0x18: {  	s0 =	sld [smem:$0x3F8F];
	_ =	swait.ge [sflag:s4], $0x0  }
0x19: {  	s7 =	sld [smem:$0x3F90]  }
0x1a: {  	s8 =	sadd.s32 $0xFFFFE003, lr  }
0x1b: {  	s9 =	sadd.s32 $0xFFFFFEF7, lr;
	s5 =	simm.s32 $0xFFFFFFFF;
	p2 =	slt.u32 s8, $0xFFFFF086  }
0x1c: {  	p1 =	slt.u32 s9, $0xF7A;
	s5 =	simm.s32 @!p2 $0x0  }
0x1d: {  	s5 =	simm.s32 @p1 $0x1;
	p0 =	seq.s32 s7, s2  }
0x1e: {  	s7 =	smul.u32 @!p0 $0xF7A, s2;
	p2 =	seq.s32 @!p0 s5, $0x0  }
0x1f: {  	s9 =	smul.u32 $0xF7A, s1;
	s8 =	simm.s32 @!p0 $0x1BF5;
	p2 =	por !p2, p0  }
0x20: {  	[sflag:s8] =	ssyncset.s32 @!p0 $0xFFFFF086;
	s6 =	sadd.s32 @!p0 s3, s7;
	s7 =	simm.s32 @!p0 $0x108  }
0x21: {  	s3 =	sadd.s32 s3, s9;
	s6 =	sadd.s32 @!p0 $0x88, s6;
	s7 =	simm.s32 @p2 $0x1082  }
0x22: {  	[simem:s7], [sflag:s8] =	dma.local @!p0 [hbm:s6], $0xF7A  }
0x23: {  	s9 =	sor.u32 $0xD0000000, s2;
	s6 =	simm.s32 $0x108;
	_ =	swait.ge @!p0 [sflag:s8], $0x0  }
0x24: {  	s3 =	sadd.s32 $0x88, s3;
	s6 =	simm.s32 @!p1 $0x1082;
	[sflag:s4] =	ssyncset.s32 $0xFFFFF086  }
0x25: {  	[simem:s6], [sflag:s4] =	dma.local [hbm:s3], $0xF7A  }
0x26: {  	[smem:$0x3F90] =	sst s1;
	(tag) =	ssettag s2;
	_ =	strace s9  }
0x27: {  	s1 =	sld [smem:$0x3FA0]  }
0x28: {  	s2 =	sld [smem:$0x3FA1]  }
0x29: {  	s4 =	sld [smem:$0x3FA3]  }
0x2a: {  	p0 =	seq.s32 s5, $0x0;
	s5 =	sld [smem:$0x3FA4]  }
0x2b: {  	s6 =	sld [smem:$0x3FA5]  }
0x2c: {  	s7 =	sld [smem:$0x3FA6]  }
0x2d: {  	s3 =	simm.s32 $0x108;
	s8 =	sld [smem:$0x3FA7]  }
0x2e: {  	s3 =	simm.s32 @!p0 $0x1082;
	s9 =	sld [smem:$0x3FA8]  }
0x2f: {  	lr =	sadd.s32 s0, s3;
	s0 =	sld [smem:$0x3F9F]  }
0x30: {  	s3 =	sld [smem:$0x3FA2]  }
0x31: {  	[smem:$0x3FAB] =	sst s10  }
0x32: {  	s10 =	sld [smem:$0x3FA9];
	_ =	sdelay $0x3  }
0x33: {  	p0 =	seq.s32 s10, $0x1;
	s10 =	sld [smem:$0x3FAB];
	_ =	sdelay $0x3  }
0x34: {  	[smem:$0x3FAB] =	sst s10  }
0x35: {  	s10 =	sld [smem:$0x3FAA];
	_ =	sdelay $0x3  }
0x36: {  	p1 =	seq.s32 s10, $0x1;
	s10 =	sld [smem:$0x3FAB];
	_ =	sdelay $0x3  }
0x37: {  	[smem:$0x3FAB] =	sst s10  }
0x38: {  	s10 =	sld [smem:$0x3FAC]  }
0x39: {  	_ = 	snop;
	(pc) =	sbr.ind lr, $3  }
0x3a: {  	_ = 	snop  }
0x3b: {  	_ = 	snop  }
0x3c: {  	p2 =	seq.s32 s10, $0x1;
	s10 =	sld [smem:$0x3FAB]  }
0x3d: {  	_ =	shalt  }
0x3e: {  	_ =	shalt  }
0x3f: {  	_ =	shalt  }
0x40: {  	_ =	shalt  }
0x41: {  	_ =	shalt  }
0x42: {  	_ =	shalt  }
0x43: {  	_ =	shalt  }
0x44: {  	_ =	shalt  }
0x45: {  	_ =	shalt  }
0x46: {  	_ =	shalt  }
0x47: {  	_ =	shalt  }
0x48: {  	_ =	shalt  }
0x49: {  	_ =	shalt  }
0x4a: {  	_ =	shalt  }
0x4b: {  	_ =	shalt  }
0x4c: {  	_ =	shalt  }
0x4d: {  	_ =	shalt  }
0x4e: {  	_ =	shalt  }
0x4f: {  	_ =	shalt  }
0x50: {  	_ =	shalt  }
0x51: {  	_ =	shalt  }
0x52: {  	_ =	shalt  }
0x53: {  	_ =	shalt  }
0x54: {  	_ =	shalt  }
0x55: {  	_ =	shalt  }
0x56: {  	_ =	shalt  }
0x57: {  	_ =	shalt  }
0x58: {  	_ =	shalt  }
0x59: {  	_ =	shalt  }
0x5a: {  	_ =	shalt  }
0x5b: {  	_ =	shalt  }
0x5c: {  	_ =	shalt  }
0x5d: {  	_ =	shalt  }
0x5e: {  	_ =	shalt  }
0x5f: {  	_ =	shalt  }
0x60: {  	_ =	shalt  }
0x61: {  	_ =	shalt  }
0x62: {  	_ =	shalt  }
0x63: {  	_ =	shalt  }
0x64: {  	_ =	shalt  }
0x65: {  	_ =	shalt  }
0x66: {  	_ =	shalt  }
0x67: {  	_ =	shalt  }
0x68: {  	_ =	shalt  }
0x69: {  	_ =	shalt  }
0x6a: {  	_ =	shalt  }
0x6b: {  	_ =	shalt  }
0x6c: {  	_ =	shalt  }
0x6d: {  	_ =	shalt  }
0x6e: {  	_ =	shalt  }
0x6f: {  	_ =	shalt  }
0x70: {  	_ =	shalt  }
0x71: {  	_ =	shalt  }
0x72: {  	_ =	shalt  }
0x73: {  	_ =	shalt  }
0x74: {  	_ =	shalt  }
0x75: {  	_ =	shalt  }
0x76: {  	_ =	shalt  }
0x77: {  	_ =	shalt  }
0x78: {  	_ =	shalt  }
0x79: {  	_ =	shalt  }
0x7a: {  	_ =	shalt  }
0x7b: {  	_ =	shalt  }
0x7c: {  	_ =	shalt  }
0x7d: {  	_ =	shalt  }
0x7e: {  	_ =	shalt  }
0x7f: {  	_ =	shalt  }
0x80: {  	_ =	shalt  }
0x81: {  	_ =	shalt  }
0x82: {  	_ =	shalt  }
0x83: {  	_ =	shalt  }
0x84: {  	_ =	shalt  }
0x85: {  	_ =	shalt  }
0x86: {  	_ =	shalt  }
0x87: {  	_ =	shalt  }
.Lfunc_end0:
.L_simem_size_0:
called_computation.3_lowered:
.L_overlay_start_0:
0x88: {  	s2 =	sld [smem:$0x3FD9]  }
0x89: {  	s3 =	sld [smem:$0x3FFE];
	_ =	sdelay $0x1  }
0x8a: {  	s1 =	srdreg.scid  }
0x8b: {  	s0 =	sand.u32 $0x1, s1  }
0x8c: {  	s16 =	sshll.u32 s0, $0xA;
	s2 =	sadd.s32 s3, s2  }
0x8d: {  	s2 =	sadd.s32 s2, s16  }
0x8e: {  	[smem:$0x3FB7] =	sst s2  }
0x8f: {  	_ = 	snop  }
0x90: {  	(tm) =	ssettm $0x1  }
0x91: {  	s17 =	sld [smem:$0x3FFB];
	_ =	sdelay $0x3  }
0x92: {  	_ =	strace s17  }
0x93: {  	s2 =	sld [smem:$0x3FFC];
	_ =	sdelay $0x3  }
0x94: {  	_ =	strace s2  }
0x95: {  	s2 =	sld [smem:$0x3FFD];
	_ =	sdelay $0x3  }
0x96: {  	_ =	strace s2  }
0x97: {  	_ =	strace $0x8FFFFFFF  }
0x98: {  	s18 =	sld [smem:$0x3FDB];
	_ =	sdelay $0x1  }
0x99: {  	s19 =	simm.s32 $_scs_section_size  }
0x9a: {  	s4 =	simm.s32 $_size__tile_overlayer_lowered;
	s5 =	simm.s32 $_tile_overlayer_lowered  }
0x9b: {  	s22 =	simm.s32 $0x1BFF;
	s21 =	sshll.u32 s5, $0x1;
	s2 =	sadd.s32 s19, s18  }
0x9c: {  	s6 =	simm.s32 $0x0;
	s20 =	sshll.u32 s4, $0x1;
	s4 =	sadd.s32 s21, s2  }
0x9d: {  	[timem:s6], [sflag:s22] =	dma.local [hbm:s4], s20  }
0x9e: {  	_ =	swait.ge [sflag:s22], s20  }
0x9f: {  	s3 =	ssub.s32 $0x0, s20;
	[sflag:s22] =	ssyncset.done $0x0  }
0xa0: {  	[sflag:s22] =	ssyncadd.s32 s3;
	_ =	sdelay $0x1  }
0xa1: {  	s23 =	simm.s32 $0x1B8B  }
0xa2: {  	_ =	swait.ge [sflag:s23], $0x1  }
0xa3: {  	[sflag:s23] =	ssyncset.done $0x0  }
0xa4: {  	s25 =	simm.s32 $0x1B8E;
	s24 =	sld [smem:$0x3FFE];
	[sflag:s23] =	ssyncadd.s32 $0xFFFFFFFF  }
0xa5: {  	s26 =	simm.s32 $execute0_lowered;
	[smem:$0x3FD2] =	sst s25  }
0xa6: {  	s4 =	sshll.u32 s26, $0x1;
	_ =	strace $0x8000004C;
	[dreg:$0x1] =	wrdreg $0xFFFFFFFF  }
0xa7: {  	s28 =	simm.s32 $_size_execute0_lowered;
	s2 =	sadd.s32 s2, s4;
	[dreg:$0x0] =	wrdreg $0x0  }
0xa8: {  	s4 =	sshll.u32 s28, $0x1;
	[dreg:$0x2] =	wrdreg s2  }
0xa9: {  	[dreg:$0x3] =	wrdreg s4  }
0xaa: {  	[dreg:$0x4] =	wrdreg $0xC0  }
0xab: {  	_ =	task [dreg:s6], $0x5FFFF  }
0xac: {  	[dreg:$0x1] =	wrdreg $0xFFFFFFFF  }
0xad: {  	[dreg:$0x0] =	wrdreg $0x60  }
0xae: {  	[dreg:$0x2] =	wrdreg s24  }
0xaf: {  	[dreg:$0x3] =	wrdreg $0x9  }
0xb0: {  	_ =	task.clear_ibuf [dreg:s6], $0x4FFFF;
	_ =	strace $0x9000004C  }
0xb1: {  	s29 =	simm.s32 $0x9;
	_ =	strace $0x8000004E  }
0xb2: {  	_ =	swait.ge [sflag:s29], $0x1  }
0xb3: {  	[sflag:s29] =	ssyncadd.s32 $0xFFFFFFFF  }
0xb4: {  	_ =	strace $0x9000004E  }
0xb5: {  	_ =	sfence  }
0xb6: {  	s30 =	sld [smem:$0x0];
	_ =	sdelay $0x2  }
0xb7: {  	s31 =	sshll.u32 s1, $0xD;
	s1 =	sshrl.u32 s1, $0x2  }
0xb8: {  	s3 =	sand.u32 $0x4000, s31;
	s1 =	sadd.s32 s1, s30  }
0xb9: {  	s0 =	sor.u32 s3, s0;
	s1 =	sshll.u32 s1, $0x11  }
0xba: {  	s0 =	sor.u32 s1, s0  }
0xbb: {  	s0 =	sadd.s32 $0x8F2B, s0  }
0xbc: {  	[sflag:s0] =	ssyncadd.remote.s32 $0x1  }
0xbd: {  	_ =	sfence.sel $0xFFFF  }
0xbe: {  	[dreg:$0x0] =	wrdreg $0xFFFFFFFF;
	(pc) =	sbr.abs _section_cstart, $3  }
0xbf: {  	[dreg:$0x1] =	wrdreg $0xFFFFFFFF  }
0xc0: {  	_ =	task.clear_ibuf [dreg:s6], $0x2FFFF;
	_ =	strace $0x9FFFFFFF  }
0xc1: {  	(tm) =	ssettm $0x7FFFFFFF  }
tec
execute0_lowered:
.L_overlay_start_1:
0x0: {  	(tag) =	ssettag $0x1  }
0x1: {  	s0 =	srdreg.scid;
	s3 =	rddreg [dreg:$0x0]  }
0x2: {  	s1 =	stileid.u32;
	s13 =	rddreg [dreg:$0x1]  }
0x3: {  	s2 =	simm.s32 $0x0;
	s23 =	simm.s32 $0x1A80;
	s24 =	simm.s32 $0x60  }
0x4: {  	s11 =	simm.s32 $0x6;
	s25 =	simm.s32 $0x3280;
	s10 =	simm.s32 $0x30  }
0x5: {  	s26 =	simm.s32 $0x90;
	s16 =	simm.s32 $0x6280;
	s17 =	simm.s32 $0xF0  }
0x6: {  	s18 =	simm.s32 $0x7A80;
	s19 =	simm.s32 $0x120;
	s20 =	simm.s32 $0x9280  }
0x7: {  	s28 =	simm.s32 $0x1E0;
	s29 =	simm.s32 $0xF280;
	s30 =	simm.s32 $0x210  }
0x8: {  	s31 =	simm.s32 $0x10A80;
	s14 =	simm.s32 $0x240;
	p0 =	por $0x0, $0x0  }
0x9: {  	s12 =	simm.s32 $0x12280;
	s9 =	simm.s32 $0x2;
	s8 =	simm.s32 $0x3  }
0xa: {  	s7 =	simm.s32 $0x4;
	s0 =	sand.u32 $0x1, s0;
	[smem:$0x7FF] =	sst s2  }
0xb: {  	s1 =	sshll.u32 s1, $0x1;
	_ =	strace $0x8000004D;
	[dreg:$0x4] =	wrdreg s23  }
0xc: {  	s1 =	sor.u32 s0, s1;
	s0 =	ssub.s32 $0x2, s0;
	[dreg:$0x5] =	wrdreg s24  }
0xd: {  	s6 =	simm.s32 $0x5;
	[dreg:$0x6] =	wrdreg s25;
	s22 =	sshrl.u32 s0, $0x1  }
0xe: {  	s4 =	sadd.s32 $0x5800, s3;
	[dreg:$0x7] =	wrdreg s26;
	s0 =	ssub.s32 s0, s22  }
0xf: {  	s23 =	simm.s32 $0x180;
	s5 =	smul.u32 $0x4E, s1;
	s0 =	smax.u32 s0, $0x1  }
0x10: {  	s24 =	simm.s32 $0xC280;
	s1 =	smul.u32 $0x2700, s1;
	p1 =	sne.s32 s0, $0x1  }
.Ltmp0:
0x11: {  	s25 =	simm.s32 $0x1B0;
	s5 =	sadd.s32 s5, s3;
	(pc) =	sbr.rel @!p1 .LBB2_1-.Ltmp0, $4  }
0x12: {  	s26 =	simm.s32 $0xDA80;
	s1 =	sadd.s32 s1, s3;
	s21 =	sadd.s32 $0x47E00, s5  }
0x13: {  	s22 =	simm.s32 $0xAA80;
	s1 =	sadd.s32 $0x48800, s1;
	[dreg:$0x2] =	wrdreg s21  }
0x14: {  	s3 =	simm.s32 $0x280;
	s15 =	sadd.s32 $0xFFFFFFFF, s0;
	[dreg:$0x3] =	wrdreg s1  }
0x15: {  	s5 =	simm.s32 $0x1;
	s21 =	simm.s32 $0x150;
	s0 =	rddreg [dreg:$0x2]  }
0x16: {  	[tilespmem:s2], [sflag:$0x6] =	stream.linear.gather [hbm4b:s0+s2], $0x270, $0x38;
	[tilespmem:$0x13A80] =	vst v63  }
0x17: {  	_ =	swait.ge [sflag:s11], $0x270  }
0x18: {  	[sflag:s11] =	ssyncset.done $0x0  }
0x19: {  	s13 =	rddreg [dreg:$0x6];
	[sflag:s11] =	ssyncadd.s32 $0xFFFFFD90  }
0x1a: {  	[tilespmem:s3], [sflag:$0x1] =	stream.indirect.gather [hbm4b:s4+s10], $0x80, s2, s10, $0xb8;
	[tilespmem:$0x13A80] =	vst v63  }
0x1b: {  	s1 =	rddreg [dreg:$0x4]  }
0x1c: {  	[tilespmem:s1], [sflag:$0x2] =	stream.indirect.gather [hbm4b:s4+s10], $0x80, s10, s10, $0xb8;
	[tilespmem:$0x13A80] =	vst v63  }
0x1d: {  	s0 =	rddreg [dreg:$0x5]  }
0x1e: {  	[tilespmem:s13], [sflag:$0x3] =	stream.indirect.gather [hbm4b:s4+s10], $0x80, s0, s10, $0xb8;
	[tilespmem:$0x13A80] =	vst v63  }
0x1f: {  	s1 =	rddreg [dreg:$0x7];
	s13 =	simm.s32 $0x4A80  }
0x20: {  	[tilespmem:s13], [sflag:$0x4] =	stream.indirect.gather [hbm4b:s4+s10], $0x80, s1, s10, $0xb8;
	[tilespmem:$0x13A80] =	vst v63  }
0x21: {  	s1 =	simm.s32 $0xC0  }
0x22: {  	[tilespmem:s16], [sflag:$0x1] =	stream.indirect.gather [hbm4b:s4+s10], $0x80, s1, s10, $0xb8;
	[tilespmem:$0x13A80] =	vst v63  }
0x23: {  	_ = 	snop  }
0x24: {  	[tilespmem:s18], [sflag:$0x2] =	stream.indirect.gather [hbm4b:s4+s10], $0x80, s17, s10, $0xb8;
	[tilespmem:$0x13A80] =	vst v63  }
0x25: {  	_ = 	snop  }
0x26: {  	[tilespmem:s20], [sflag:$0x3] =	stream.indirect.gather [hbm4b:s4+s10], $0x80, s19, s10, $0xb8;
	[tilespmem:$0x13A80] =	vst v63  }
0x27: {  	_ = 	snop  }
0x28: {  	[tilespmem:s22], [sflag:$0x4] =	stream.indirect.gather [hbm4b:s4+s10], $0x80, s21, s10, $0xb8;
	[tilespmem:$0x13A80] =	vst v63  }
0x29: {  	_ = 	snop  }
0x2a: {  	[tilespmem:s24], [sflag:$0x1] =	stream.indirect.gather [hbm4b:s4+s10], $0x80, s23, s10, $0xb8;
	[tilespmem:$0x13A80] =	vst v63  }
0x2b: {  	_ = 	snop  }
0x2c: {  	[tilespmem:s26], [sflag:$0x2] =	stream.indirect.gather [hbm4b:s4+s10], $0x80, s25, s10, $0xb8;
	[tilespmem:$0x13A80] =	vst v63  }
0x2d: {  	_ = 	snop  }
0x2e: {  	[tilespmem:s29], [sflag:$0x3] =	stream.indirect.gather [hbm4b:s4+s10], $0x80, s28, s10, $0xb8;
	[tilespmem:$0x13A80] =	vst v63  }
0x2f: {  	_ = 	snop  }
0x30: {  	[tilespmem:s31], [sflag:$0x4] =	stream.indirect.gather [hbm4b:s4+s10], $0x80, s30, s10, $0xb8;
	[tilespmem:$0x13A80] =	vst v63  }
0x31: {  	_ = 	snop  }
0x32: {  	[tilespmem:s12], [sflag:$0x1] =	stream.indirect.gather [hbm4b:s4+s10], $0x80, s14, s10, $0xb8;
	[tilespmem:$0x13A80] =	vst v63  }
0x33: {  	_ =	swait.ge [sflag:s5], $0x1800  }
0x34: {  	[sflag:s5] =	ssyncset.done $0x0  }
0x35: {  	[sflag:s5] =	ssyncadd.s32 $0xFFFFE800  }
0x36: {  	_ =	swait.ge [sflag:s9], $0x1800  }
0x37: {  	[sflag:s9] =	ssyncset.done $0x0  }
0x38: {  	[sflag:s9] =	ssyncadd.s32 $0xFFFFE800  }
0x39: {  	_ =	swait.ge [sflag:s8], $0x1800  }
0x3a: {  	[sflag:s8] =	ssyncset.done $0x0  }
0x3b: {  	[sflag:s8] =	ssyncadd.s32 $0xFFFFE800  }
0x3c: {  	_ =	swait.ge [sflag:s7], $0x1800  }
0x3d: {  	[sflag:s7] =	ssyncset.done $0x0  }
0x3e: {  	[sflag:s7] =	ssyncadd.s32 $0xFFFFE800  }
0x3f: {  	_ =	swait.ge [sflag:s5], $0x1800  }
0x40: {  	[sflag:s5] =	ssyncset.done $0x0  }
0x41: {  	[sflag:s5] =	ssyncadd.s32 $0xFFFFE800  }
0x42: {  	_ =	swait.ge [sflag:s9], $0x1800  }
0x43: {  	[sflag:s9] =	ssyncset.done $0x0  }
0x44: {  	[sflag:s9] =	ssyncadd.s32 $0xFFFFE800  }
0x45: {  	_ =	swait.ge [sflag:s8], $0x1800  }
0x46: {  	[sflag:s8] =	ssyncset.done $0x0  }
0x47: {  	[sflag:s8] =	ssyncadd.s32 $0xFFFFE800  }
0x48: {  	_ =	swait.ge [sflag:s7], $0x1800  }
0x49: {  	[sflag:s7] =	ssyncset.done $0x0  }
0x4a: {  	[sflag:s7] =	ssyncadd.s32 $0xFFFFE800  }
0x4b: {  	_ =	swait.ge [sflag:s5], $0x1800  }
0x4c: {  	[sflag:s5] =	ssyncset.done $0x0  }
0x4d: {  	[sflag:s5] =	ssyncadd.s32 $0xFFFFE800  }
0x4e: {  	_ =	swait.ge [sflag:s9], $0x1800  }
0x4f: {  	[sflag:s9] =	ssyncset.done $0x0  }
0x50: {  	[sflag:s9] =	ssyncadd.s32 $0xFFFFE800  }
0x51: {  	_ =	swait.ge [sflag:s8], $0x1800  }
0x52: {  	[sflag:s8] =	ssyncset.done $0x0  }
0x53: {  	[sflag:s8] =	ssyncadd.s32 $0xFFFFE800  }
0x54: {  	_ =	swait.ge [sflag:s7], $0x1800  }
0x55: {  	[sflag:s7] =	ssyncset.done $0x0  }
0x56: {  	[sflag:s7] =	ssyncadd.s32 $0xFFFFE800  }
0x57: {  	p1 =	sne.s32 s15, $0x1;
	_ =	swait.ge [sflag:s5], $0x1800  }
.Ltmp1:
0x58: {  	[sflag:s5] =	ssyncset.done $0x0;
	(pc) =	sbr.rel @!p1 .LBB2_3-.Ltmp1, $4  }
0x59: {  	s13 =	rddreg [dreg:$0x3];
	[sflag:s5] =	ssyncadd.s32 $0xFFFFE800  }
0x5a: {  	[hbm4b:s13+s2] =	stream.linear.scatter [tilespmem:s3], [sflag:$0x5], $0x13800, $0x38;
	[tilespmem:$0x13A80] =	vst v63  }
0x5b: {  	p0 =	por $0x1, $0x1;
	s1 =	sadd.s32 $0xFFFFFFFF, s15;
	_ =	swait.ge [sflag:s6], $0x13800  }
0x5c: {  	s15 =	simm.s32 $0x12280;
	s0 =	rddreg [dreg:$0x2];
	[sflag:s6] =	ssyncset.done $0x0  }
.LBB2_4:
0x5d: {  	[sflag:s6] =	ssyncadd.s32 $0xFFFEC800  }
0x5e: {  	[tilespmem:s2], [sflag:$0x6] =	stream.linear.gather [hbm4b:s0+s2], $0x270, $0x38;
	[tilespmem:$0x13A80] =	vst v63  }
0x5f: {  	_ =	swait.ge [sflag:s11], $0x270  }
0x60: {  	[sflag:s11] =	ssyncset.done $0x0  }
0x61: {  	s0 =	rddreg [dreg:$0x6];
	[sflag:s11] =	ssyncadd.s32 $0xFFFFFD90  }
0x62: {  	[tilespmem:s3], [sflag:$0x1] =	stream.indirect.gather [hbm4b:s4+s10], $0x80, s2, s10, $0xb8;
	[tilespmem:$0x13A80] =	vst v63  }
0x63: {  	s12 =	rddreg [dreg:$0x4]  }
0x64: {  	[tilespmem:s12], [sflag:$0x2] =	stream.indirect.gather [hbm4b:s4+s10], $0x80, s10, s10, $0xb8;
	[tilespmem:$0x13A80] =	vst v63  }
0x65: {  	s13 =	rddreg [dreg:$0x5]  }
0x66: {  	[tilespmem:s0], [sflag:$0x3] =	stream.indirect.gather [hbm4b:s4+s10], $0x80, s13, s10, $0xb8;
	[tilespmem:$0x13A80] =	vst v63  }
0x67: {  	s12 =	rddreg [dreg:$0x7];
	s13 =	simm.s32 $0x4A80  }
0x68: {  	[tilespmem:s13], [sflag:$0x4] =	stream.indirect.gather [hbm4b:s4+s10], $0x80, s12, s10, $0xb8;
	[tilespmem:$0x13A80] =	vst v63  }
0x69: {  	s12 =	simm.s32 $0xC0  }
0x6a: {  	[tilespmem:s16], [sflag:$0x1] =	stream.indirect.gather [hbm4b:s4+s10], $0x80, s12, s10, $0xb8;
	[tilespmem:$0x13A80] =	vst v63  }
0x6b: {  	_ = 	snop  }
0x6c: {  	[tilespmem:s18], [sflag:$0x2] =	stream.indirect.gather [hbm4b:s4+s10], $0x80, s17, s10, $0xb8;
	[tilespmem:$0x13A80] =	vst v63  }
0x6d: {  	_ = 	snop  }
0x6e: {  	[tilespmem:s20], [sflag:$0x3] =	stream.indirect.gather [hbm4b:s4+s10], $0x80, s19, s10, $0xb8;
	[tilespmem:$0x13A80] =	vst v63  }
0x6f: {  	_ = 	snop  }
0x70: {  	[tilespmem:s22], [sflag:$0x4] =	stream.indirect.gather [hbm4b:s4+s10], $0x80, s21, s10, $0xb8;
	[tilespmem:$0x13A80] =	vst v63  }
0x71: {  	_ = 	snop  }
0x72: {  	[tilespmem:s24], [sflag:$0x1] =	stream.indirect.gather [hbm4b:s4+s10], $0x80, s23, s10, $0xb8;
	[tilespmem:$0x13A80] =	vst v63  }
0x73: {  	_ = 	snop  }
0x74: {  	[tilespmem:s26], [sflag:$0x2] =	stream.indirect.gather [hbm4b:s4+s10], $0x80, s25, s10, $0xb8;
	[tilespmem:$0x13A80] =	vst v63  }
0x75: {  	_ = 	snop  }
0x76: {  	[tilespmem:s29], [sflag:$0x3] =	stream.indirect.gather [hbm4b:s4+s10], $0x80, s28, s10, $0xb8;
	[tilespmem:$0x13A80] =	vst v63  }
0x77: {  	_ = 	snop  }
0x78: {  	[tilespmem:s31], [sflag:$0x4] =	stream.indirect.gather [hbm4b:s4+s10], $0x80, s30, s10, $0xb8;
	[tilespmem:$0x13A80] =	vst v63  }
0x79: {  	_ = 	snop  }
0x7a: {  	[tilespmem:s15], [sflag:$0x1] =	stream.indirect.gather [hbm4b:s4+s10], $0x80, s14, s10, $0xb8;
	[tilespmem:$0x13A80] =	vst v63  }
0x7b: {  	_ =	swait.ge [sflag:s5], $0x1800  }
0x7c: {  	[sflag:s5] =	ssyncset.done $0x0  }
0x7d: {  	[sflag:s5] =	ssyncadd.s32 $0xFFFFE800  }
0x7e: {  	_ =	swait.ge [sflag:s9], $0x1800  }
0x7f: {  	[sflag:s9] =	ssyncset.done $0x0  }
0x80: {  	[sflag:s9] =	ssyncadd.s32 $0xFFFFE800  }
0x81: {  	_ =	swait.ge [sflag:s8], $0x1800  }
0x82: {  	[sflag:s8] =	ssyncset.done $0x0  }
0x83: {  	[sflag:s8] =	ssyncadd.s32 $0xFFFFE800  }
0x84: {  	_ =	swait.ge [sflag:s7], $0x1800  }
0x85: {  	[sflag:s7] =	ssyncset.done $0x0  }
0x86: {  	[sflag:s7] =	ssyncadd.s32 $0xFFFFE800  }
0x87: {  	_ =	swait.ge [sflag:s5], $0x1800  }
0x88: {  	[sflag:s5] =	ssyncset.done $0x0  }
0x89: {  	[sflag:s5] =	ssyncadd.s32 $0xFFFFE800  }
0x8a: {  	_ =	swait.ge [sflag:s9], $0x1800  }
0x8b: {  	[sflag:s9] =	ssyncset.done $0x0  }
0x8c: {  	[sflag:s9] =	ssyncadd.s32 $0xFFFFE800  }
0x8d: {  	_ =	swait.ge [sflag:s8], $0x1800  }
0x8e: {  	[sflag:s8] =	ssyncset.done $0x0  }
0x8f: {  	[sflag:s8] =	ssyncadd.s32 $0xFFFFE800  }
0x90: {  	_ =	swait.ge [sflag:s7], $0x1800  }
0x91: {  	[sflag:s7] =	ssyncset.done $0x0  }
0x92: {  	[sflag:s7] =	ssyncadd.s32 $0xFFFFE800  }
0x93: {  	_ =	swait.ge [sflag:s5], $0x1800  }
0x94: {  	[sflag:s5] =	ssyncset.done $0x0  }
0x95: {  	[sflag:s5] =	ssyncadd.s32 $0xFFFFE800  }
0x96: {  	_ =	swait.ge [sflag:s9], $0x1800  }
0x97: {  	[sflag:s9] =	ssyncset.done $0x0  }
0x98: {  	[sflag:s9] =	ssyncadd.s32 $0xFFFFE800  }
0x99: {  	_ =	swait.ge [sflag:s8], $0x1800  }
0x9a: {  	[sflag:s8] =	ssyncset.done $0x0  }
0x9b: {  	[sflag:s8] =	ssyncadd.s32 $0xFFFFE800  }
0x9c: {  	_ =	swait.ge [sflag:s7], $0x1800  }
0x9d: {  	[sflag:s7] =	ssyncset.done $0x0  }
0x9e: {  	[sflag:s7] =	ssyncadd.s32 $0xFFFFE800  }
0x9f: {  	p1 =	sne.s32 s1, $0x1;
	_ =	swait.ge [sflag:s5], $0x1800  }
.Ltmp2:
0xa0: {  	[sflag:s5] =	ssyncset.done $0x0;
	(pc) =	sbr.rel @p1 .LBB2_4-.Ltmp2, $4  }
0xa1: {  	s13 =	rddreg [dreg:$0x3];
	[sflag:s5] =	ssyncadd.s32 $0xFFFFE800  }
0xa2: {  	[hbm4b:s13+s2] =	stream.linear.scatter [tilespmem:s3], [sflag:$0x5], $0x13800, $0x38;
	[tilespmem:$0x13A80] =	vst v63  }
0xa3: {  	_ =	swait.ge [sflag:s6], $0x13800  }
0xa4: {  	s1 =	sadd.s32 $0xFFFFFFFF, s1;
	s0 =	rddreg [dreg:$0x2];
	[sflag:s6] =	ssyncset.done $0x0  }
0xa5: {  	s12 =	simm.s32 $0x240  }
0xa6: {  	s31 =	simm.s32 $0x10A80;
	s30 =	simm.s32 $0x210;
	s29 =	simm.s32 $0xF280  }
0xa7: {  	s28 =	simm.s32 $0x1E0;
	s26 =	simm.s32 $0xDA80;
	s25 =	simm.s32 $0x1B0  }
0xa8: {  	s24 =	simm.s32 $0xC280;
	s23 =	simm.s32 $0x180;
	s22 =	simm.s32 $0xAA80  }
0xa9: {  	s21 =	simm.s32 $0x150;
	s20 =	simm.s32 $0x9280;
	s19 =	simm.s32 $0x120  }
0xaa: {  	s18 =	simm.s32 $0x7A80;
	s17 =	simm.s32 $0xF0;
	s16 =	simm.s32 $0x6280  }
0xab: {  	s15 =	simm.s32 $0xC0;
	s14 =	simm.s32 $0x4A80;
	s13 =	rddreg [dreg:$0x1]  }
.LBB2_6:
0xac: {  	[sflag:s6] =	ssyncadd.s32 @p0 $0xFFFEC800  }
0xad: {  	[tilespmem:s2], [sflag:$0x6] =	stream.linear.gather [hbm4b:s0+s2], $0x270, $0x38;
	[tilespmem:$0x13A80] =	vst v63  }
0xae: {  	_ =	swait.ge [sflag:s11], $0x270  }
0xaf: {  	[sflag:s11] =	ssyncset.done $0x0  }
0xb0: {  	s0 =	rddreg [dreg:$0x4];
	[sflag:s11] =	ssyncadd.s32 $0xFFFFFD90  }
0xb1: {  	[tilespmem:s3], [sflag:$0x1] =	stream.indirect.gather [hbm4b:s4+s10], $0x80, s2, s10, $0xb8;
	[tilespmem:$0x13A80] =	vst v63  }
0xb2: {  	s1 =	rddreg [dreg:$0x6]  }
0xb3: {  	[tilespmem:s0], [sflag:$0x2] =	stream.indirect.gather [hbm4b:s4+s10], $0x80, s10, s10, $0xb8;
	[tilespmem:$0x13A80] =	vst v63  }
0xb4: {  	s11 =	rddreg [dreg:$0x5]  }
0xb5: {  	[tilespmem:s1], [sflag:$0x3] =	stream.indirect.gather [hbm4b:s4+s10], $0x80, s11, s10, $0xb8;
	[tilespmem:$0x13A80] =	vst v63  }
0xb6: {  	s0 =	rddreg [dreg:$0x7]  }
0xb7: {  	[tilespmem:s14], [sflag:$0x4] =	stream.indirect.gather [hbm4b:s4+s10], $0x80, s0, s10, $0xb8;
	[tilespmem:$0x13A80] =	vst v63  }
0xb8: {  	_ = 	snop  }
0xb9: {  	[tilespmem:s16], [sflag:$0x1] =	stream.indirect.gather [hbm4b:s4+s10], $0x80, s15, s10, $0xb8;
	[tilespmem:$0x13A80] =	vst v63  }
0xba: {  	_ = 	snop  }
0xbb: {  	[tilespmem:s18], [sflag:$0x2] =	stream.indirect.gather [hbm4b:s4+s10], $0x80, s17, s10, $0xb8;
	[tilespmem:$0x13A80] =	vst v63  }
0xbc: {  	_ = 	snop  }
0xbd: {  	[tilespmem:s20], [sflag:$0x3] =	stream.indirect.gather [hbm4b:s4+s10], $0x80, s19, s10, $0xb8;
	[tilespmem:$0x13A80] =	vst v63  }
0xbe: {  	_ = 	snop  }
0xbf: {  	[tilespmem:s22], [sflag:$0x4] =	stream.indirect.gather [hbm4b:s4+s10], $0x80, s21, s10, $0xb8;
	[tilespmem:$0x13A80] =	vst v63  }
0xc0: {  	_ = 	snop  }
0xc1: {  	[tilespmem:s24], [sflag:$0x1] =	stream.indirect.gather [hbm4b:s4+s10], $0x80, s23, s10, $0xb8;
	[tilespmem:$0x13A80] =	vst v63  }
0xc2: {  	_ = 	snop  }
0xc3: {  	[tilespmem:s26], [sflag:$0x2] =	stream.indirect.gather [hbm4b:s4+s10], $0x80, s25, s10, $0xb8;
	[tilespmem:$0x13A80] =	vst v63  }
0xc4: {  	_ = 	snop  }
0xc5: {  	[tilespmem:s29], [sflag:$0x3] =	stream.indirect.gather [hbm4b:s4+s10], $0x80, s28, s10, $0xb8;
	[tilespmem:$0x13A80] =	vst v63  }
0xc6: {  	_ = 	snop  }
0xc7: {  	[tilespmem:s31], [sflag:$0x4] =	stream.indirect.gather [hbm4b:s4+s10], $0x80, s30, s10, $0xb8;
	[tilespmem:$0x13A80] =	vst v63  }
0xc8: {  	s29 =	simm.s32 $0x12280  }
0xc9: {  	[tilespmem:s29], [sflag:$0x1] =	stream.indirect.gather [hbm4b:s4+s10], $0x80, s12, s10, $0xb8;
	[tilespmem:$0x13A80] =	vst v63  }
0xca: {  	_ =	swait.ge [sflag:s5], $0x1800  }
0xcb: {  	[sflag:s5] =	ssyncset.done $0x0  }
0xcc: {  	[sflag:s5] =	ssyncadd.s32 $0xFFFFE800  }
0xcd: {  	_ =	swait.ge [sflag:s9], $0x1800  }
0xce: {  	[sflag:s9] =	ssyncset.done $0x0  }
0xcf: {  	[sflag:s9] =	ssyncadd.s32 $0xFFFFE800  }
0xd0: {  	_ =	swait.ge [sflag:s8], $0x1800  }
0xd1: {  	[sflag:s8] =	ssyncset.done $0x0  }
0xd2: {  	[sflag:s8] =	ssyncadd.s32 $0xFFFFE800  }
0xd3: {  	_ =	swait.ge [sflag:s7], $0x1800  }
0xd4: {  	[sflag:s7] =	ssyncset.done $0x0  }
0xd5: {  	[sflag:s7] =	ssyncadd.s32 $0xFFFFE800  }
0xd6: {  	_ =	swait.ge [sflag:s5], $0x1800  }
0xd7: {  	[sflag:s5] =	ssyncset.done $0x0  }
0xd8: {  	[sflag:s5] =	ssyncadd.s32 $0xFFFFE800  }
0xd9: {  	_ =	swait.ge [sflag:s9], $0x1800  }
0xda: {  	[sflag:s9] =	ssyncset.done $0x0  }
0xdb: {  	[sflag:s9] =	ssyncadd.s32 $0xFFFFE800  }
0xdc: {  	_ =	swait.ge [sflag:s8], $0x1800  }
0xdd: {  	[sflag:s8] =	ssyncset.done $0x0  }
0xde: {  	[sflag:s8] =	ssyncadd.s32 $0xFFFFE800  }
0xdf: {  	_ =	swait.ge [sflag:s7], $0x1800  }
0xe0: {  	[sflag:s7] =	ssyncset.done $0x0  }
0xe1: {  	[sflag:s7] =	ssyncadd.s32 $0xFFFFE800  }
0xe2: {  	_ =	swait.ge [sflag:s5], $0x1800  }
0xe3: {  	[sflag:s5] =	ssyncset.done $0x0  }
0xe4: {  	[sflag:s5] =	ssyncadd.s32 $0xFFFFE800  }
0xe5: {  	_ =	swait.ge [sflag:s9], $0x1800  }
0xe6: {  	[sflag:s9] =	ssyncset.done $0x0  }
0xe7: {  	[sflag:s9] =	ssyncadd.s32 $0xFFFFE800  }
0xe8: {  	_ =	swait.ge [sflag:s8], $0x1800  }
0xe9: {  	[sflag:s8] =	ssyncset.done $0x0  }
0xea: {  	[sflag:s8] =	ssyncadd.s32 $0xFFFFE800  }
0xeb: {  	_ =	swait.ge [sflag:s7], $0x1800  }
0xec: {  	[sflag:s7] =	ssyncset.done $0x0  }
0xed: {  	[sflag:s7] =	ssyncadd.s32 $0xFFFFE800  }
0xee: {  	_ =	swait.ge [sflag:s5], $0x1800  }
0xef: {  	[sflag:s5] =	ssyncset.done $0x0  }
0xf0: {  	s30 =	rddreg [dreg:$0x3];
	[sflag:s5] =	ssyncadd.s32 $0xFFFFE800  }
0xf1: {  	[hbm4b:s30+s2] =	stream.linear.scatter [tilespmem:s3], [sflag:$0x5], $0x13800, $0x38;
	[tilespmem:$0x13A80] =	vst v63  }
0xf2: {  	_ =	swait.ge [sflag:s6], $0x13800  }
0xf3: {  	[sflag:s6] =	ssyncset.done $0x0  }
0xf4: {  	[sflag:s6] =	ssyncadd.s32 $0xFFFEC800  }
0xf5: {  	_ =	sfence.sel $0x180000  }
0xf6: {  	s31 =	stileid.u32;
	[bflag:$0x0] =	sbarrier.arrive $0xFFFF  }
0xf7: {  	p0 =	sne.s32 s31, $0x0;
	_ =	strace $0x9000004D  }
0xf8: {  	s0 =	sadd.s32 @!p0 $0x100000, s13;
	[bflag:$0x2] =	sbarrier.arrive $0xFFFF  }
0xf9: {  	[sflag:s0] =	ssyncadd.tile.s32 @!p0 $0x1;
	_ =	shalt  }
.LBB2_1:
0xfa: {  	s12 =	simm.s32 $0x240  }
0xfb: {  	s31 =	simm.s32 $0x10A80;
	s30 =	simm.s32 $0x210;
	s29 =	simm.s32 $0xF280  }
.Ltmp3:
0xfc: {  	s28 =	simm.s32 $0x1E0;
	s26 =	simm.s32 $0xDA80;
	(pc) =	sbr.rel .LBB2_6-.Ltmp3, $4  }
0xfd: {  	s25 =	simm.s32 $0x1B0;
	s24 =	simm.s32 $0xC280;
	s23 =	simm.s32 $0x180  }
0xfe: {  	s22 =	simm.s32 $0xAA80;
	s21 =	simm.s32 $0x150;
	s20 =	simm.s32 $0x9280  }
0xff: {  	s19 =	simm.s32 $0x120;
	s18 =	simm.s32 $0x7A80;
	s17 =	simm.s32 $0xF0  }
0x100: {  	s16 =	simm.s32 $0x6280;
	s15 =	simm.s32 $0xC0;
	s14 =	simm.s32 $0x4A80  }
.LBB2_3:
0x101: {  	s12 =	simm.s32 $0x240;
	s31 =	simm.s32 $0x10A80  }
0x102: {  	s30 =	simm.s32 $0x210;
	s29 =	simm.s32 $0xF280;
	s28 =	simm.s32 $0x1E0  }
.Ltmp4:
0x103: {  	s26 =	simm.s32 $0xDA80;
	s25 =	simm.s32 $0x1B0;
	(pc) =	sbr.rel .LBB2_6-.Ltmp4, $4  }
0x104: {  	s24 =	simm.s32 $0xC280;
	s23 =	simm.s32 $0x180;
	s22 =	simm.s32 $0xAA80  }
0x105: {  	s21 =	simm.s32 $0x150;
	s20 =	simm.s32 $0x9280;
	s19 =	simm.s32 $0x120  }
0x106: {  	s18 =	simm.s32 $0x7A80;
	s17 =	simm.s32 $0xF0;
	s16 =	simm.s32 $0x6280  }
0x107: {  	s15 =	simm.s32 $0xC0;
	s14 =	simm.s32 $0x4A80;
	s13 =	rddreg [dreg:$0x1]  }
.Lfunc_end2:
_tile_overlayer_lowered:
.L_overlay_start_2:
0x108: {  	(tag) =	ssettag $0x2  }
0x109: {  	s0 =	rddreg [dreg:$0x0];
	s2 =	stileid.u32  }
0x10a: {  	s1 =	rddreg [dreg:$0x1];
	p0 =	sne.s32 s2, $0x0  }
0x10b: {  	s3 =	rddreg [dreg:$0x2];
	[bflag:$0x3] =	sbarrier.arrive $0xFFFF;
	s2 =	simm.s32 @!p0 $0x1C06  }
0x10c: {  	[timem:s3], [sflag:s2] =	dma.local @!p0 [hbm:s0], s1  }
0x10d: {  	s0 =	simm.s32 @!p0 $0x6  }
0x10e: {  	_ =	swait.ge @!p0 [sflag:s0], s1  }
0x10f: {  	s1 =	ssub.s32 @!p0 $0x0, s1;
	[sflag:s0] =	ssyncset.done @!p0 $0x0  }
0x110: {  	[sflag:s0] =	ssyncadd.s32 @!p0 s1  }
0x111: {  	[bflag:$0x3] =	sbarrier.arrive $0xFFFF  }
0x112: {  	_ =	shalt  }

// kernel: kernel.14.cloned.1.call-start
scs
__scs_entry_jumppad:
0x0: {  	(pc) =	sbr.rel $0x88, $3  }
0x1: {  	(tag) =	ssettag $0x0;
	lr =	simm.s32 $0x1  }
0x2: {  	[smem:$0x3F90] =	sst lr;
	_ =	strace $0xD0000000  }
0x3: {  	_ = 	snop  }
0x4: {  	_ = 	snop  }
0x5: {  	_ = 	snop  }
0x6: {  	_ = 	snop  }
0x7: {  	_ = 	snop  }
__scs_overlays_trampoline_lowered:
0x8: {  	[smem:$0x3F9F] =	sst s0  }
0x9: {  	[smem:$0x3FA0] =	sst s1  }
0xa: {  	[smem:$0x3FA1] =	sst s2  }
0xb: {  	[smem:$0x3FA2] =	sst s3  }
0xc: {  	[smem:$0x3FA3] =	sst s4  }
0xd: {  	[smem:$0x3FA4] =	sst s5  }
0xe: {  	[smem:$0x3FA5] =	sst s6  }
0xf: {  	[smem:$0x3FA6] =	sst s7  }
0x10: {  	[smem:$0x3FA7] =	sst s8  }
0x11: {  	[smem:$0x3FA8] =	sst s9;
	s0 =	simm.s32 @!p0 $0x0  }
0x12: {  	s1 =	sld [smem:$0x3F8E];
	s0 =	simm.s32 @p0 $0x1  }
0x13: {  	[smem:$0x3FA9] =	sst s0;
	s0 =	simm.s32 @!p1 $0x0  }
0x14: {  	s2 =	sld [smem:$0x3F8D];
	s0 =	simm.s32 @p1 $0x1  }
0x15: {  	[smem:$0x3FAA] =	sst s0;
	s0 =	simm.s32 @!p2 $0x0  }
0x16: {  	s3 =	sld [smem:$0x3FDB];
	s0 =	simm.s32 @p2 $0x1  }
0x17: {  	s4 =	simm.s32 $0x1BF5;
	[smem:$0x3FAC] =	sst s0  }
0x18: {  	s0 =	sld [smem:$0x3F8F];
	_ =	swait.ge [sflag:s4], $0x0  }
0x19: {  	s7 =	sld [smem:$0x3F90]  }
0x1a: {  	s8 =	sadd.s32 $0xFFFFE003, lr  }
0x1b: {  	s9 =	sadd.s32 $0xFFFFFEF7, lr;
	s5 =	simm.s32 $0xFFFFFFFF;
	p2 =	slt.u32 s8, $0xFFFFF086  }
0x1c: {  	p1 =	slt.u32 s9, $0xF7A;
	s5 =	simm.s32 @!p2 $0x0  }
0x1d: {  	s5 =	simm.s32 @p1 $0x1;
	p0 =	seq.s32 s7, s2  }
0x1e: {  	s7 =	smul.u32 @!p0 $0xF7A, s2;
	p2 =	seq.s32 @!p0 s5, $0x0  }
0x1f: {  	s9 =	smul.u32 $0xF7A, s1;
	s8 =	simm.s32 @!p0 $0x1BF5;
	p2 =	por !p2, p0  }
0x20: {  	[sflag:s8] =	ssyncset.s32 @!p0 $0xFFFFF086;
	s6 =	sadd.s32 @!p0 s3, s7;
	s7 =	simm.s32 @!p0 $0x108  }
0x21: {  	s3 =	sadd.s32 s3, s9;
	s6 =	sadd.s32 @!p0 $0x88, s6;
	s7 =	simm.s32 @p2 $0x1082  }
0x22: {  	[simem:s7], [sflag:s8] =	dma.local @!p0 [hbm:s6], $0xF7A  }
0x23: {  	s9 =	sor.u32 $0xD0000000, s2;
	s6 =	simm.s32 $0x108;
	_ =	swait.ge @!p0 [sflag:s8], $0x0  }
0x24: {  	s3 =	sadd.s32 $0x88, s3;
	s6 =	simm.s32 @!p1 $0x1082;
	[sflag:s4] =	ssyncset.s32 $0xFFFFF086  }
0x25: {  	[simem:s6], [sflag:s4] =	dma.local [hbm:s3], $0xF7A  }
0x26: {  	[smem:$0x3F90] =	sst s1;
	(tag) =	ssettag s2;
	_ =	strace s9  }
0x27: {  	s1 =	sld [smem:$0x3FA0]  }
0x28: {  	s2 =	sld [smem:$0x3FA1]  }
0x29: {  	s4 =	sld [smem:$0x3FA3]  }
0x2a: {  	p0 =	seq.s32 s5, $0x0;
	s5 =	sld [smem:$0x3FA4]  }
0x2b: {  	s6 =	sld [smem:$0x3FA5]  }
0x2c: {  	s7 =	sld [smem:$0x3FA6]  }
0x2d: {  	s3 =	simm.s32 $0x108;
	s8 =	sld [smem:$0x3FA7]  }
0x2e: {  	s3 =	simm.s32 @!p0 $0x1082;
	s9 =	sld [smem:$0x3FA8]  }
0x2f: {  	lr =	sadd.s32 s0, s3;
	s0 =	sld [smem:$0x3F9F]  }
0x30: {  	s3 =	sld [smem:$0x3FA2]  }
0x31: {  	[smem:$0x3FAB] =	sst s10  }
0x32: {  	s10 =	sld [smem:$0x3FA9];
	_ =	sdelay $0x3  }
0x33: {  	p0 =	seq.s32 s10, $0x1;
	s10 =	sld [smem:$0x3FAB];
	_ =	sdelay $0x3  }
0x34: {  	[smem:$0x3FAB] =	sst s10  }
0x35: {  	s10 =	sld [smem:$0x3FAA];
	_ =	sdelay $0x3  }
0x36: {  	p1 =	seq.s32 s10, $0x1;
	s10 =	sld [smem:$0x3FAB];
	_ =	sdelay $0x3  }
0x37: {  	[smem:$0x3FAB] =	sst s10  }
0x38: {  	s10 =	sld [smem:$0x3FAC]  }
0x39: {  	_ = 	snop;
	(pc) =	sbr.ind lr, $3  }
0x3a: {  	_ = 	snop  }
0x3b: {  	_ = 	snop  }
0x3c: {  	p2 =	seq.s32 s10, $0x1;
	s10 =	sld [smem:$0x3FAB]  }
0x3d: {  	_ =	shalt  }
0x3e: {  	_ =	shalt  }
0x3f: {  	_ =	shalt  }
0x40: {  	_ =	shalt  }
0x41: {  	_ =	shalt  }
0x42: {  	_ =	shalt  }
0x43: {  	_ =	shalt  }
0x44: {  	_ =	shalt  }
0x45: {  	_ =	shalt  }
0x46: {  	_ =	shalt  }
0x47: {  	_ =	shalt  }
0x48: {  	_ =	shalt  }
0x49: {  	_ =	shalt  }
0x4a: {  	_ =	shalt  }
0x4b: {  	_ =	shalt  }
0x4c: {  	_ =	shalt  }
0x4d: {  	_ =	shalt  }
0x4e: {  	_ =	shalt  }
0x4f: {  	_ =	shalt  }
0x50: {  	_ =	shalt  }
0x51: {  	_ =	shalt  }
0x52: {  	_ =	shalt  }
0x53: {  	_ =	shalt  }
0x54: {  	_ =	shalt  }
0x55: {  	_ =	shalt  }
0x56: {  	_ =	shalt  }
0x57: {  	_ =	shalt  }
0x58: {  	_ =	shalt  }
0x59: {  	_ =	shalt  }
0x5a: {  	_ =	shalt  }
0x5b: {  	_ =	shalt  }
0x5c: {  	_ =	shalt  }
0x5d: {  	_ =	shalt  }
0x5e: {  	_ =	shalt  }
0x5f: {  	_ =	shalt  }
0x60: {  	_ =	shalt  }
0x61: {  	_ =	shalt  }
0x62: {  	_ =	shalt  }
0x63: {  	_ =	shalt  }
0x64: {  	_ =	shalt  }
0x65: {  	_ =	shalt  }
0x66: {  	_ =	shalt  }
0x67: {  	_ =	shalt  }
0x68: {  	_ =	shalt  }
0x69: {  	_ =	shalt  }
0x6a: {  	_ =	shalt  }
0x6b: {  	_ =	shalt  }
0x6c: {  	_ =	shalt  }
0x6d: {  	_ =	shalt  }
0x6e: {  	_ =	shalt  }
0x6f: {  	_ =	shalt  }
0x70: {  	_ =	shalt  }
0x71: {  	_ =	shalt  }
0x72: {  	_ =	shalt  }
0x73: {  	_ =	shalt  }
0x74: {  	_ =	shalt  }
0x75: {  	_ =	shalt  }
0x76: {  	_ =	shalt  }
0x77: {  	_ =	shalt  }
0x78: {  	_ =	shalt  }
0x79: {  	_ =	shalt  }
0x7a: {  	_ =	shalt  }
0x7b: {  	_ =	shalt  }
0x7c: {  	_ =	shalt  }
0x7d: {  	_ =	shalt  }
0x7e: {  	_ =	shalt  }
0x7f: {  	_ =	shalt  }
0x80: {  	_ =	shalt  }
0x81: {  	_ =	shalt  }
0x82: {  	_ =	shalt  }
0x83: {  	_ =	shalt  }
0x84: {  	_ =	shalt  }
0x85: {  	_ =	shalt  }
0x86: {  	_ =	shalt  }
0x87: {  	_ =	shalt  }
.Lfunc_end0:
.L_simem_size_0:
called_computation.4_lowered:
.L_overlay_start_0:
0x88: {  	s2 =	sld [smem:$0x3FD9]  }
0x89: {  	s3 =	sld [smem:$0x3FFE];
	_ =	sdelay $0x1  }
0x8a: {  	s1 =	srdreg.scid  }
0x8b: {  	s0 =	sand.u32 $0x1, s1  }
0x8c: {  	s17 =	sshll.u32 s0, $0xA;
	s2 =	sadd.s32 s3, s2  }
0x8d: {  	s2 =	sadd.s32 s2, s17  }
0x8e: {  	[smem:$0x3FB7] =	sst s2  }
0x8f: {  	_ = 	snop  }
0x90: {  	s2 =	sld [smem:$0x3FD0];
	(tm) =	ssettm $0x1  }
0x91: {  	s18 =	sld [smem:$0x3FFB];
	_ =	sdelay $0x3  }
0x92: {  	_ =	strace s18  }
0x93: {  	s3 =	sld [smem:$0x3FFC];
	_ =	sdelay $0x3  }
0x94: {  	_ =	strace s3  }
0x95: {  	s3 =	sld [smem:$0x3FFD];
	_ =	sdelay $0x3  }
0x96: {  	_ =	strace s3  }
0x97: {  	_ =	strace $0x8FFFFFFF  }
0x98: {  	s19 =	sld [smem:$0x3FDB];
	_ =	sdelay $0x1  }
0x99: {  	s4 =	simm.s32 $_scs_section_size  }
0x9a: {  	s5 =	simm.s32 $_size__tile_overlayer_lowered;
	s6 =	simm.s32 $_tile_overlayer_lowered  }
0x9b: {  	s22 =	simm.s32 $0x1BFF;
	s21 =	sshll.u32 s6, $0x1;
	s3 =	sadd.s32 s4, s19  }
0x9c: {  	s7 =	simm.s32 $0x0;
	s20 =	sshll.u32 s5, $0x1;
	s5 =	sadd.s32 s21, s3  }
0x9d: {  	[timem:s7], [sflag:s22] =	dma.local [hbm:s5], s20  }
0x9e: {  	_ =	swait.ge [sflag:s22], s20  }
0x9f: {  	s4 =	ssub.s32 $0x0, s20;
	[sflag:s22] =	ssyncset.done $0x0  }
0xa0: {  	[sflag:s22] =	ssyncadd.s32 s4;
	_ =	sdelay $0x1  }
0xa1: {  	s23 =	simm.s32 $0x1B8B  }
0xa2: {  	_ =	swait.ge [sflag:s23], $0x1  }
0xa3: {  	[sflag:s23] =	ssyncset.done $0x0  }
0xa4: {  	s25 =	simm.s32 $0x1B8E;
	s24 =	sld [smem:$0x3FFE];
	[sflag:s23] =	ssyncadd.s32 $0xFFFFFFFF  }
0xa5: {  	s26 =	simm.s32 $execute0_lowered;
	[smem:$0x3FD2] =	sst s25  }
0xa6: {  	s5 =	sshll.u32 s26, $0x1;
	_ =	strace $0x8000004F;
	[dreg:$0x1] =	wrdreg $0xFFFFFFFF  }
0xa7: {  	s28 =	simm.s32 $_size_execute0_lowered;
	s3 =	sadd.s32 s3, s5;
	[dreg:$0x0] =	wrdreg $0x0  }
0xa8: {  	s5 =	sshll.u32 s28, $0x1;
	[dreg:$0x2] =	wrdreg s3  }
0xa9: {  	[dreg:$0x3] =	wrdreg s5  }
0xaa: {  	[dreg:$0x4] =	wrdreg $0xC0  }
0xab: {  	_ =	task [dreg:s7], $0x5FFFF  }
0xac: {  	[dreg:$0x1] =	wrdreg $0xFFFFFFFF  }
0xad: {  	[dreg:$0x0] =	wrdreg $0x60  }
0xae: {  	[dreg:$0x2] =	wrdreg s24  }
0xaf: {  	[dreg:$0x3] =	wrdreg s2  }
0xb0: {  	[dreg:$0x4] =	wrdreg $0x9  }
0xb1: {  	_ =	task.clear_ibuf [dreg:s7], $0x5FFFF;
	_ =	strace $0x9000004F  }
0xb2: {  	s29 =	simm.s32 $0x9;
	_ =	strace $0x80000051  }
0xb3: {  	_ =	swait.ge [sflag:s29], $0x1  }
0xb4: {  	[sflag:s29] =	ssyncadd.s32 $0xFFFFFFFF  }
0xb5: {  	_ =	strace $0x90000051  }
0xb6: {  	_ =	sfence  }
0xb7: {  	s30 =	sld [smem:$0x0];
	_ =	sdelay $0x2  }
0xb8: {  	s31 =	sshll.u32 s1, $0xD;
	s1 =	sshrl.u32 s1, $0x2  }
0xb9: {  	s3 =	sand.u32 $0x4000, s31;
	s1 =	sadd.s32 s1, s30  }
0xba: {  	s0 =	sor.u32 s3, s0;
	s1 =	sshll.u32 s1, $0x11  }
0xbb: {  	s0 =	sor.u32 s1, s0  }
0xbc: {  	s0 =	sadd.s32 $0x8F2B, s0  }
0xbd: {  	[sflag:s0] =	ssyncadd.remote.s32 $0x1  }
0xbe: {  	_ =	sfence.sel $0xFFFF  }
0xbf: {  	[dreg:$0x0] =	wrdreg $0xFFFFFFFF;
	(pc) =	sbr.abs _section_cstart, $3  }
0xc0: {  	[dreg:$0x1] =	wrdreg $0xFFFFFFFF  }
0xc1: {  	_ =	task.clear_ibuf [dreg:s7], $0x2FFFF;
	_ =	strace $0x9FFFFFFF  }
0xc2: {  	(tm) =	ssettm $0x7FFFFFFF  }
0xc3: {  	_ =	shalt  }
tec
execute0_lowered:
.L_overlay_start_1:
0x0: {  	(tag) =	ssettag $0x1  }
0x1: {  	s0 =	srdreg.scid;
	s1 =	rddreg [dreg:$0x0]  }
0x2: {  	s2 =	stileid.u32;
	s3 =	rddreg [dreg:$0x1]  }
0x3: {  	s13 =	rddreg [dreg:$0x2];
	s23 =	simm.s32 $0x1A80;
	s24 =	simm.s32 $0x60  }
0x4: {  	s11 =	simm.s32 $0x6;
	s25 =	simm.s32 $0x3280;
	s10 =	simm.s32 $0x30  }
0x5: {  	s26 =	simm.s32 $0x90;
	s16 =	simm.s32 $0x6280;
	s17 =	simm.s32 $0xF0  }
0x6: {  	s18 =	simm.s32 $0x7A80;
	s19 =	simm.s32 $0x120;
	s20 =	simm.s32 $0x9280  }
0x7: {  	s21 =	simm.s32 $0x150;
	s28 =	simm.s32 $0x1E0;
	s29 =	simm.s32 $0xF280  }
0x8: {  	s30 =	simm.s32 $0x210;
	s31 =	simm.s32 $0x10A80;
	s14 =	simm.s32 $0x240  }
0x9: {  	p0 =	por $0x0, $0x0;
	s12 =	simm.s32 $0x12280;
	s9 =	simm.s32 $0x2  }
0xa: {  	s8 =	simm.s32 $0x3;
	s0 =	sand.u32 $0x1, s0;
	s2 =	sshll.u32 s2, $0x1  }
0xb: {  	s7 =	simm.s32 $0x4;
	s4 =	sor.u32 s0, s2;
	s2 =	simm.s32 $0x0  }
0xc: {  	s0 =	ssub.s32 $0x2, s0;
	s5 =	smul.u32 $0x2700, s4;
	[smem:$0x7FF] =	sst s2  }
0xd: {  	s22 =	sshrl.u32 s0, $0x1;
	_ =	strace $0x80000050;
	[dreg:$0x5] =	wrdreg s23  }
0xe: {  	s6 =	smul.u32 $0x4E, s4;
	s0 =	ssub.s32 s0, s22;
	[dreg:$0x6] =	wrdreg s24  }
0xf: {  	s4 =	sadd.s32 $0x47E00, s1;
	[dreg:$0x7] =	wrdreg s25;
	s0 =	smax.u32 s0, $0x1  }
0x10: {  	[dreg:$0x8] =	wrdreg s26;
	s22 =	simm.s32 $0xAA80;
	p1 =	sne.s32 s0, $0x1  }
.Ltmp0:
0x11: {  	s23 =	simm.s32 $0x180;
	s24 =	simm.s32 $0xC280;
	(pc) =	sbr.rel @!p1 .LBB2_1-.Ltmp0, $4  }
0x12: {  	s25 =	simm.s32 $0x1B0;
	s1 =	sadd.s32 s5, s1;
	s3 =	sadd.s32 s3, s6  }
0x13: {  	s26 =	simm.s32 $0xDA80;
	[dreg:$0x3] =	wrdreg s3;
	s1 =	sadd.s32 $0x95E00, s1  }
0x14: {  	s5 =	simm.s32 $0x1;
	s6 =	simm.s32 $0x5;
	[dreg:$0x4] =	wrdreg s1  }
0x15: {  	s3 =	simm.s32 $0x280;
	s15 =	sadd.s32 $0xFFFFFFFF, s0;
	s0 =	rddreg [dreg:$0x3]  }
0x16: {  	[tilespmem:s2], [sflag:$0x6] =	stream.linear.gather [hbm4b:s0+s2], $0x270, $0x38;
	[tilespmem:$0x13A80] =	vst v63  }
0x17: {  	_ =	swait.ge [sflag:s11], $0x270  }
0x18: {  	[sflag:s11] =	ssyncset.done $0x0  }
0x19: {  	s13 =	rddreg [dreg:$0x7];
	[sflag:s11] =	ssyncadd.s32 $0xFFFFFD90  }
0x1a: {  	[tilespmem:s3], [sflag:$0x1] =	stream.indirect.gather [hbm4b:s4+s10], $0x80, s2, s10, $0xb8;
	[tilespmem:$0x13A80] =	vst v63  }
0x1b: {  	s1 =	rddreg [dreg:$0x5]  }
0x1c: {  	[tilespmem:s1], [sflag:$0x2] =	stream.indirect.gather [hbm4b:s4+s10], $0x80, s10, s10, $0xb8;
	[tilespmem:$0x13A80] =	vst v63  }
0x1d: {  	s0 =	rddreg [dreg:$0x6]  }
0x1e: {  	[tilespmem:s13], [sflag:$0x3] =	stream.indirect.gather [hbm4b:s4+s10], $0x80, s0, s10, $0xb8;
	[tilespmem:$0x13A80] =	vst v63  }
0x1f: {  	s1 =	rddreg [dreg:$0x8];
	s13 =	simm.s32 $0x4A80  }
0x20: {  	[tilespmem:s13], [sflag:$0x4] =	stream.indirect.gather [hbm4b:s4+s10], $0x80, s1, s10, $0xb8;
	[tilespmem:$0x13A80] =	vst v63  }
0x21: {  	s1 =	simm.s32 $0xC0  }
0x22: {  	[tilespmem:s16], [sflag:$0x1] =	stream.indirect.gather [hbm4b:s4+s10], $0x80, s1, s10, $0xb8;
	[tilespmem:$0x13A80] =	vst v63  }
0x23: {  	_ = 	snop  }
0x24: {  	[tilespmem:s18], [sflag:$0x2] =	stream.indirect.gather [hbm4b:s4+s10], $0x80, s17, s10, $0xb8;
	[tilespmem:$0x13A80] =	vst v63  }
0x25: {  	_ = 	snop  }
0x26: {  	[tilespmem:s20], [sflag:$0x3] =	stream.indirect.gather [hbm4b:s4+s10], $0x80, s19, s10, $0xb8;
	[tilespmem:$0x13A80] =	vst v63  }
0x27: {  	_ = 	snop  }
0x28: {  	[tilespmem:s22], [sflag:$0x4] =	stream.indirect.gather [hbm4b:s4+s10], $0x80, s21, s10, $0xb8;
	[tilespmem:$0x13A80] =	vst v63  }
0x29: {  	_ = 	snop  }
0x2a: {  	[tilespmem:s24], [sflag:$0x1] =	stream.indirect.gather [hbm4b:s4+s10], $0x80, s23, s10, $0xb8;
	[tilespmem:$0x13A80] =	vst v63  }
0x2b: {  	_ = 	snop  }
0x2c: {  	[tilespmem:s26], [sflag:$0x2] =	stream.indirect.gather [hbm4b:s4+s10], $0x80, s25, s10, $0xb8;
	[tilespmem:$0x13A80] =	vst v63  }
0x2d: {  	_ = 	snop  }
0x2e: {  	[tilespmem:s29], [sflag:$0x3] =	stream.indirect.gather [hbm4b:s4+s10], $0x80, s28, s10, $0xb8;
	[tilespmem:$0x13A80] =	vst v63  }
0x2f: {  	_ = 	snop  }
0x30: {  	[tilespmem:s31], [sflag:$0x4] =	stream.indirect.gather [hbm4b:s4+s10], $0x80, s30, s10, $0xb8;
	[tilespmem:$0x13A80] =	vst v63  }
0x31: {  	_ = 	snop  }
0x32: {  	[tilespmem:s12], [sflag:$0x1] =	stream.indirect.gather [hbm4b:s4+s10], $0x80, s14, s10, $0xb8;
	[tilespmem:$0x13A80] =	vst v63  }
0x33: {  	_ =	swait.ge [sflag:s5], $0x1800  }
0x34: {  	[sflag:s5] =	ssyncset.done $0x0  }
0x35: {  	[sflag:s5] =	ssyncadd.s32 $0xFFFFE800  }
0x36: {  	_ =	swait.ge [sflag:s9], $0x1800  }
0x37: {  	[sflag:s9] =	ssyncset.done $0x0  }
0x38: {  	[sflag:s9] =	ssyncadd.s32 $0xFFFFE800  }
0x39: {  	_ =	swait.ge [sflag:s8], $0x1800  }
0x3a: {  	[sflag:s8] =	ssyncset.done $0x0  }
0x3b: {  	[sflag:s8] =	ssyncadd.s32 $0xFFFFE800  }
0x3c: {  	_ =	swait.ge [sflag:s7], $0x1800  }
0x3d: {  	[sflag:s7] =	ssyncset.done $0x0  }
0x3e: {  	[sflag:s7] =	ssyncadd.s32 $0xFFFFE800  }
0x3f: {  	_ =	swait.ge [sflag:s5], $0x1800  }
0x40: {  	[sflag:s5] =	ssyncset.done $0x0  }
0x41: {  	[sflag:s5] =	ssyncadd.s32 $0xFFFFE800  }
0x42: {  	_ =	swait.ge [sflag:s9], $0x1800  }
0x43: {  	[sflag:s9] =	ssyncset.done $0x0  }
0x44: {  	[sflag:s9] =	ssyncadd.s32 $0xFFFFE800  }
0x45: {  	_ =	swait.ge [sflag:s8], $0x1800  }
0x46: {  	[sflag:s8] =	ssyncset.done $0x0  }
0x47: {  	[sflag:s8] =	ssyncadd.s32 $0xFFFFE800  }
0x48: {  	_ =	swait.ge [sflag:s7], $0x1800  }
0x49: {  	[sflag:s7] =	ssyncset.done $0x0  }
0x4a: {  	[sflag:s7] =	ssyncadd.s32 $0xFFFFE800  }
0x4b: {  	_ =	swait.ge [sflag:s5], $0x1800  }
0x4c: {  	[sflag:s5] =	ssyncset.done $0x0  }
0x4d: {  	[sflag:s5] =	ssyncadd.s32 $0xFFFFE800  }
0x4e: {  	_ =	swait.ge [sflag:s9], $0x1800  }
0x4f: {  	[sflag:s9] =	ssyncset.done $0x0  }
0x50: {  	[sflag:s9] =	ssyncadd.s32 $0xFFFFE800  }
0x51: {  	_ =	swait.ge [sflag:s8], $0x1800  }
0x52: {  	[sflag:s8] =	ssyncset.done $0x0  }
0x53: {  	[sflag:s8] =	ssyncadd.s32 $0xFFFFE800  }
0x54: {  	_ =	swait.ge [sflag:s7], $0x1800  }
0x55: {  	[sflag:s7] =	ssyncset.done $0x0  }
0x56: {  	[sflag:s7] =	ssyncadd.s32 $0xFFFFE800  }
0x57: {  	p1 =	sne.s32 s15, $0x1;
	_ =	swait.ge [sflag:s5], $0x1800  }
.Ltmp1:
0x58: {  	[sflag:s5] =	ssyncset.done $0x0;
	(pc) =	sbr.rel @!p1 .LBB2_3-.Ltmp1, $4  }
0x59: {  	s13 =	rddreg [dreg:$0x4];
	[sflag:s5] =	ssyncadd.s32 $0xFFFFE800  }
0x5a: {  	[hbm4b:s13+s2] =	stream.linear.scatter [tilespmem:s3], [sflag:$0x5], $0x13800, $0x38;
	[tilespmem:$0x13A80] =	vst v63  }
0x5b: {  	p0 =	por $0x1, $0x1;
	s1 =	sadd.s32 $0xFFFFFFFF, s15;
	_ =	swait.ge [sflag:s6], $0x13800  }
0x5c: {  	s15 =	simm.s32 $0x12280;
	s0 =	rddreg [dreg:$0x3];
	[sflag:s6] =	ssyncset.done $0x0  }
.LBB2_4:
0x5d: {  	[sflag:s6] =	ssyncadd.s32 $0xFFFEC800  }
0x5e: {  	[tilespmem:s2], [sflag:$0x6] =	stream.linear.gather [hbm4b:s0+s2], $0x270, $0x38;
	[tilespmem:$0x13A80] =	vst v63  }
0x5f: {  	_ =	swait.ge [sflag:s11], $0x270  }
0x60: {  	[sflag:s11] =	ssyncset.done $0x0  }
0x61: {  	s0 =	rddreg [dreg:$0x7];
	[sflag:s11] =	ssyncadd.s32 $0xFFFFFD90  }
0x62: {  	[tilespmem:s3], [sflag:$0x1] =	stream.indirect.gather [hbm4b:s4+s10], $0x80, s2, s10, $0xb8;
	[tilespmem:$0x13A80] =	vst v63  }
0x63: {  	s12 =	rddreg [dreg:$0x5]  }
0x64: {  	[tilespmem:s12], [sflag:$0x2] =	stream.indirect.gather [hbm4b:s4+s10], $0x80, s10, s10, $0xb8;
	[tilespmem:$0x13A80] =	vst v63  }
0x65: {  	s13 =	rddreg [dreg:$0x6]  }
0x66: {  	[tilespmem:s0], [sflag:$0x3] =	stream.indirect.gather [hbm4b:s4+s10], $0x80, s13, s10, $0xb8;
	[tilespmem:$0x13A80] =	vst v63  }
0x67: {  	s12 =	rddreg [dreg:$0x8];
	s13 =	simm.s32 $0x4A80  }
0x68: {  	[tilespmem:s13], [sflag:$0x4] =	stream.indirect.gather [hbm4b:s4+s10], $0x80, s12, s10, $0xb8;
	[tilespmem:$0x13A80] =	vst v63  }
0x69: {  	s12 =	simm.s32 $0xC0  }
0x6a: {  	[tilespmem:s16], [sflag:$0x1] =	stream.indirect.gather [hbm4b:s4+s10], $0x80, s12, s10, $0xb8;
	[tilespmem:$0x13A80] =	vst v63  }
0x6b: {  	_ = 	snop  }
0x6c: {  	[tilespmem:s18], [sflag:$0x2] =	stream.indirect.gather [hbm4b:s4+s10], $0x80, s17, s10, $0xb8;
	[tilespmem:$0x13A80] =	vst v63  }
0x6d: {  	_ = 	snop  }
0x6e: {  	[tilespmem:s20], [sflag:$0x3] =	stream.indirect.gather [hbm4b:s4+s10], $0x80, s19, s10, $0xb8;
	[tilespmem:$0x13A80] =	vst v63  }
0x6f: {  	_ = 	snop  }
0x70: {  	[tilespmem:s22], [sflag:$0x4] =	stream.indirect.gather [hbm4b:s4+s10], $0x80, s21, s10, $0xb8;
	[tilespmem:$0x13A80] =	vst v63  }
0x71: {  	_ = 	snop  }
0x72: {  	[tilespmem:s24], [sflag:$0x1] =	stream.indirect.gather [hbm4b:s4+s10], $0x80, s23, s10, $0xb8;
	[tilespmem:$0x13A80] =	vst v63  }
0x73: {  	_ = 	snop  }
0x74: {  	[tilespmem:s26], [sflag:$0x2] =	stream.indirect.gather [hbm4b:s4+s10], $0x80, s25, s10, $0xb8;
	[tilespmem:$0x13A80] =	vst v63  }
0x75: {  	_ = 	snop  }
0x76: {  	[tilespmem:s29], [sflag:$0x3] =	stream.indirect.gather [hbm4b:s4+s10], $0x80, s28, s10, $0xb8;
	[tilespmem:$0x13A80] =	vst v63  }
0x77: {  	_ = 	snop  }
0x78: {  	[tilespmem:s31], [sflag:$0x4] =	stream.indirect.gather [hbm4b:s4+s10], $0x80, s30, s10, $0xb8;
	[tilespmem:$0x13A80] =	vst v63  }
0x79: {  	_ = 	snop  }
0x7a: {  	[tilespmem:s15], [sflag:$0x1] =	stream.indirect.gather [hbm4b:s4+s10], $0x80, s14, s10, $0xb8;
	[tilespmem:$0x13A80] =	vst v63  }
0x7b: {  	_ =	swait.ge [sflag:s5], $0x1800  }
0x7c: {  	[sflag:s5] =	ssyncset.done $0x0  }
0x7d: {  	[sflag:s5] =	ssyncadd.s32 $0xFFFFE800  }
0x7e: {  	_ =	swait.ge [sflag:s9], $0x1800  }
0x7f: {  	[sflag:s9] =	ssyncset.done $0x0  }
0x80: {  	[sflag:s9] =	ssyncadd.s32 $0xFFFFE800  }
0x81: {  	_ =	swait.ge [sflag:s8], $0x1800  }
0x82: {  	[sflag:s8] =	ssyncset.done $0x0  }
0x83: {  	[sflag:s8] =	ssyncadd.s32 $0xFFFFE800  }
0x84: {  	_ =	swait.ge [sflag:s7], $0x1800  }
0x85: {  	[sflag:s7] =	ssyncset.done $0x0  }
0x86: {  	[sflag:s7] =	ssyncadd.s32 $0xFFFFE800  }
0x87: {  	_ =	swait.ge [sflag:s5], $0x1800  }
0x88: {  	[sflag:s5] =	ssyncset.done $0x0  }
0x89: {  	[sflag:s5] =	ssyncadd.s32 $0xFFFFE800  }
0x8a: {  	_ =	swait.ge [sflag:s9], $0x1800  }
0x8b: {  	[sflag:s9] =	ssyncset.done $0x0  }
0x8c: {  	[sflag:s9] =	ssyncadd.s32 $0xFFFFE800  }
0x8d: {  	_ =	swait.ge [sflag:s8], $0x1800  }
0x8e: {  	[sflag:s8] =	ssyncset.done $0x0  }
0x8f: {  	[sflag:s8] =	ssyncadd.s32 $0xFFFFE800  }
0x90: {  	_ =	swait.ge [sflag:s7], $0x1800  }
0x91: {  	[sflag:s7] =	ssyncset.done $0x0  }
0x92: {  	[sflag:s7] =	ssyncadd.s32 $0xFFFFE800  }
0x93: {  	_ =	swait.ge [sflag:s5], $0x1800  }
0x94: {  	[sflag:s5] =	ssyncset.done $0x0  }
0x95: {  	[sflag:s5] =	ssyncadd.s32 $0xFFFFE800  }
0x96: {  	_ =	swait.ge [sflag:s9], $0x1800  }
0x97: {  	[sflag:s9] =	ssyncset.done $0x0  }
0x98: {  	[sflag:s9] =	ssyncadd.s32 $0xFFFFE800  }
0x99: {  	_ =	swait.ge [sflag:s8], $0x1800  }
0x9a: {  	[sflag:s8] =	ssyncset.done $0x0  }
0x9b: {  	[sflag:s8] =	ssyncadd.s32 $0xFFFFE800  }
0x9c: {  	_ =	swait.ge [sflag:s7], $0x1800  }
0x9d: {  	[sflag:s7] =	ssyncset.done $0x0  }
0x9e: {  	[sflag:s7] =	ssyncadd.s32 $0xFFFFE800  }
0x9f: {  	p1 =	sne.s32 s1, $0x1;
	_ =	swait.ge [sflag:s5], $0x1800  }
.Ltmp2:
0xa0: {  	[sflag:s5] =	ssyncset.done $0x0;
	(pc) =	sbr.rel @p1 .LBB2_4-.Ltmp2, $4  }
0xa1: {  	s13 =	rddreg [dreg:$0x4];
	[sflag:s5] =	ssyncadd.s32 $0xFFFFE800  }
0xa2: {  	[hbm4b:s13+s2] =	stream.linear.scatter [tilespmem:s3], [sflag:$0x5], $0x13800, $0x38;
	[tilespmem:$0x13A80] =	vst v63  }
0xa3: {  	_ =	swait.ge [sflag:s6], $0x13800  }
0xa4: {  	s1 =	sadd.s32 $0xFFFFFFFF, s1;
	s0 =	rddreg [dreg:$0x3];
	[sflag:s6] =	ssyncset.done $0x0  }
0xa5: {  	s12 =	simm.s32 $0x240  }
0xa6: {  	s31 =	simm.s32 $0x10A80;
	s30 =	simm.s32 $0x210;
	s29 =	simm.s32 $0xF280  }
0xa7: {  	s28 =	simm.s32 $0x1E0;
	s26 =	simm.s32 $0xDA80;
	s25 =	simm.s32 $0x1B0  }
0xa8: {  	s24 =	simm.s32 $0xC280;
	s23 =	simm.s32 $0x180;
	s22 =	simm.s32 $0xAA80  }
0xa9: {  	s21 =	simm.s32 $0x150;
	s20 =	simm.s32 $0x9280;
	s19 =	simm.s32 $0x120  }
0xaa: {  	s18 =	simm.s32 $0x7A80;
	s17 =	simm.s32 $0xF0;
	s16 =	simm.s32 $0x6280  }
0xab: {  	s15 =	simm.s32 $0xC0;
	s14 =	simm.s32 $0x4A80;
	s13 =	rddreg [dreg:$0x2]  }
.LBB2_6:
0xac: {  	[sflag:s6] =	ssyncadd.s32 @p0 $0xFFFEC800  }
0xad: {  	[tilespmem:s2], [sflag:$0x6] =	stream.linear.gather [hbm4b:s0+s2], $0x270, $0x38;
	[tilespmem:$0x13A80] =	vst v63  }
0xae: {  	_ =	swait.ge [sflag:s11], $0x270  }
0xaf: {  	[sflag:s11] =	ssyncset.done $0x0  }
0xb0: {  	s0 =	rddreg [dreg:$0x5];
	[sflag:s11] =	ssyncadd.s32 $0xFFFFFD90  }
0xb1: {  	[tilespmem:s3], [sflag:$0x1] =	stream.indirect.gather [hbm4b:s4+s10], $0x80, s2, s10, $0xb8;
	[tilespmem:$0x13A80] =	vst v63  }
0xb2: {  	s1 =	rddreg [dreg:$0x7]  }
0xb3: {  	[tilespmem:s0], [sflag:$0x2] =	stream.indirect.gather [hbm4b:s4+s10], $0x80, s10, s10, $0xb8;
	[tilespmem:$0x13A80] =	vst v63  }
0xb4: {  	s11 =	rddreg [dreg:$0x6]  }
0xb5: {  	[tilespmem:s1], [sflag:$0x3] =	stream.indirect.gather [hbm4b:s4+s10], $0x80, s11, s10, $0xb8;
	[tilespmem:$0x13A80] =	vst v63  }
0xb6: {  	s0 =	rddreg [dreg:$0x8]  }
0xb7: {  	[tilespmem:s14], [sflag:$0x4] =	stream.indirect.gather [hbm4b:s4+s10], $0x80, s0, s10, $0xb8;
	[tilespmem:$0x13A80] =	vst v63  }
0xb8: {  	_ = 	snop  }
0xb9: {  	[tilespmem:s16], [sflag:$0x1] =	stream.indirect.gather [hbm4b:s4+s10], $0x80, s15, s10, $0xb8;
	[tilespmem:$0x13A80] =	vst v63  }
0xba: {  	_ = 	snop  }
0xbb: {  	[tilespmem:s18], [sflag:$0x2] =	stream.indirect.gather [hbm4b:s4+s10], $0x80, s17, s10, $0xb8;
	[tilespmem:$0x13A80] =	vst v63  }
0xbc: {  	_ = 	snop  }
0xbd: {  	[tilespmem:s20], [sflag:$0x3] =	stream.indirect.gather [hbm4b:s4+s10], $0x80, s19, s10, $0xb8;
	[tilespmem:$0x13A80] =	vst v63  }
0xbe: {  	_ = 	snop  }
0xbf: {  	[tilespmem:s22], [sflag:$0x4] =	stream.indirect.gather [hbm4b:s4+s10], $0x80, s21, s10, $0xb8;
	[tilespmem:$0x13A80] =	vst v63  }
0xc0: {  	_ = 	snop  }
0xc1: {  	[tilespmem:s24], [sflag:$0x1] =	stream.indirect.gather [hbm4b:s4+s10], $0x80, s23, s10, $0xb8;
	[tilespmem:$0x13A80] =	vst v63  }
0xc2: {  	_ = 	snop  }
0xc3: {  	[tilespmem:s26], [sflag:$0x2] =	stream.indirect.gather [hbm4b:s4+s10], $0x80, s25, s10, $0xb8;
	[tilespmem:$0x13A80] =	vst v63  }
0xc4: {  	_ = 	snop  }
0xc5: {  	[tilespmem:s29], [sflag:$0x3] =	stream.indirect.gather [hbm4b:s4+s10], $0x80, s28, s10, $0xb8;
	[tilespmem:$0x13A80] =	vst v63  }
0xc6: {  	_ = 	snop  }
0xc7: {  	[tilespmem:s31], [sflag:$0x4] =	stream.indirect.gather [hbm4b:s4+s10], $0x80, s30, s10, $0xb8;
	[tilespmem:$0x13A80] =	vst v63  }
0xc8: {  	s29 =	simm.s32 $0x12280  }
0xc9: {  	[tilespmem:s29], [sflag:$0x1] =	stream.indirect.gather [hbm4b:s4+s10], $0x80, s12, s10, $0xb8;
	[tilespmem:$0x13A80] =	vst v63  }
0xca: {  	_ =	swait.ge [sflag:s5], $0x1800  }
0xcb: {  	[sflag:s5] =	ssyncset.done $0x0  }
0xcc: {  	[sflag:s5] =	ssyncadd.s32 $0xFFFFE800  }
0xcd: {  	_ =	swait.ge [sflag:s9], $0x1800  }
0xce: {  	[sflag:s9] =	ssyncset.done $0x0  }
0xcf: {  	[sflag:s9] =	ssyncadd.s32 $0xFFFFE800  }
0xd0: {  	_ =	swait.ge [sflag:s8], $0x1800  }
0xd1: {  	[sflag:s8] =	ssyncset.done $0x0  }
0xd2: {  	[sflag:s8] =	ssyncadd.s32 $0xFFFFE800  }
0xd3: {  	_ =	swait.ge [sflag:s7], $0x1800  }
0xd4: {  	[sflag:s7] =	ssyncset.done $0x0  }
0xd5: {  	[sflag:s7] =	ssyncadd.s32 $0xFFFFE800  }
0xd6: {  	_ =	swait.ge [sflag:s5], $0x1800  }
0xd7: {  	[sflag:s5] =	ssyncset.done $0x0  }
0xd8: {  	[sflag:s5] =	ssyncadd.s32 $0xFFFFE800  }
0xd9: {  	_ =	swait.ge [sflag:s9], $0x1800  }
0xda: {  	[sflag:s9] =	ssyncset.done $0x0  }
0xdb: {  	[sflag:s9] =	ssyncadd.s32 $0xFFFFE800  }
0xdc: {  	_ =	swait.ge [sflag:s8], $0x1800  }
0xdd: {  	[sflag:s8] =	ssyncset.done $0x0  }
0xde: {  	[sflag:s8] =	ssyncadd.s32 $0xFFFFE800  }
0xdf: {  	_ =	swait.ge [sflag:s7], $0x1800  }
0xe0: {  	[sflag:s7] =	ssyncset.done $0x0  }
0xe1: {  	[sflag:s7] =	ssyncadd.s32 $0xFFFFE800  }
0xe2: {  	_ =	swait.ge [sflag:s5], $0x1800  }
0xe3: {  	[sflag:s5] =	ssyncset.done $0x0  }
0xe4: {  	[sflag:s5] =	ssyncadd.s32 $0xFFFFE800  }
0xe5: {  	_ =	swait.ge [sflag:s9], $0x1800  }
0xe6: {  	[sflag:s9] =	ssyncset.done $0x0  }
0xe7: {  	[sflag:s9] =	ssyncadd.s32 $0xFFFFE800  }
0xe8: {  	_ =	swait.ge [sflag:s8], $0x1800  }
0xe9: {  	[sflag:s8] =	ssyncset.done $0x0  }
0xea: {  	[sflag:s8] =	ssyncadd.s32 $0xFFFFE800  }
0xeb: {  	_ =	swait.ge [sflag:s7], $0x1800  }
0xec: {  	[sflag:s7] =	ssyncset.done $0x0  }
0xed: {  	[sflag:s7] =	ssyncadd.s32 $0xFFFFE800  }
0xee: {  	_ =	swait.ge [sflag:s5], $0x1800  }
0xef: {  	[sflag:s5] =	ssyncset.done $0x0  }
0xf0: {  	s30 =	rddreg [dreg:$0x4];
	[sflag:s5] =	ssyncadd.s32 $0xFFFFE800  }
0xf1: {  	[hbm4b:s30+s2] =	stream.linear.scatter [tilespmem:s3], [sflag:$0x5], $0x13800, $0x38;
	[tilespmem:$0x13A80] =	vst v63  }
0xf2: {  	_ =	swait.ge [sflag:s6], $0x13800  }
0xf3: {  	[sflag:s6] =	ssyncset.done $0x0  }
0xf4: {  	[sflag:s6] =	ssyncadd.s32 $0xFFFEC800  }
0xf5: {  	_ =	sfence.sel $0x180000  }
0xf6: {  	s31 =	stileid.u32;
	[bflag:$0x0] =	sbarrier.arrive $0xFFFF  }
0xf7: {  	p0 =	sne.s32 s31, $0x0;
	_ =	strace $0x90000050  }
0xf8: {  	s0 =	sadd.s32 @!p0 $0x100000, s13;
	[bflag:$0x2] =	sbarrier.arrive $0xFFFF  }
0xf9: {  	[sflag:s0] =	ssyncadd.tile.s32 @!p0 $0x1;
	_ =	shalt  }
.LBB2_1:
0xfa: {  	s12 =	simm.s32 $0x240  }
0xfb: {  	s31 =	simm.s32 $0x10A80;
	s30 =	simm.s32 $0x210;
	s29 =	simm.s32 $0xF280  }
.Ltmp3:
0xfc: {  	s28 =	simm.s32 $0x1E0;
	s26 =	simm.s32 $0xDA80;
	(pc) =	sbr.rel .LBB2_6-.Ltmp3, $4  }
0xfd: {  	s25 =	simm.s32 $0x1B0;
	s24 =	simm.s32 $0xC280;
	s23 =	simm.s32 $0x180  }
0xfe: {  	s22 =	simm.s32 $0xAA80;
	s21 =	simm.s32 $0x150;
	s20 =	simm.s32 $0x9280  }
0xff: {  	s19 =	simm.s32 $0x120;
	s18 =	simm.s32 $0x7A80;
	s17 =	simm.s32 $0xF0  }
0x100: {  	s16 =	simm.s32 $0x6280;
	s15 =	simm.s32 $0xC0;
	s14 =	simm.s32 $0x4A80  }
.LBB2_3:
0x101: {  	s12 =	simm.s32 $0x240;
	s31 =	simm.s32 $0x10A80  }
0x102: {  	s30 =	simm.s32 $0x210;
	s29 =	simm.s32 $0xF280;
	s28 =	simm.s32 $0x1E0  }
.Ltmp4:
0x103: {  	s26 =	simm.s32 $0xDA80;
	s25 =	simm.s32 $0x1B0;
	(pc) =	sbr.rel .LBB2_6-.Ltmp4, $4  }
0x104: {  	s24 =	simm.s32 $0xC280;
	s23 =	simm.s32 $0x180;
	s22 =	simm.s32 $0xAA80  }
0x105: {  	s21 =	simm.s32 $0x150;
	s20 =	simm.s32 $0x9280;
	s19 =	simm.s32 $0x120  }
0x106: {  	s18 =	simm.s32 $0x7A80;
	s17 =	simm.s32 $0xF0;
	s16 =	simm.s32 $0x6280  }
0x107: {  	s15 =	simm.s32 $0xC0;
	s14 =	simm.s32 $0x4A80;
	s13 =	rddreg [dreg:$0x2]  }
.Lfunc_end2:
_tile_overlayer_lowered:
.L_overlay_start_2:
0x108: {  	(tag) =	ssettag $0x2  }
0x109: {  	s0 =	rddreg [dreg:$0x0];
	s2 =	stileid.u32  }
0x10a: {  	s1 =	rddreg [dreg:$0x1];
	p0 =	sne.s32 s2, $0x0  }
0x10b: {  	s3 =	rddreg [dreg:$0x2];
	[bflag:$0x3] =	sbarrier.arrive $0xFFFF;
	s2 =	simm.s32 @!p0 $0x1C06  }
0x10c: {  	[timem:s3], [sflag:s2] =	dma.local @!p0 [hbm:s0], s1  }
0x10d: {  	s0 =	simm.s32 @!p0 $0x6  }
0x10e: {  	_ =	swait.ge @!p0 [sflag:s0], s1  }
0x10f: {  	s1 =	ssub.s32 @!p0 $0x0, s1;
	[sflag:s0] =	ssyncset.done @!p0 $0x0  }
0x110: {  	[sflag:s0] =	ssyncadd.s32 @!p0 s1  }
0x111: {  	[bflag:$0x3] =	sbarrier.arrive $0xFFFF  }
0x112: {  	_ =	shalt  }

// kernel: kernel.17.cloned.1.call-start
scs
__scs_entry_jumppad:
0x0: {  	(pc) =	sbr.rel $0x88, $3  }
0x1: {  	(tag) =	ssettag $0x0;
	lr =	simm.s32 $0x1  }
0x2: {  	[smem:$0x3F90] =	sst lr;
	_ =	strace $0xD0000000  }
0x3: {  	_ = 	snop  }
0x4: {  	_ = 	snop  }
0x5: {  	_ = 	snop  }
0x6: {  	_ = 	snop  }
0x7: {  	_ = 	snop  }
__scs_overlays_trampoline_lowered:
0x8: {  	[smem:$0x3F9F] =	sst s0  }
0x9: {  	[smem:$0x3FA0] =	sst s1  }
0xa: {  	[smem:$0x3FA1] =	sst s2  }
0xb: {  	[smem:$0x3FA2] =	sst s3  }
0xc: {  	[smem:$0x3FA3] =	sst s4  }
0xd: {  	[smem:$0x3FA4] =	sst s5  }
0xe: {  	[smem:$0x3FA5] =	sst s6  }
0xf: {  	[smem:$0x3FA6] =	sst s7  }
0x10: {  	[smem:$0x3FA7] =	sst s8  }
0x11: {  	[smem:$0x3FA8] =	sst s9;
	s0 =	simm.s32 @!p0 $0x0  }
0x12: {  	s1 =	sld [smem:$0x3F8E];
	s0 =	simm.s32 @p0 $0x1  }
0x13: {  	[smem:$0x3FA9] =	sst s0;
	s0 =	simm.s32 @!p1 $0x0  }
0x14: {  	s2 =	sld [smem:$0x3F8D];
	s0 =	simm.s32 @p1 $0x1  }
0x15: {  	[smem:$0x3FAA] =	sst s0;
	s0 =	simm.s32 @!p2 $0x0  }
0x16: {  	s3 =	sld [smem:$0x3FDB];
	s0 =	simm.s32 @p2 $0x1  }
0x17: {  	s4 =	simm.s32 $0x1BF5;
	[smem:$0x3FAC] =	sst s0  }
0x18: {  	s0 =	sld [smem:$0x3F8F];
	_ =	swait.ge [sflag:s4], $0x0  }
0x19: {  	s7 =	sld [smem:$0x3F90]  }
0x1a: {  	s8 =	sadd.s32 $0xFFFFE003, lr  }
0x1b: {  	s9 =	sadd.s32 $0xFFFFFEF7, lr;
	s5 =	simm.s32 $0xFFFFFFFF;
	p2 =	slt.u32 s8, $0xFFFFF086  }
0x1c: {  	p1 =	slt.u32 s9, $0xF7A;
	s5 =	simm.s32 @!p2 $0x0  }
0x1d: {  	s5 =	simm.s32 @p1 $0x1;
	p0 =	seq.s32 s7, s2  }
0x1e: {  	s7 =	smul.u32 @!p0 $0xF7A, s2;
	p2 =	seq.s32 @!p0 s5, $0x0  }
0x1f: {  	s9 =	smul.u32 $0xF7A, s1;
	s8 =	simm.s32 @!p0 $0x1BF5;
	p2 =	por !p2, p0  }
0x20: {  	[sflag:s8] =	ssyncset.s32 @!p0 $0xFFFFF086;
	s6 =	sadd.s32 @!p0 s3, s7;
	s7 =	simm.s32 @!p0 $0x108  }
0x21: {  	s3 =	sadd.s32 s3, s9;
	s6 =	sadd.s32 @!p0 $0x88, s6;
	s7 =	simm.s32 @p2 $0x1082  }
0x22: {  	[simem:s7], [sflag:s8] =	dma.local @!p0 [hbm:s6], $0xF7A  }
0x23: {  	s9 =	sor.u32 $0xD0000000, s2;
	s6 =	simm.s32 $0x108;
	_ =	swait.ge @!p0 [sflag:s8], $0x0  }
0x24: {  	s3 =	sadd.s32 $0x88, s3;
	s6 =	simm.s32 @!p1 $0x1082;
	[sflag:s4] =	ssyncset.s32 $0xFFFFF086  }
0x25: {  	[simem:s6], [sflag:s4] =	dma.local [hbm:s3], $0xF7A  }
0x26: {  	[smem:$0x3F90] =	sst s1;
	(tag) =	ssettag s2;
	_ =	strace s9  }
0x27: {  	s1 =	sld [smem:$0x3FA0]  }
0x28: {  	s2 =	sld [smem:$0x3FA1]  }
0x29: {  	s4 =	sld [smem:$0x3FA3]  }
0x2a: {  	p0 =	seq.s32 s5, $0x0;
	s5 =	sld [smem:$0x3FA4]  }
0x2b: {  	s6 =	sld [smem:$0x3FA5]  }
0x2c: {  	s7 =	sld [smem:$0x3FA6]  }
0x2d: {  	s3 =	simm.s32 $0x108;
	s8 =	sld [smem:$0x3FA7]  }
0x2e: {  	s3 =	simm.s32 @!p0 $0x1082;
	s9 =	sld [smem:$0x3FA8]  }
0x2f: {  	lr =	sadd.s32 s0, s3;
	s0 =	sld [smem:$0x3F9F]  }
0x30: {  	s3 =	sld [smem:$0x3FA2]  }
0x31: {  	[smem:$0x3FAB] =	sst s10  }
0x32: {  	s10 =	sld [smem:$0x3FA9];
	_ =	sdelay $0x3  }
0x33: {  	p0 =	seq.s32 s10, $0x1;
	s10 =	sld [smem:$0x3FAB];
	_ =	sdelay $0x3  }
0x34: {  	[smem:$0x3FAB] =	sst s10  }
0x35: {  	s10 =	sld [smem:$0x3FAA];
	_ =	sdelay $0x3  }
0x36: {  	p1 =	seq.s32 s10, $0x1;
	s10 =	sld [smem:$0x3FAB];
	_ =	sdelay $0x3  }
0x37: {  	[smem:$0x3FAB] =	sst s10  }
0x38: {  	s10 =	sld [smem:$0x3FAC]  }
0x39: {  	_ = 	snop;
	(pc) =	sbr.ind lr, $3  }
0x3a: {  	_ = 	snop  }
0x3b: {  	_ = 	snop  }
0x3c: {  	p2 =	seq.s32 s10, $0x1;
	s10 =	sld [smem:$0x3FAB]  }
0x3d: {  	_ =	shalt  }
0x3e: {  	_ =	shalt  }
0x3f: {  	_ =	shalt  }
0x40: {  	_ =	shalt  }
0x41: {  	_ =	shalt  }
0x42: {  	_ =	shalt  }
0x43: {  	_ =	shalt  }
0x44: {  	_ =	shalt  }
0x45: {  	_ =	shalt  }
0x46: {  	_ =	shalt  }
0x47: {  	_ =	shalt  }
0x48: {  	_ =	shalt  }
0x49: {  	_ =	shalt  }
0x4a: {  	_ =	shalt  }
0x4b: {  	_ =	shalt  }
0x4c: {  	_ =	shalt  }
0x4d: {  	_ =	shalt  }
0x4e: {  	_ =	shalt  }
0x4f: {  	_ =	shalt  }
0x50: {  	_ =	shalt  }
0x51: {  	_ =	shalt  }
0x52: {  	_ =	shalt  }
0x53: {  	_ =	shalt  }
0x54: {  	_ =	shalt  }
0x55: {  	_ =	shalt  }
0x56: {  	_ =	shalt  }
0x57: {  	_ =	shalt  }
0x58: {  	_ =	shalt  }
0x59: {  	_ =	shalt  }
0x5a: {  	_ =	shalt  }
0x5b: {  	_ =	shalt  }
0x5c: {  	_ =	shalt  }
0x5d: {  	_ =	shalt  }
0x5e: {  	_ =	shalt  }
0x5f: {  	_ =	shalt  }
0x60: {  	_ =	shalt  }
0x61: {  	_ =	shalt  }
0x62: {  	_ =	shalt  }
0x63: {  	_ =	shalt  }
0x64: {  	_ =	shalt  }
0x65: {  	_ =	shalt  }
0x66: {  	_ =	shalt  }
0x67: {  	_ =	shalt  }
0x68: {  	_ =	shalt  }
0x69: {  	_ =	shalt  }
0x6a: {  	_ =	shalt  }
0x6b: {  	_ =	shalt  }
0x6c: {  	_ =	shalt  }
0x6d: {  	_ =	shalt  }
0x6e: {  	_ =	shalt  }
0x6f: {  	_ =	shalt  }
0x70: {  	_ =	shalt  }
0x71: {  	_ =	shalt  }
0x72: {  	_ =	shalt  }
0x73: {  	_ =	shalt  }
0x74: {  	_ =	shalt  }
0x75: {  	_ =	shalt  }
0x76: {  	_ =	shalt  }
0x77: {  	_ =	shalt  }
0x78: {  	_ =	shalt  }
0x79: {  	_ =	shalt  }
0x7a: {  	_ =	shalt  }
0x7b: {  	_ =	shalt  }
0x7c: {  	_ =	shalt  }
0x7d: {  	_ =	shalt  }
0x7e: {  	_ =	shalt  }
0x7f: {  	_ =	shalt  }
0x80: {  	_ =	shalt  }
0x81: {  	_ =	shalt  }
0x82: {  	_ =	shalt  }
0x83: {  	_ =	shalt  }
0x84: {  	_ =	shalt  }
0x85: {  	_ =	shalt  }
0x86: {  	_ =	shalt  }
0x87: {  	_ =	shalt  }
.Lfunc_end0:
.L_simem_size_0:
called_computation.5_lowered:
.L_overlay_start_0:
0x88: {  	s2 =	sld [smem:$0x3FD9]  }
0x89: {  	s3 =	sld [smem:$0x3FFE];
	_ =	sdelay $0x1  }
0x8a: {  	s1 =	srdreg.scid  }
0x8b: {  	s0 =	sand.u32 $0x1, s1  }
0x8c: {  	s17 =	sshll.u32 s0, $0xA;
	s2 =	sadd.s32 s3, s2  }
0x8d: {  	s2 =	sadd.s32 s2, s17  }
0x8e: {  	[smem:$0x3FB7] =	sst s2  }
0x8f: {  	_ = 	snop  }
0x90: {  	s2 =	sld [smem:$0x3FD0];
	(tm) =	ssettm $0x1  }
0x91: {  	s18 =	sld [smem:$0x3FFB];
	_ =	sdelay $0x3  }
0x92: {  	_ =	strace s18  }
0x93: {  	s3 =	sld [smem:$0x3FFC];
	_ =	sdelay $0x3  }
0x94: {  	_ =	strace s3  }
0x95: {  	s3 =	sld [smem:$0x3FFD];
	_ =	sdelay $0x3  }
0x96: {  	_ =	strace s3  }
0x97: {  	_ =	strace $0x8FFFFFFF  }
0x98: {  	s19 =	sld [smem:$0x3FDB];
	_ =	sdelay $0x1  }
0x99: {  	s4 =	simm.s32 $_scs_section_size  }
0x9a: {  	s5 =	simm.s32 $_size__tile_overlayer_lowered;
	s6 =	simm.s32 $_tile_overlayer_lowered  }
0x9b: {  	s22 =	simm.s32 $0x1BFF;
	s21 =	sshll.u32 s6, $0x1;
	s3 =	sadd.s32 s4, s19  }
0x9c: {  	s7 =	simm.s32 $0x0;
	s20 =	sshll.u32 s5, $0x1;
	s5 =	sadd.s32 s21, s3  }
0x9d: {  	[timem:s7], [sflag:s22] =	dma.local [hbm:s5], s20  }
0x9e: {  	_ =	swait.ge [sflag:s22], s20  }
0x9f: {  	s4 =	ssub.s32 $0x0, s20;
	[sflag:s22] =	ssyncset.done $0x0  }
0xa0: {  	[sflag:s22] =	ssyncadd.s32 s4;
	_ =	sdelay $0x1  }
0xa1: {  	s23 =	simm.s32 $0x1B8B  }
0xa2: {  	_ =	swait.ge [sflag:s23], $0x1  }
0xa3: {  	[sflag:s23] =	ssyncset.done $0x0  }
0xa4: {  	s25 =	simm.s32 $0x1B8E;
	s24 =	sld [smem:$0x3FFE];
	[sflag:s23] =	ssyncadd.s32 $0xFFFFFFFF  }
0xa5: {  	s26 =	simm.s32 $execute0_lowered;
	[smem:$0x3FD2] =	sst s25  }
0xa6: {  	s5 =	sshll.u32 s26, $0x1;
	_ =	strace $0x80000055;
	[dreg:$0x1] =	wrdreg $0xFFFFFFFF  }
0xa7: {  	s28 =	simm.s32 $_size_execute0_lowered;
	s3 =	sadd.s32 s3, s5;
	[dreg:$0x0] =	wrdreg $0x0  }
0xa8: {  	s5 =	sshll.u32 s28, $0x1;
	[dreg:$0x2] =	wrdreg s3  }
0xa9: {  	[dreg:$0x3] =	wrdreg s5  }
0xaa: {  	[dreg:$0x4] =	wrdreg $0xC0  }
0xab: {  	_ =	task [dreg:s7], $0x5FFFF  }
0xac: {  	[dreg:$0x1] =	wrdreg $0xFFFFFFFF  }
0xad: {  	[dreg:$0x0] =	wrdreg $0x60  }
0xae: {  	[dreg:$0x2] =	wrdreg s24  }
0xaf: {  	[dreg:$0x3] =	wrdreg s2  }
0xb0: {  	[dreg:$0x4] =	wrdreg $0x9  }
0xb1: {  	_ =	task.clear_ibuf [dreg:s7], $0x5FFFF;
	_ =	strace $0x90000055  }
0xb2: {  	s29 =	simm.s32 $0x9;
	_ =	strace $0x80000057  }
0xb3: {  	_ =	swait.ge [sflag:s29], $0x1  }
0xb4: {  	[sflag:s29] =	ssyncadd.s32 $0xFFFFFFFF  }
0xb5: {  	_ =	strace $0x90000057  }
0xb6: {  	_ =	sfence  }
0xb7: {  	s30 =	sld [smem:$0x0];
	_ =	sdelay $0x2  }
0xb8: {  	s31 =	sshll.u32 s1, $0xD;
	s1 =	sshrl.u32 s1, $0x2  }
0xb9: {  	s3 =	sand.u32 $0x4000, s31;
	s1 =	sadd.s32 s1, s30  }
0xba: {  	s0 =	sor.u32 s3, s0;
	s1 =	sshll.u32 s1, $0x11  }
0xbb: {  	s0 =	sor.u32 s1, s0  }
0xbc: {  	s0 =	sadd.s32 $0x8F2B, s0  }
0xbd: {  	[sflag:s0] =	ssyncadd.remote.s32 $0x1  }
0xbe: {  	_ =	sfence.sel $0xFFFF  }
0xbf: {  	[dreg:$0x0] =	wrdreg $0xFFFFFFFF;
	(pc) =	sbr.abs _section_cstart, $3  }
0xc0: {  	[dreg:$0x1] =	wrdreg $0xFFFFFFFF  }
0xc1: {  	_ =	task.clear_ibuf [dreg:s7], $0x2FFFF;
	_ =	strace $0x9FFFFFFF  }
0xc2: {  	(tm) =	ssettm $0x7FFFFFFF  }
0xc3: {  	_ =	shalt  }
tec
execute0_lowered:
.L_overlay_start_1:
0x0: {  	(tag) =	ssettag $0x1  }
0x1: {  	s4 =	rddreg [dreg:$0x0];
	s2 =	stileid.u32  }
0x2: {  	s8 =	rddreg [dreg:$0x1];
	s3 =	sshll.u32 s2, $0xA;
	s2 =	simm.s32 $0x0  }
0x3: {  	s10 =	simm.s32 $0x1200;
	[smem:$0x7FF] =	sst s2  }
0x4: {  	s11 =	simm.s32 $0x40;
	_ =	strace $0x80000056;
	[dreg:$0x5] =	wrdreg s10  }
0x5: {  	s12 =	simm.s32 $0x2200;
	[dreg:$0x6] =	wrdreg s11  }
0x6: {  	s13 =	simm.s32 $0x60;
	[dreg:$0x7] =	wrdreg s12  }
0x7: {  	s0 =	srdreg.scid;
	s14 =	simm.s32 $0x3200;
	[dreg:$0x8] =	wrdreg s13  }
0x8: {  	s15 =	simm.s32 $0x80;
	s16 =	simm.s32 $0x4200;
	[dreg:$0x9] =	wrdreg s14  }
0x9: {  	s17 =	simm.s32 $0xA0;
	s1 =	sand.u32 $0x1, s0;
	[dreg:$0xa] =	wrdreg s15  }
0xa: {  	s18 =	simm.s32 $0x5200;
	s5 =	sshll.u32 s1, $0x9;
	[dreg:$0xb] =	wrdreg s16  }
0xb: {  	s20 =	simm.s32 $0xC0;
	s3 =	sor.u32 s5, s3;
	[dreg:$0xc] =	wrdreg s17  }
0xc: {  	[dreg:$0xd] =	wrdreg s18;
	s5 =	sshll.u32 s3, $0x4;
	s3 =	sshrl.u32 s3, $0x3  }
0xd: {  	[dreg:$0xe] =	wrdreg s20;
	s5 =	sadd.s32 s5, s4;
	s0 =	sadd.s32 s8, s3  }
0xe: {  	[dreg:$0x3] =	wrdreg s0;
	s9 =	sadd.s32 $0x4400, s5  }
0xf: {  	[dreg:$0x4] =	wrdreg s9  }
0x10: {  	s3 =	simm.s32 $0x6;
	s19 =	rddreg [dreg:$0x3]  }
0x11: {  	[tilespmem:s2], [sflag:$0x6] =	stream.linear.gather [hbm4b:s19+s2], $0x200, $0x38;
	[tilespmem:$0x10200] =	vst v63  }
0x12: {  	_ =	swait.ge [sflag:s3], $0x200  }
0x13: {  	s21 =	rddreg [dreg:$0xd]  }
0x14: {  	s6 =	simm.s32 $0x200;
	s7 =	rddreg [dreg:$0xb]  }
0x15: {  	s4 =	sadd.s32 $0x46800, s4;
	s8 =	rddreg [dreg:$0x6];
	[sflag:s3] =	ssyncset.done $0x0  }
0x16: {  	s5 =	simm.s32 $0x20;
	s9 =	rddreg [dreg:$0x5];
	[sflag:s3] =	ssyncadd.s32 $0xFFFFFE00  }
0x17: {  	[tilespmem:s6], [sflag:$0x1] =	stream.indirect.gather [hbm4b:s4+s5], $0x80, s2, s5, $0xb8;
	[tilespmem:$0x10200] =	vst v63  }
0x18: {  	s10 =	rddreg [dreg:$0x7]  }
0x19: {  	[tilespmem:s9], [sflag:$0x2] =	stream.indirect.gather [hbm4b:s4+s5], $0x80, s5, s5, $0xb8;
	[tilespmem:$0x10200] =	vst v63  }
0x1a: {  	s11 =	rddreg [dreg:$0x9]  }
0x1b: {  	[tilespmem:s10], [sflag:$0x3] =	stream.indirect.gather [hbm4b:s4+s5], $0x80, s8, s5, $0xb8;
	[tilespmem:$0x10200] =	vst v63  }
0x1c: {  	s22 =	rddreg [dreg:$0x8]  }
0x1d: {  	[tilespmem:s11], [sflag:$0x4] =	stream.indirect.gather [hbm4b:s4+s5], $0x80, s22, s5, $0xb8;
	[tilespmem:$0x10200] =	vst v63  }
0x1e: {  	s23 =	rddreg [dreg:$0xa]  }
0x1f: {  	[tilespmem:s7], [sflag:$0x1] =	stream.indirect.gather [hbm4b:s4+s5], $0x80, s23, s5, $0xb8;
	[tilespmem:$0x10200] =	vst v63  }
0x20: {  	s24 =	rddreg [dreg:$0xc]  }
0x21: {  	[tilespmem:s21], [sflag:$0x2] =	stream.indirect.gather [hbm4b:s4+s5], $0x80, s24, s5, $0xb8;
	[tilespmem:$0x10200] =	vst v63  }
0x22: {  	s26 =	simm.s32 $0x6200;
	s25 =	rddreg [dreg:$0xe]  }
0x23: {  	[tilespmem:s26], [sflag:$0x3] =	stream.indirect.gather [hbm4b:s4+s5], $0x80, s25, s5, $0xb8;
	[tilespmem:$0x10200] =	vst v63  }
0x24: {  	s8 =	simm.s32 $0x7200;
	s7 =	simm.s32 $0xE0  }
0x25: {  	[tilespmem:s8], [sflag:$0x4] =	stream.indirect.gather [hbm4b:s4+s5], $0x80, s7, s5, $0xb8;
	[tilespmem:$0x10200] =	vst v63  }
0x26: {  	s9 =	simm.s32 $0x100;
	s10 =	simm.s32 $0x8200  }
0x27: {  	[tilespmem:s10], [sflag:$0x1] =	stream.indirect.gather [hbm4b:s4+s5], $0x80, s9, s5, $0xb8;
	[tilespmem:$0x10200] =	vst v63  }
0x28: {  	s12 =	simm.s32 $0x120;
	s13 =	simm.s32 $0x9200  }
0x29: {  	[tilespmem:s13], [sflag:$0x2] =	stream.indirect.gather [hbm4b:s4+s5], $0x80, s12, s5, $0xb8;
	[tilespmem:$0x10200] =	vst v63  }
0x2a: {  	s14 =	simm.s32 $0x140;
	s15 =	simm.s32 $0xA200  }
0x2b: {  	[tilespmem:s15], [sflag:$0x3] =	stream.indirect.gather [hbm4b:s4+s5], $0x80, s14, s5, $0xb8;
	[tilespmem:$0x10200] =	vst v63  }
0x2c: {  	s16 =	simm.s32 $0x160;
	s17 =	simm.s32 $0xB200  }
0x2d: {  	[tilespmem:s17], [sflag:$0x4] =	stream.indirect.gather [hbm4b:s4+s5], $0x80, s16, s5, $0xb8;
	[tilespmem:$0x10200] =	vst v63  }
0x2e: {  	s18 =	simm.s32 $0x180;
	s19 =	simm.s32 $0xC200  }
0x2f: {  	[tilespmem:s19], [sflag:$0x1] =	stream.indirect.gather [hbm4b:s4+s5], $0x80, s18, s5, $0xb8;
	[tilespmem:$0x10200] =	vst v63  }
0x30: {  	s20 =	simm.s32 $0x1A0;
	s21 =	simm.s32 $0xD200  }
0x31: {  	[tilespmem:s21], [sflag:$0x2] =	stream.indirect.gather [hbm4b:s4+s5], $0x80, s20, s5, $0xb8;
	[tilespmem:$0x10200] =	vst v63  }
0x32: {  	s22 =	simm.s32 $0x1C0;
	s23 =	simm.s32 $0xE200  }
0x33: {  	[tilespmem:s23], [sflag:$0x3] =	stream.indirect.gather [hbm4b:s4+s5], $0x80, s22, s5, $0xb8;
	[tilespmem:$0x10200] =	vst v63  }
0x34: {  	s24 =	simm.s32 $0x1E0;
	s25 =	simm.s32 $0xF200;
	s26 =	simm.s32 $0x1  }
0x35: {  	[tilespmem:s25], [sflag:$0x4] =	stream.indirect.gather [hbm4b:s4+s5], $0x80, s24, s5, $0xb8;
	[tilespmem:$0x10200] =	vst v63  }
0x36: {  	_ =	swait.ge [sflag:s26], $0x1000  }
0x37: {  	[sflag:s26] =	ssyncset.done $0x0  }
0x38: {  	s28 =	simm.s32 $0x2;
	[sflag:s26] =	ssyncadd.s32 $0xFFFFF000  }
0x39: {  	_ =	swait.ge [sflag:s28], $0x1000  }
0x3a: {  	[sflag:s28] =	ssyncset.done $0x0  }
0x3b: {  	s29 =	simm.s32 $0x3;
	[sflag:s28] =	ssyncadd.s32 $0xFFFFF000  }
0x3c: {  	_ =	swait.ge [sflag:s29], $0x1000  }
0x3d: {  	[sflag:s29] =	ssyncset.done $0x0  }
0x3e: {  	s30 =	simm.s32 $0x4;
	[sflag:s29] =	ssyncadd.s32 $0xFFFFF000  }
0x3f: {  	_ =	swait.ge [sflag:s30], $0x1000  }
0x40: {  	[sflag:s30] =	ssyncset.done $0x0  }
0x41: {  	[sflag:s30] =	ssyncadd.s32 $0xFFFFF000  }
0x42: {  	_ =	swait.ge [sflag:s26], $0x1000  }
0x43: {  	[sflag:s26] =	ssyncset.done $0x0  }
0x44: {  	[sflag:s26] =	ssyncadd.s32 $0xFFFFF000  }
0x45: {  	_ =	swait.ge [sflag:s28], $0x1000  }
0x46: {  	[sflag:s28] =	ssyncset.done $0x0  }
0x47: {  	[sflag:s28] =	ssyncadd.s32 $0xFFFFF000  }
0x48: {  	_ =	swait.ge [sflag:s29], $0x1000  }
0x49: {  	[sflag:s29] =	ssyncset.done $0x0  }
0x4a: {  	[sflag:s29] =	ssyncadd.s32 $0xFFFFF000  }
0x4b: {  	_ =	swait.ge [sflag:s30], $0x1000  }
0x4c: {  	[sflag:s30] =	ssyncset.done $0x0  }
0x4d: {  	[sflag:s30] =	ssyncadd.s32 $0xFFFFF000  }
0x4e: {  	_ =	swait.ge [sflag:s26], $0x1000  }
0x4f: {  	[sflag:s26] =	ssyncset.done $0x0  }
0x50: {  	[sflag:s26] =	ssyncadd.s32 $0xFFFFF000  }
0x51: {  	_ =	swait.ge [sflag:s28], $0x1000  }
0x52: {  	[sflag:s28] =	ssyncset.done $0x0  }
0x53: {  	[sflag:s28] =	ssyncadd.s32 $0xFFFFF000  }
0x54: {  	_ =	swait.ge [sflag:s29], $0x1000  }
0x55: {  	[sflag:s29] =	ssyncset.done $0x0  }
0x56: {  	[sflag:s29] =	ssyncadd.s32 $0xFFFFF000  }
0x57: {  	_ =	swait.ge [sflag:s30], $0x1000  }
0x58: {  	[sflag:s30] =	ssyncset.done $0x0  }
0x59: {  	[sflag:s30] =	ssyncadd.s32 $0xFFFFF000  }
0x5a: {  	_ =	swait.ge [sflag:s26], $0x1000  }
0x5b: {  	[sflag:s26] =	ssyncset.done $0x0  }
0x5c: {  	s11 =	ssub.s32 $0x2, s1;
	[sflag:s26] =	ssyncadd.s32 $0xFFFFF000  }
0x5d: {  	s1 =	sshrl.u32 s11, $0x1;
	_ =	swait.ge [sflag:s28], $0x1000  }
0x5e: {  	s0 =	ssub.s32 s11, s1;
	[sflag:s28] =	ssyncset.done $0x0  }
0x5f: {  	s0 =	smax.u32 s0, $0x1;
	[sflag:s28] =	ssyncadd.s32 $0xFFFFF000  }
0x60: {  	p0 =	sne.s32 s0, $0x1;
	_ =	swait.ge [sflag:s29], $0x1000  }
.Ltmp0:
0x61: {  	[sflag:s29] =	ssyncset.done $0x0;
	(pc) =	sbr.rel @!p0 .LBB2_2-.Ltmp0, $4  }
0x62: {  	[sflag:s29] =	ssyncadd.s32 $0xFFFFF000  }
0x63: {  	_ =	swait.ge [sflag:s30], $0x1000  }
0x64: {  	s31 =	simm.s32 $0x5;
	[sflag:s30] =	ssyncset.done $0x0  }
0x65: {  	s1 =	sadd.s32 $0xFFFFFFFF, s0;
	s0 =	rddreg [dreg:$0x4];
	[sflag:s30] =	ssyncadd.s32 $0xFFFFF000  }
.LBB2_1:
0x66: {  	[hbm4b:s0+s2] =	stream.linear.scatter [tilespmem:s6], [sflag:$0x5], $0x10000, $0x38;
	[tilespmem:$0x10200] =	vst v63  }
0x67: {  	_ =	swait.ge [sflag:s31], $0x10000  }
0x68: {  	[sflag:s31] =	ssyncset.done $0x0  }
0x69: {  	s9 =	rddreg [dreg:$0x3];
	[sflag:s31] =	ssyncadd.s32 $0xFFFF0000  }
0x6a: {  	[tilespmem:s2], [sflag:$0x6] =	stream.linear.gather [hbm4b:s9+s2], $0x200, $0x38;
	[tilespmem:$0x10200] =	vst v63  }
0x6b: {  	_ =	swait.ge [sflag:s3], $0x200  }
0x6c: {  	s0 =	rddreg [dreg:$0xd]  }
0x6d: {  	s7 =	rddreg [dreg:$0xb]  }
0x6e: {  	s8 =	rddreg [dreg:$0x6];
	[sflag:s3] =	ssyncset.done $0x0  }
0x6f: {  	s9 =	rddreg [dreg:$0x5];
	[sflag:s3] =	ssyncadd.s32 $0xFFFFFE00  }
0x70: {  	[tilespmem:s6], [sflag:$0x1] =	stream.indirect.gather [hbm4b:s4+s5], $0x80, s2, s5, $0xb8;
	[tilespmem:$0x10200] =	vst v63  }
0x71: {  	s10 =	rddreg [dreg:$0x7]  }
0x72: {  	[tilespmem:s9], [sflag:$0x2] =	stream.indirect.gather [hbm4b:s4+s5], $0x80, s5, s5, $0xb8;
	[tilespmem:$0x10200] =	vst v63  }
0x73: {  	s11 =	rddreg [dreg:$0x9]  }
0x74: {  	[tilespmem:s10], [sflag:$0x3] =	stream.indirect.gather [hbm4b:s4+s5], $0x80, s8, s5, $0xb8;
	[tilespmem:$0x10200] =	vst v63  }
0x75: {  	s9 =	rddreg [dreg:$0x8]  }
0x76: {  	[tilespmem:s11], [sflag:$0x4] =	stream.indirect.gather [hbm4b:s4+s5], $0x80, s9, s5, $0xb8;
	[tilespmem:$0x10200] =	vst v63  }
0x77: {  	s10 =	rddreg [dreg:$0xa]  }
0x78: {  	[tilespmem:s7], [sflag:$0x1] =	stream.indirect.gather [hbm4b:s4+s5], $0x80, s10, s5, $0xb8;
	[tilespmem:$0x10200] =	vst v63  }
0x79: {  	s11 =	rddreg [dreg:$0xc]  }
0x7a: {  	[tilespmem:s0], [sflag:$0x2] =	stream.indirect.gather [hbm4b:s4+s5], $0x80, s11, s5, $0xb8;
	[tilespmem:$0x10200] =	vst v63  }
0x7b: {  	s10 =	rddreg [dreg:$0xe];
	s11 =	simm.s32 $0x6200  }
0x7c: {  	[tilespmem:s11], [sflag:$0x3] =	stream.indirect.gather [hbm4b:s4+s5], $0x80, s10, s5, $0xb8;
	[tilespmem:$0x10200] =	vst v63  }
0x7d: {  	s8 =	simm.s32 $0xE0;
	s9 =	simm.s32 $0x7200  }
0x7e: {  	[tilespmem:s9], [sflag:$0x4] =	stream.indirect.gather [hbm4b:s4+s5], $0x80, s8, s5, $0xb8;
	[tilespmem:$0x10200] =	vst v63  }
0x7f: {  	s10 =	simm.s32 $0x100;
	s11 =	simm.s32 $0x8200  }
0x80: {  	[tilespmem:s11], [sflag:$0x1] =	stream.indirect.gather [hbm4b:s4+s5], $0x80, s10, s5, $0xb8;
	[tilespmem:$0x10200] =	vst v63  }
0x81: {  	_ = 	snop  }
0x82: {  	[tilespmem:s13], [sflag:$0x2] =	stream.indirect.gather [hbm4b:s4+s5], $0x80, s12, s5, $0xb8;
	[tilespmem:$0x10200] =	vst v63  }
0x83: {  	_ = 	snop  }
0x84: {  	[tilespmem:s15], [sflag:$0x3] =	stream.indirect.gather [hbm4b:s4+s5], $0x80, s14, s5, $0xb8;
	[tilespmem:$0x10200] =	vst v63  }
0x85: {  	_ = 	snop  }
0x86: {  	[tilespmem:s17], [sflag:$0x4] =	stream.indirect.gather [hbm4b:s4+s5], $0x80, s16, s5, $0xb8;
	[tilespmem:$0x10200] =	vst v63  }
0x87: {  	_ = 	snop  }
0x88: {  	[tilespmem:s19], [sflag:$0x1] =	stream.indirect.gather [hbm4b:s4+s5], $0x80, s18, s5, $0xb8;
	[tilespmem:$0x10200] =	vst v63  }
0x89: {  	_ = 	snop  }
0x8a: {  	[tilespmem:s21], [sflag:$0x2] =	stream.indirect.gather [hbm4b:s4+s5], $0x80, s20, s5, $0xb8;
	[tilespmem:$0x10200] =	vst v63  }
0x8b: {  	_ = 	snop  }
0x8c: {  	[tilespmem:s23], [sflag:$0x3] =	stream.indirect.gather [hbm4b:s4+s5], $0x80, s22, s5, $0xb8;
	[tilespmem:$0x10200] =	vst v63  }
0x8d: {  	_ = 	snop  }
0x8e: {  	[tilespmem:s25], [sflag:$0x4] =	stream.indirect.gather [hbm4b:s4+s5], $0x80, s24, s5, $0xb8;
	[tilespmem:$0x10200] =	vst v63  }
0x8f: {  	_ =	swait.ge [sflag:s26], $0x1000  }
0x90: {  	[sflag:s26] =	ssyncset.done $0x0  }
0x91: {  	[sflag:s26] =	ssyncadd.s32 $0xFFFFF000  }
0x92: {  	_ =	swait.ge [sflag:s28], $0x1000  }
0x93: {  	[sflag:s28] =	ssyncset.done $0x0  }
0x94: {  	[sflag:s28] =	ssyncadd.s32 $0xFFFFF000  }
0x95: {  	_ =	swait.ge [sflag:s29], $0x1000  }
0x96: {  	[sflag:s29] =	ssyncset.done $0x0  }
0x97: {  	[sflag:s29] =	ssyncadd.s32 $0xFFFFF000  }
0x98: {  	_ =	swait.ge [sflag:s30], $0x1000  }
0x99: {  	[sflag:s30] =	ssyncset.done $0x0  }
0x9a: {  	[sflag:s30] =	ssyncadd.s32 $0xFFFFF000  }
0x9b: {  	_ =	swait.ge [sflag:s26], $0x1000  }
0x9c: {  	[sflag:s26] =	ssyncset.done $0x0  }
0x9d: {  	[sflag:s26] =	ssyncadd.s32 $0xFFFFF000  }
0x9e: {  	_ =	swait.ge [sflag:s28], $0x1000  }
0x9f: {  	[sflag:s28] =	ssyncset.done $0x0  }
0xa0: {  	[sflag:s28] =	ssyncadd.s32 $0xFFFFF000  }
0xa1: {  	_ =	swait.ge [sflag:s29], $0x1000  }
0xa2: {  	[sflag:s29] =	ssyncset.done $0x0  }
0xa3: {  	[sflag:s29] =	ssyncadd.s32 $0xFFFFF000  }
0xa4: {  	_ =	swait.ge [sflag:s30], $0x1000  }
0xa5: {  	[sflag:s30] =	ssyncset.done $0x0  }
0xa6: {  	[sflag:s30] =	ssyncadd.s32 $0xFFFFF000  }
0xa7: {  	_ =	swait.ge [sflag:s26], $0x1000  }
0xa8: {  	[sflag:s26] =	ssyncset.done $0x0  }
0xa9: {  	[sflag:s26] =	ssyncadd.s32 $0xFFFFF000  }
0xaa: {  	_ =	swait.ge [sflag:s28], $0x1000  }
0xab: {  	[sflag:s28] =	ssyncset.done $0x0  }
0xac: {  	[sflag:s28] =	ssyncadd.s32 $0xFFFFF000  }
0xad: {  	_ =	swait.ge [sflag:s29], $0x1000  }
0xae: {  	[sflag:s29] =	ssyncset.done $0x0  }
0xaf: {  	[sflag:s29] =	ssyncadd.s32 $0xFFFFF000  }
0xb0: {  	_ =	swait.ge [sflag:s30], $0x1000  }
0xb1: {  	[sflag:s30] =	ssyncset.done $0x0  }
0xb2: {  	[sflag:s30] =	ssyncadd.s32 $0xFFFFF000  }
0xb3: {  	_ =	swait.ge [sflag:s26], $0x1000  }
0xb4: {  	[sflag:s26] =	ssyncset.done $0x0  }
0xb5: {  	[sflag:s26] =	ssyncadd.s32 $0xFFFFF000  }
0xb6: {  	_ =	swait.ge [sflag:s28], $0x1000  }
0xb7: {  	[sflag:s28] =	ssyncset.done $0x0  }
0xb8: {  	[sflag:s28] =	ssyncadd.s32 $0xFFFFF000  }
0xb9: {  	p0 =	sne.s32 s1, $0x1;
	_ =	swait.ge [sflag:s29], $0x1000  }
.Ltmp1:
0xba: {  	[sflag:s29] =	ssyncset.done $0x0;
	(pc) =	sbr.rel @p0 .LBB2_1-.Ltmp1, $4  }
0xbb: {  	[sflag:s29] =	ssyncadd.s32 $0xFFFFF000  }
0xbc: {  	_ =	swait.ge [sflag:s30], $0x1000  }
0xbd: {  	[sflag:s30] =	ssyncset.done $0x0  }
0xbe: {  	s1 =	sadd.s32 $0xFFFFFFFF, s1;
	s0 =	rddreg [dreg:$0x4];
	[sflag:s30] =	ssyncadd.s32 $0xFFFFF000  }
.LBB2_2:
0xbf: {  	[hbm4b:s0+s2] =	stream.linear.scatter [tilespmem:s6], [sflag:$0x5], $0x10000, $0x38;
	[tilespmem:$0x10200] =	vst v63  }
0xc0: {  	_ =	swait.ge [sflag:s31], $0x10000  }
0xc1: {  	[sflag:s31] =	ssyncset.done $0x0  }
0xc2: {  	[sflag:s31] =	ssyncadd.s32 $0xFFFF0000  }
0xc3: {  	_ =	sfence.sel $0x180000  }
0xc4: {  	[bflag:$0x0] =	sbarrier.arrive $0xFFFF  }
0xc5: {  	_ =	strace $0x90000056  }
0xc6: {  	s31 =	stileid.u32;
	[bflag:$0x2] =	sbarrier.arrive $0xFFFF  }
0xc7: {  	p0 =	sne.s32 s31, $0x0;
	s0 =	rddreg [dreg:$0x2]  }
0xc8: {  	s0 =	sadd.s32 @!p0 $0x100000, s0  }
0xc9: {  	[sflag:s0] =	ssyncadd.tile.s32 @!p0 $0x1;
	_ =	shalt  }
.Lfunc_end2:
_tile_overlayer_lowered:
.L_overlay_start_2:
0xca: {  	(tag) =	ssettag $0x2  }
0xcb: {  	s0 =	rddreg [dreg:$0x0];
	s2 =	stileid.u32  }
0xcc: {  	s1 =	rddreg [dreg:$0x1];
	p0 =	sne.s32 s2, $0x0  }
0xcd: {  	s3 =	rddreg [dreg:$0x2];
	[bflag:$0x3] =	sbarrier.arrive $0xFFFF;
	s2 =	simm.s32 @!p0 $0x1C06  }
0xce: {  	[timem:s3], [sflag:s2] =	dma.local @!p0 [hbm:s0], s1  }
0xcf: {  	s0 =	simm.s32 @!p0 $0x6  }
0xd0: {  	_ =	swait.ge @!p0 [sflag:s0], s1  }
0xd1: {  	s1 =	ssub.s32 @!p0 $0x0, s1;
	[sflag:s0] =	ssyncset.done @!p0 $0x0  }
0xd2: {  	[sflag:s0] =	ssyncadd.s32 @!p0 s1  }
0xd3: {  	[bflag:$0x3] =	sbarrier.arrive $0xFFFF  }
0xd4: {  	_ =	shalt  }

// kernel: scatter_offload_async_start
scs
__scs_entry_jumppad:
0x0: {  	(pc) =	sbr.rel $0x88, $3  }
0x1: {  	(tag) =	ssettag $0x0;
	lr =	simm.s32 $0x1  }
0x2: {  	[smem:$0x3F90] =	sst lr;
	_ =	strace $0xD0000000  }
0x3: {  	_ = 	snop  }
0x4: {  	_ = 	snop  }
0x5: {  	_ = 	snop  }
0x6: {  	_ = 	snop  }
0x7: {  	_ = 	snop  }
__scs_overlays_trampoline_lowered:
0x8: {  	[smem:$0x3F9F] =	sst s0  }
0x9: {  	[smem:$0x3FA0] =	sst s1  }
0xa: {  	[smem:$0x3FA1] =	sst s2  }
0xb: {  	[smem:$0x3FA2] =	sst s3  }
0xc: {  	[smem:$0x3FA3] =	sst s4  }
0xd: {  	[smem:$0x3FA4] =	sst s5  }
0xe: {  	[smem:$0x3FA5] =	sst s6  }
0xf: {  	[smem:$0x3FA6] =	sst s7  }
0x10: {  	[smem:$0x3FA7] =	sst s8  }
0x11: {  	[smem:$0x3FA8] =	sst s9;
	s0 =	simm.s32 @!p0 $0x0  }
0x12: {  	s1 =	sld [smem:$0x3F8E];
	s0 =	simm.s32 @p0 $0x1  }
0x13: {  	[smem:$0x3FA9] =	sst s0;
	s0 =	simm.s32 @!p1 $0x0  }
0x14: {  	s2 =	sld [smem:$0x3F8D];
	s0 =	simm.s32 @p1 $0x1  }
0x15: {  	[smem:$0x3FAA] =	sst s0;
	s0 =	simm.s32 @!p2 $0x0  }
0x16: {  	s3 =	sld [smem:$0x3FDB];
	s0 =	simm.s32 @p2 $0x1  }
0x17: {  	s4 =	simm.s32 $0x1BF5;
	[smem:$0x3FAC] =	sst s0  }
0x18: {  	s0 =	sld [smem:$0x3F8F];
	_ =	swait.ge [sflag:s4], $0x0  }
0x19: {  	s7 =	sld [smem:$0x3F90]  }
0x1a: {  	s8 =	sadd.s32 $0xFFFFE003, lr  }
0x1b: {  	s9 =	sadd.s32 $0xFFFFFEF7, lr;
	s5 =	simm.s32 $0xFFFFFFFF;
	p2 =	slt.u32 s8, $0xFFFFF086  }
0x1c: {  	p1 =	slt.u32 s9, $0xF7A;
	s5 =	simm.s32 @!p2 $0x0  }
0x1d: {  	s5 =	simm.s32 @p1 $0x1;
	p0 =	seq.s32 s7, s2  }
0x1e: {  	s7 =	smul.u32 @!p0 $0xF7A, s2;
	p2 =	seq.s32 @!p0 s5, $0x0  }
0x1f: {  	s9 =	smul.u32 $0xF7A, s1;
	s8 =	simm.s32 @!p0 $0x1BF5;
	p2 =	por !p2, p0  }
0x20: {  	[sflag:s8] =	ssyncset.s32 @!p0 $0xFFFFF086;
	s6 =	sadd.s32 @!p0 s3, s7;
	s7 =	simm.s32 @!p0 $0x108  }
0x21: {  	s3 =	sadd.s32 s3, s9;
	s6 =	sadd.s32 @!p0 $0x88, s6;
	s7 =	simm.s32 @p2 $0x1082  }
0x22: {  	[simem:s7], [sflag:s8] =	dma.local @!p0 [hbm:s6], $0xF7A  }
0x23: {  	s9 =	sor.u32 $0xD0000000, s2;
	s6 =	simm.s32 $0x108;
	_ =	swait.ge @!p0 [sflag:s8], $0x0  }
0x24: {  	s3 =	sadd.s32 $0x88, s3;
	s6 =	simm.s32 @!p1 $0x1082;
	[sflag:s4] =	ssyncset.s32 $0xFFFFF086  }
0x25: {  	[simem:s6], [sflag:s4] =	dma.local [hbm:s3], $0xF7A  }
0x26: {  	[smem:$0x3F90] =	sst s1;
	(tag) =	ssettag s2;
	_ =	strace s9  }
0x27: {  	s1 =	sld [smem:$0x3FA0]  }
0x28: {  	s2 =	sld [smem:$0x3FA1]  }
0x29: {  	s4 =	sld [smem:$0x3FA3]  }
0x2a: {  	p0 =	seq.s32 s5, $0x0;
	s5 =	sld [smem:$0x3FA4]  }
0x2b: {  	s6 =	sld [smem:$0x3FA5]  }
0x2c: {  	s7 =	sld [smem:$0x3FA6]  }
0x2d: {  	s3 =	simm.s32 $0x108;
	s8 =	sld [smem:$0x3FA7]  }
0x2e: {  	s3 =	simm.s32 @!p0 $0x1082;
	s9 =	sld [smem:$0x3FA8]  }
0x2f: {  	lr =	sadd.s32 s0, s3;
	s0 =	sld [smem:$0x3F9F]  }
0x30: {  	s3 =	sld [smem:$0x3FA2]  }
0x31: {  	[smem:$0x3FAB] =	sst s10  }
0x32: {  	s10 =	sld [smem:$0x3FA9];
	_ =	sdelay $0x3  }
0x33: {  	p0 =	seq.s32 s10, $0x1;
	s10 =	sld [smem:$0x3FAB];
	_ =	sdelay $0x3  }
0x34: {  	[smem:$0x3FAB] =	sst s10  }
0x35: {  	s10 =	sld [smem:$0x3FAA];
	_ =	sdelay $0x3  }
0x36: {  	p1 =	seq.s32 s10, $0x1;
	s10 =	sld [smem:$0x3FAB];
	_ =	sdelay $0x3  }
0x37: {  	[smem:$0x3FAB] =	sst s10  }
0x38: {  	s10 =	sld [smem:$0x3FAC]  }
0x39: {  	_ = 	snop;
	(pc) =	sbr.ind lr, $3  }
0x3a: {  	_ = 	snop  }
0x3b: {  	_ = 	snop  }
0x3c: {  	p2 =	seq.s32 s10, $0x1;
	s10 =	sld [smem:$0x3FAB]  }
0x3d: {  	_ =	shalt  }
0x3e: {  	_ =	shalt  }
0x3f: {  	_ =	shalt  }
0x40: {  	_ =	shalt  }
0x41: {  	_ =	shalt  }
0x42: {  	_ =	shalt  }
0x43: {  	_ =	shalt  }
0x44: {  	_ =	shalt  }
0x45: {  	_ =	shalt  }
0x46: {  	_ =	shalt  }
0x47: {  	_ =	shalt  }
0x48: {  	_ =	shalt  }
0x49: {  	_ =	shalt  }
0x4a: {  	_ =	shalt  }
0x4b: {  	_ =	shalt  }
0x4c: {  	_ =	shalt  }
0x4d: {  	_ =	shalt  }
0x4e: {  	_ =	shalt  }
0x4f: {  	_ =	shalt  }
0x50: {  	_ =	shalt  }
0x51: {  	_ =	shalt  }
0x52: {  	_ =	shalt  }
0x53: {  	_ =	shalt  }
0x54: {  	_ =	shalt  }
0x55: {  	_ =	shalt  }
0x56: {  	_ =	shalt  }
0x57: {  	_ =	shalt  }
0x58: {  	_ =	shalt  }
0x59: {  	_ =	shalt  }
0x5a: {  	_ =	shalt  }
0x5b: {  	_ =	shalt  }
0x5c: {  	_ =	shalt  }
0x5d: {  	_ =	shalt  }
0x5e: {  	_ =	shalt  }
0x5f: {  	_ =	shalt  }
0x60: {  	_ =	shalt  }
0x61: {  	_ =	shalt  }
0x62: {  	_ =	shalt  }
0x63: {  	_ =	shalt  }
0x64: {  	_ =	shalt  }
0x65: {  	_ =	shalt  }
0x66: {  	_ =	shalt  }
0x67: {  	_ =	shalt  }
0x68: {  	_ =	shalt  }
0x69: {  	_ =	shalt  }
0x6a: {  	_ =	shalt  }
0x6b: {  	_ =	shalt  }
0x6c: {  	_ =	shalt  }
0x6d: {  	_ =	shalt  }
0x6e: {  	_ =	shalt  }
0x6f: {  	_ =	shalt  }
0x70: {  	_ =	shalt  }
0x71: {  	_ =	shalt  }
0x72: {  	_ =	shalt  }
0x73: {  	_ =	shalt  }
0x74: {  	_ =	shalt  }
0x75: {  	_ =	shalt  }
0x76: {  	_ =	shalt  }
0x77: {  	_ =	shalt  }
0x78: {  	_ =	shalt  }
0x79: {  	_ =	shalt  }
0x7a: {  	_ =	shalt  }
0x7b: {  	_ =	shalt  }
0x7c: {  	_ =	shalt  }
0x7d: {  	_ =	shalt  }
0x7e: {  	_ =	shalt  }
0x7f: {  	_ =	shalt  }
0x80: {  	_ =	shalt  }
0x81: {  	_ =	shalt  }
0x82: {  	_ =	shalt  }
0x83: {  	_ =	shalt  }
0x84: {  	_ =	shalt  }
0x85: {  	_ =	shalt  }
0x86: {  	_ =	shalt  }
0x87: {  	_ =	shalt  }
.Lfunc_end0:
.L_simem_size_0:
called_computation_lowered:
.L_overlay_start_0:
0x88: {  	s0 =	sld [smem:$0x3FD9]  }
0x89: {  	s1 =	sld [smem:$0x3FFE];
	_ =	sdelay $0x3  }
0x8a: {  	s0 =	sadd.s32 s1, s0  }
0x8b: {  	[smem:$0x3FB7] =	sst s0  }
0x8c: {  	_ = 	snop  }
0x8d: {  	s0 =	sld [smem:$0x3FD0];
	(tm) =	ssettm $0x1  }
0x8e: {  	s16 =	sld [smem:$0x3FFB];
	_ =	sdelay $0x3  }
0x8f: {  	_ =	strace s16  }
0x90: {  	s1 =	sld [smem:$0x3FFC];
	_ =	sdelay $0x3  }
0x91: {  	_ =	strace s1  }
0x92: {  	s1 =	sld [smem:$0x3FFD];
	_ =	sdelay $0x3  }
0x93: {  	_ =	strace s1  }
0x94: {  	_ =	strace $0x8FFFFFFF  }
0x95: {  	s17 =	sld [smem:$0x3FDB];
	_ =	sdelay $0x1  }
0x96: {  	s2 =	simm.s32 $_scs_section_size  }
0x97: {  	s3 =	simm.s32 $_size__tile_overlayer_lowered;
	s4 =	simm.s32 $_tile_overlayer_lowered  }
0x98: {  	s20 =	simm.s32 $0x1BFF;
	s19 =	sshll.u32 s4, $0x1;
	s1 =	sadd.s32 s2, s17  }
0x99: {  	s5 =	simm.s32 $0x0;
	s18 =	sshll.u32 s3, $0x1;
	s3 =	sadd.s32 s19, s1  }
0x9a: {  	[timem:s5], [sflag:s20] =	dma.local [hbm:s3], s18  }
0x9b: {  	_ =	swait.ge [sflag:s20], s18  }
0x9c: {  	s2 =	ssub.s32 $0x0, s18;
	[sflag:s20] =	ssyncset.done $0x0  }
0x9d: {  	[sflag:s20] =	ssyncadd.s32 s2;
	_ =	sdelay $0x1  }
0x9e: {  	s21 =	simm.s32 $0x1B8B  }
0x9f: {  	_ =	swait.ge [sflag:s21], $0x1  }
0xa0: {  	[sflag:s21] =	ssyncset.done $0x0  }
0xa1: {  	s23 =	simm.s32 $0x1B8E;
	s22 =	sld [smem:$0x3FFE];
	[sflag:s21] =	ssyncadd.s32 $0xFFFFFFFF  }
0xa2: {  	s24 =	simm.s32 $execute0_lowered;
	[smem:$0x3FD2] =	sst s23  }
0xa3: {  	s3 =	sshll.u32 s24, $0x1;
	_ =	strace $0x80000046;
	[dreg:$0x1] =	wrdreg $0xFFFFFFFF  }
0xa4: {  	s25 =	simm.s32 $_size_execute0_lowered;
	s1 =	sadd.s32 s1, s3;
	[dreg:$0x0] =	wrdreg $0x0  }
0xa5: {  	s3 =	sshll.u32 s25, $0x1;
	[dreg:$0x2] =	wrdreg s1  }
0xa6: {  	[dreg:$0x3] =	wrdreg s3  }
0xa7: {  	[dreg:$0x4] =	wrdreg $0xC0  }
0xa8: {  	_ =	task [dreg:s5], $0x5FFFF  }
0xa9: {  	[dreg:$0x1] =	wrdreg $0xFFFFFFFF  }
0xaa: {  	[dreg:$0x0] =	wrdreg $0x60  }
0xab: {  	[dreg:$0x2] =	wrdreg s22  }
0xac: {  	[dreg:$0x3] =	wrdreg s0  }
0xad: {  	[dreg:$0x4] =	wrdreg $0x9  }
0xae: {  	_ =	task.clear_ibuf [dreg:s5], $0x5FFFF;
	_ =	strace $0x90000046  }
0xaf: {  	s26 =	simm.s32 $0x9;
	_ =	strace $0x80000048  }
0xb0: {  	_ =	swait.ge [sflag:s26], $0x1  }
0xb1: {  	[sflag:s26] =	ssyncadd.s32 $0xFFFFFFFF  }
0xb2: {  	_ =	strace $0x90000048  }
0xb3: {  	_ =	sfence  }
0xb4: {  	s28 =	sld [smem:$0x0];
	_ =	sdelay $0x1  }
0xb5: {  	s29 =	srdreg.scid  }
0xb6: {  	s30 =	sshll.u32 s29, $0xD;
	s31 =	sshrl.u32 s29, $0x2  }
0xb7: {  	s2 =	sand.u32 $0x4000, s30;
	s1 =	sand.u32 $0x1, s29;
	s0 =	sadd.s32 s31, s28  }
0xb8: {  	s1 =	sor.u32 s2, s1;
	s0 =	sshll.u32 s0, $0x11  }
0xb9: {  	s0 =	sor.u32 s0, s1  }
0xba: {  	s0 =	sadd.s32 $0x8F2B, s0  }
0xbb: {  	[sflag:s0] =	ssyncadd.remote.s32 $0x1  }
0xbc: {  	_ =	sfence.sel $0xFFFF  }
0xbd: {  	[dreg:$0x0] =	wrdreg $0xFFFFFFFF;
	(pc) =	sbr.abs _section_cstart, $3  }
0xbe: {  	[dreg:$0x1] =	wrdreg $0xFFFFFFFF  }
0xbf: {  	_ =	task.clear_ibuf [dreg:s5], $0x2FFFF;
	_ =	strace $0x9FFFFFFF  }
0xc0: {  	(tm) =	ssettm $0x7FFFFFFF  }
0xc1: {  	_ =	shalt  }
tec
execute0_lowered:
.L_overlay_start_1:
0x0: {  	(tag) =	ssettag $0x1  }
0x1: {  	s2 =	rddreg [dreg:$0x0]  }
0x2: {  	s3 =	rddreg [dreg:$0x1]  }
0x3: {  	s0 =	rddreg [dreg:$0x2];
	_ =	strace $0x80000047;
	s4 =	stileid.u32  }
0x4: {  	s5 =	simm.s32 $0x3E;
	s1 =	sadd.s32 $0x5600, s2;
	p0 =	sne.s32 s4, $0x0  }
0x5: {  	[sflag:s5] =	ssyncpa.u1 $0x0;
	s6 =	simm.s32 @!p0 $0x1C3E;
	s7 =	simm.s32 @!p0 $0x0  }
0x6: {  	[spmem:s7], [sflag:s6] =	dma.local @!p0 [hbm:s1], $0x10  }
0x7: {  	s6 =	simm.s32 @!p0 $0x3E  }
0x8: {  	_ =	swait.ge @!p0 [sflag:s6], $0x10  }
0x9: {  	[sflag:s6] =	ssyncset.done @!p0 $0x0  }
0xa: {  	[sflag:s6] =	ssyncadd.s32 @!p0 $0xFFFFFFF0  }
0xb: {  	s28 =	simm.s32 $0x1;
	s29 =	simm.s32 $0x2;
	[bflag:$0x0] =	sbarrier.arrive $0xFFFF  }
0xc: {  	s2 =	sadd.s32 $0x4400, s2;
	s4 =	sshll.u32 s4, $0x7;
	[sflag:s5] =	ssyncpa.u1 $0x1  }
0xd: {  	s31 =	simm.s32 $0x408;
	s30 =	sadd.s32 s2, s4;
	[sflag:s28] =	ssyncpa.u1 $0x0  }
0xe: {  	s2 =	simm.s32 $0x0;
	(ifvalue) =	ssetifvalue $0x80;
	[sflag:s29] =	ssyncpa.u1 $0x0  }
0xf: {  	[tilespmem:s31], [sflag:$0x2] =	stream.linear.gather [hbm4b:s30+s2], $0x400, $0x38;
	[tilespmem:$0x1008] =	vst v63  }
0x10: {  	s4 =	sadd.s32 s3, s4;
	s3 =	simm.s32 $0xC08  }
0x11: {  	[tilespmem:s3], [sflag:$0x2] =	stream.linear.gather [hbm4b:s4+s2], $0x400, $0x38;
	[tilespmem:$0x1008] =	vst v63  }
0x12: {  	_ =	swait.ge [sflag:s29], $0x800  }
0x13: {  	[sflag:s29] =	ssyncset.done $0x0  }
0x14: {  	[sflag:s29] =	ssyncadd.s32 $0xFFFFF800  }
0x15: {  	v0 =	vld.msk [tilespmem:s31+$0x0 ss:$0x1], $0xffff;
	_ =	sdelay $0x4  }
0x16: {  	v0 =	vmin.u32 v0, $0x80;
	_ =	sdelay $0x3  }
0x17: {  	vm0 =	vmmov $0xffff;
	s5 =	simm.s32 $0x418;
	s4 =	simm.s32 $0x0  }
0x18: {  	[spmem:s2] =	stream.indirect_vreg.scatter.add.s32 [tilespmem:s3], [sflag:$0x1], $0x1, v0, vm0, $0x4038;
	[tilespmem:$0x1008] =	vst v63  }
.LBB2_1:
0x19: {  	v0 =	vld.msk [tilespmem:s5+$0x0 ss:$0x1], $0xffff;
	s4 =	sadd.s32 $0x10, s4  }
0x1a: {  	p1 =	slt.u32 s4, $0x3F0;
	_ =	sdelay $0x4  }
0x1b: {  	v0 =	vmin.u32 v0, $0x80  }
.Ltmp0:
0x1c: {  	(pc) =	sbr.rel @p1 .LBB2_1-.Ltmp0, $3  }
0x1d: {  	_ =	sdelay $0x1  }
0x1e: {  	s5 =	sadd.s32 $0x10, s5;
	s3 =	sadd.s32 $0x10, s3  }
0x1f: {  	[spmem:s2] =	stream.indirect_vreg.scatter.add.s32 [tilespmem:s3], [sflag:$0x1], $0x1, v0, vm0, $0x4038;
	[tilespmem:$0x1008] =	vst v63  }
0x20: {  	s2 =	simm.s32 $0x1  }
0x21: {  	_ =	swait.ge [sflag:s2], $0x400  }
0x22: {  	[sflag:s2] =	ssyncset.done $0x0  }
0x23: {  	[sflag:s2] =	ssyncadd.s32 $0xFFFFFC00  }
0x24: {  	_ =	sfence.sel $0x180000  }
0x25: {  	s3 =	simm.s32 $0x2;
	[bflag:$0x0] =	sbarrier.arrive $0xFFFF  }
0x26: {  	[sflag:s3] =	ssyncpa.u1 $0x1  }
0x27: {  	[sflag:s2] =	ssyncpa.u1 $0x1  }
0x28: {  	_ =	sfence.stream.spmem  }
0x29: {  	s31 =	simm.s32 $0x3D;
	[bflag:$0x0] =	sbarrier.arrive $0xFFFF  }
0x2a: {  	s2 =	simm.s32 @p0 $0x3D;
	[sflag:s31] =	ssyncpa.u1 $0x0  }
0x2b: {  	[sflag:s2] =	ssyncpa.u1 @p0 $0x1  }
0x2c: {  	[bflag:$0x0] =	sbarrier.arrive @p0 $0xFFFF  }
0x2d: {  	_ =	strace @p0 $0x90000047  }
0x2e: {  	s3 =	simm.s32 @!p0 $0x1C3D;
	s2 =	simm.s32 @!p0 $0x0;
	[bflag:$0x2] =	sbarrier.arrive @p0 $0xFFFF  }
0x2f: {  	[hbm:s1], [sflag:s3] =	dma.local @!p0 [spmem:s2], $0x10  }
0x30: {  	s1 =	simm.s32 @!p0 $0x3D  }
0x31: {  	_ =	swait.ge @!p0 [sflag:s1], $0x10  }
0x32: {  	[sflag:s1] =	ssyncset.done @!p0 $0x0  }
0x33: {  	[sflag:s1] =	ssyncadd.s32 @!p0 $0xFFFFFFF0  }
0x34: {  	[sflag:s1] =	ssyncpa.u1 @!p0 $0x1  }
0x35: {  	[bflag:$0x0] =	sbarrier.arrive @!p0 $0xFFFF  }
0x36: {  	_ =	strace @!p0 $0x90000047  }
0x37: {  	s0 =	sadd.s32 @!p0 $0x100000, s0;
	[bflag:$0x2] =	sbarrier.arrive @!p0 $0xFFFF  }
0x38: {  	[sflag:s0] =	ssyncadd.tile.s32 @!p0 $0x1;
	_ =	shalt  }
.Lfunc_end2:
_tile_overlayer_lowered:
.L_overlay_start_2:
0x39: {  	(tag) =	ssettag $0x2  }
0x3a: {  	s0 =	rddreg [dreg:$0x0];
	s2 =	stileid.u32  }
0x3b: {  	s1 =	rddreg [dreg:$0x1];
	p0 =	sne.s32 s2, $0x0  }
0x3c: {  	s3 =	rddreg [dreg:$0x2];
	[bflag:$0x3] =	sbarrier.arrive $0xFFFF;
	s2 =	simm.s32 @!p0 $0x1C01  }
0x3d: {  	[timem:s3], [sflag:s2] =	dma.local @!p0 [hbm:s0], s1  }
0x3e: {  	s0 =	simm.s32 @!p0 $0x1  }
0x3f: {  	_ =	swait.ge @!p0 [sflag:s0], s1  }
0x40: {  	s1 =	ssub.s32 @!p0 $0x0, s1;
	[sflag:s0] =	ssyncset.done @!p0 $0x0  }
0x41: {  	[sflag:s0] =	ssyncadd.s32 @!p0 s1  }
0x42: {  	[bflag:$0x3] =	sbarrier.arrive $0xFFFF  }
0x43: {  	_ =	shalt  }

</sc_bundles>
